<compile_context>
chip_gen: v7x
topology: tpu7x:2x2x1
jax: 0.10.2.dev20260603
libtpu: 0.0.44.dev20260713+nightly
codegen_flags: <defaults>
</compile_context>

<pallas_src>
import functools

import jax
import jax.numpy as jnp
from jax import lax
from jax.experimental import pallas as pl
from jax.experimental.pallas import tpu as pltpu
from jax.experimental.pallas import tpu_sc as plsc

_N_NODES = 10000
_N_EDGES = 320000
_EMBED = 128
_NUM_GRAPHS = 64

_NC = 2
_NS = 16
_EPT = _N_EDGES // (_NC * _NS)
_K = 80
_NCHUNK = _EPT // _K
_N_PAD = 10240
_RPT = _N_PAD // _NS
_ZROWS = 128
_LANES = 16


_CPAD = 128


def _sc_body(node_hbm, edge_hbm, src_hbm, dst_hbm,
             part_hbm,
             acc, sidx0, sidx1, sidx2, didx0, didx1, didx2,
             nbuf0, nbuf1, nbuf2, ebuf,
             gsem0, gsem1, gsem2, sisem0, sisem1, sisem2,
             disem0, disem1, disem2, ssem0, ssem1, ssem2, esem):
    c = lax.axis_index("c")
    s = lax.axis_index("s")
    t = c * _NS + s
    tile_e0 = t * _EPT
    nbufs = (nbuf0, nbuf1, nbuf2)
    sidxs = (sidx0, sidx1, sidx2)
    didxs = (didx0, didx1, didx2)
    gsems = (gsem0, gsem1, gsem2)
    sisems = (sisem0, sisem1, sisem2)
    disems = (disem0, disem1, disem2)
    ssems = (ssem0, ssem1, ssem2)

    def _zero_z(i, carry):
        r = i // (_EMBED // _LANES)
        col = (i % (_EMBED // _LANES)) * _LANES
        nbuf0[r, pl.ds(col, _LANES)] = jnp.zeros((_LANES,), jnp.float32)
        return carry
    lax.fori_loop(0, _K * (_EMBED // _LANES), _zero_z, 0)
    for z in range(_RPT // _K):
        pltpu.sync_copy(nbuf0, acc.at[pl.ds(s * _RPT + z * _K, _K)])

    def _start_sidx(j, b):
        pltpu.async_copy(src_hbm.at[pl.ds(tile_e0 + j * _K, _K)],
                         sidxs[b], sisems[b])

    def _wait_sidx(j, b):
        pltpu.make_async_copy(src_hbm.at[pl.ds(tile_e0 + j * _K, _K)],
                              sidxs[b], sisems[b]).wait()

    def _start_didx(j, b):
        pltpu.async_copy(dst_hbm.at[pl.ds(tile_e0 + j * _K, _K)],
                         didxs[b], disems[b])

    def _wait_didx(j, b):
        pltpu.make_async_copy(dst_hbm.at[pl.ds(tile_e0 + j * _K, _K)],
                              didxs[b], disems[b]).wait()

    def _start_gather(b):
        pltpu.async_copy(node_hbm.at[sidxs[b]], nbufs[b], gsems[b])

    def _wait_gather(b):
        pltpu.make_async_copy(node_hbm.at[sidxs[b]], nbufs[b], gsems[b]).wait()

    def _start_edge(j):
        pltpu.async_copy(edge_hbm.at[pl.ds(tile_e0 + j * _K, _K)], ebuf, esem)

    def _wait_edge(j):
        pltpu.make_async_copy(edge_hbm.at[pl.ds(tile_e0 + j * _K, _K)],
                              ebuf, esem).wait()

    def _drain_scatter(b):
        pltpu.make_async_copy(nbufs[b], acc.at[didxs[b]], ssems[b]).wait()

    _start_sidx(0, 0)
    _start_sidx(1, 1)
    _start_sidx(2, 2)
    _start_didx(0, 0)
    _start_didx(1, 1)
    _wait_sidx(0, 0)
    _start_gather(0)
    _wait_sidx(1, 1)
    _start_gather(1)
    _start_edge(0)

    plsc.subcore_barrier()

    def _maybe(cond, fn):
        if isinstance(cond, bool):
            if cond:
                fn()
        else:
            pl.when(cond)(fn)

    def _step(j, b):
        bm1 = (b + 2) % 3
        _wait_gather(b)
        _wait_didx(j, b)
        _wait_edge(j)

        def _add_row(r, carry):
            for q in range(_EMBED // _LANES):
                col = q * _LANES
                plsc.addupdate(nbufs[b].at[r, pl.ds(col, _LANES)],
                               ebuf[r, pl.ds(col, _LANES)])
            return carry
        lax.fori_loop(0, _K, _add_row, 0)

        _maybe(j + 1 < _NCHUNK, lambda: _start_edge(j + 1))
        _maybe(j >= 1, lambda: _drain_scatter(bm1))

        pltpu.async_copy(nbufs[b], acc.at[didxs[b]], ssems[b], add=True)

        _maybe(j + 3 < _NCHUNK, lambda: _start_sidx(j + 3, b))

        def _prefetch():
            _start_didx(j + 2, bm1)
            _wait_sidx(j + 2, bm1)
            _start_gather(bm1)
        _maybe(j + 2 < _NCHUNK, _prefetch)

    def _tri(ii, carry):
        for u in range(3):
            _step(3 * ii + u, u)
        return carry
    lax.fori_loop(0, _NCHUNK // 3, _tri, 0)
    for j in range(_NCHUNK - _NCHUNK % 3, _NCHUNK):
        _step(j, j % 3)
    _drain_scatter((_NCHUNK - 1) % 3)

    plsc.subcore_barrier()

    pltpu.sync_copy(acc.at[pl.ds(s * _RPT, _RPT)],
                    part_hbm.at[pl.ds(c * _N_PAD + s * _RPT, _RPT)])


@functools.cache
def _get_sc_aggregate():
    return pl.kernel(
        _sc_body,
        out_type=jax.ShapeDtypeStruct((_NC * _N_PAD, _EMBED), jnp.float32),
        mesh=plsc.VectorSubcoreMesh(core_axis_name="c", subcore_axis_name="s"),
        scratch_types=[
            pltpu.VMEM_SHARED((_N_PAD, _EMBED), jnp.float32),
            pltpu.VMEM((_K,), jnp.int32),
            pltpu.VMEM((_K,), jnp.int32),
            pltpu.VMEM((_K,), jnp.int32),
            pltpu.VMEM((_K,), jnp.int32),
            pltpu.VMEM((_K,), jnp.int32),
            pltpu.VMEM((_K,), jnp.int32),
            pltpu.VMEM((_K, _EMBED), jnp.float32),
            pltpu.VMEM((_K, _EMBED), jnp.float32),
            pltpu.VMEM((_K, _EMBED), jnp.float32),
            pltpu.VMEM((_K, _EMBED), jnp.float32),
            pltpu.SemaphoreType.DMA,
            pltpu.SemaphoreType.DMA,
            pltpu.SemaphoreType.DMA,
            pltpu.SemaphoreType.DMA,
            pltpu.SemaphoreType.DMA,
            pltpu.SemaphoreType.DMA,
            pltpu.SemaphoreType.DMA,
            pltpu.SemaphoreType.DMA,
            pltpu.SemaphoreType.DMA,
            pltpu.SemaphoreType.DMA,
            pltpu.SemaphoreType.DMA,
            pltpu.SemaphoreType.DMA,
            pltpu.SemaphoreType.DMA,
        ],
    )


_BLK = 1000
_NBLK = _N_NODES // _BLK
_GROWS = _N_PAD // _EMBED


def _tc_body(p0, p1, nh, gid, gidf, W1, b1, W2, b2, gamma, beta, out, scale_ref):
    @pl.when(pl.program_id(0) == 0)
    def _():
        gf = gidf[...]
        lane = lax.broadcasted_iota(jnp.int32, (1, _EMBED), 1)
        srow = jnp.zeros((1, _EMBED), jnp.float32)
        for g in range(_NUM_GRAPHS):
            cnt = jnp.sum((gf == g).astype(jnp.float32))
            sg = lax.rsqrt(jnp.maximum(cnt, 1.0))
            srow = srow + jnp.where(lane == g, sg, 0.0)
        scale_ref[...] = srow

    agg = p0[...] + p1[...]
    h1 = jnp.maximum(
        jnp.dot(agg, W1[...], preferred_element_type=jnp.float32) + b1[...], 0.0)
    h = jnp.dot(h1, W2[...], preferred_element_type=jnp.float32) + b2[...]
    mu = jnp.mean(h, axis=1, keepdims=True)
    d = h - mu
    var = jnp.mean(d * d, axis=1, keepdims=True)
    h = d * lax.rsqrt(var + 1e-5) * gamma[...] + beta[...]
    giota = lax.broadcasted_iota(jnp.int32, (_BLK, _EMBED), 1)
    onehot = gid[...] == giota
    sc = jnp.sum(jnp.where(onehot, scale_ref[...], 0.0), axis=1, keepdims=True)
    h = jnp.maximum(h * sc, 0.0)
    out[...] = h + nh[...]


def _tc_post(p0, p1, nh, gid, gidf, W1, b1, W2, b2, gamma, beta):
    row = pl.BlockSpec((_BLK, _EMBED), lambda i: (i, 0))
    fixed = lambda shape: pl.BlockSpec(shape, lambda i: (0, 0))
    return pl.pallas_call(
        _tc_body,
        grid=(_NBLK,),
        in_specs=[
            row, row, row,
            pl.BlockSpec((_BLK, 1), lambda i: (i, 0)),
            fixed((_GROWS, _EMBED)),
            fixed((_EMBED, 2 * _EMBED)),
            fixed((1, 2 * _EMBED)),
            fixed((2 * _EMBED, _EMBED)),
            fixed((1, _EMBED)),
            fixed((1, _EMBED)),
            fixed((1, _EMBED)),
        ],
        out_specs=row,
        out_shape=jax.ShapeDtypeStruct((_N_NODES, _EMBED), jnp.float32),
        scratch_shapes=[pltpu.VMEM((1, _EMBED), jnp.float32)],
    )(p0, p1, nh, gid, gidf, W1, b1, W2, b2, gamma, beta)


def kernel(node_hidden, edge_hidden, edge_index, graph_ids, W1, b1, W2, b2, gamma, beta):
    src = edge_index[0].astype(jnp.int32)
    dst = edge_index[1].astype(jnp.int32)
    gids = graph_ids.astype(jnp.int32)
    part = _get_sc_aggregate()(node_hidden, edge_hidden, src, dst)
    p0 = part[:_N_NODES]
    p1 = part[_N_PAD:_N_PAD + _N_NODES]
    gidf = jnp.pad(gids, (0, _N_PAD - _N_NODES),
                   constant_values=_NUM_GRAPHS).reshape(_GROWS, _EMBED)
    return _tc_post(p0, p1, node_hidden,
                    gids.reshape(_N_NODES, 1), gidf,
                    W1, b1.reshape(1, -1), W2, b2.reshape(1, -1),
                    gamma.reshape(1, -1), beta.reshape(1, -1))

# --- scband reference (transcript-rebuilt; emitter-appended) ---
"""Pipeline reference for scband-geo-gnnblock-50972671869207 (READ-ONLY COPY).

The authoritative reference and input builder live on the scoring server;
editing this copy changes nothing except your own understanding.
"""

import jax, jax.numpy as jnp
import numpy as np

N_NODES = 10000
N_EDGES = 320000
EMBED = 128
NUM_GRAPHS = 64

def setup_inputs(seed: int = 0) -> dict:
    key = jax.random.key(seed)
    ks = jax.random.split(key, 12)
    node_hidden = jax.random.normal(ks[0], (N_NODES, EMBED), dtype=jnp.float32)
    edge_hidden = jax.random.normal(ks[1], (N_EDGES, EMBED), dtype=jnp.float32)
    edge_index = jax.random.randint(ks[2], (2, N_EDGES), 0, N_NODES, dtype=jnp.int64)
    graph_ids = jnp.sort(jax.random.randint(ks[3], (N_NODES,), 0, NUM_GRAPHS, dtype=jnp.int64))
    # GIN MLP params: Linear(embed, 2*embed) -> ReLU -> Linear(2*embed, embed)
    W1 = jax.random.normal(ks[4], (EMBED, 2 * EMBED), dtype=jnp.float32) * (1.0 / np.sqrt(EMBED))
    b1 = jnp.zeros((2 * EMBED,), dtype=jnp.float32)
    W2 = jax.random.normal(ks[5], (2 * EMBED, EMBED), dtype=jnp.float32) * (1.0 / np.sqrt(2 * EMBED))
    b2 = jnp.zeros((EMBED,), dtype=jnp.float32)
    # LayerNorm params
    gamma = jnp.ones((EMBED,), dtype=jnp.float32)
    beta = jnp.zeros((EMBED,), dtype=jnp.float32)
    return {"node_hidden": node_hidden, "edge_hidden": edge_hidden,
            "edge_index": edge_index, "graph_ids": graph_ids,
            "W1": W1, "b1": b1, "W2": W2, "b2": b2,
            "gamma": gamma, "beta": beta}

def reference(node_hidden, edge_hidden, edge_index, graph_ids, W1, b1, W2, b2, gamma, beta):
    src = edge_index[0]
    dst = edge_index[1]
    # GIN: message = src node feature + edge feature; sum-aggregate at dst
    msg = jnp.take(node_hidden, src, axis=0) + edge_hidden
    agg = jax.ops.segment_sum(msg, dst, num_segments=N_NODES)
    # GIN MLP
    h = jnp.maximum(agg @ W1 + b1, 0.0) @ W2 + b2
    # LayerNorm
    mu = jnp.mean(h, axis=-1, keepdims=True)
    var = jnp.mean((h - mu) ** 2, axis=-1, keepdims=True)
    h = (h - mu) / jnp.sqrt(var + 1e-5) * gamma + beta
    # graph_normal: scale each node by 1/sqrt(num nodes in its graph)
    counts = jax.ops.segment_sum(jnp.ones((N_NODES,), dtype=jnp.float32), graph_ids, num_segments=NUM_GRAPHS)
    counts = jnp.maximum(counts, 1.0)
    scale = 1.0 / jnp.sqrt(counts)
    h = h * jnp.take(scale, graph_ids, axis=0)[:, None]
    # activation
    h = jnp.maximum(h, 0.0)
    # dropout is identity in inference
    out = h + node_hidden
    return out

if __name__ == "__main__":
    import jax
    _d = setup_inputs()
    print(jax.jit(kernel)(*tuple(_d.values())))

</pallas_src>

<mosaic_0001>
#map = affine_map<(d0, d1) -> (0, 0)>
#map1 = affine_map<(d0, d1) -> (0)>
module attributes {stable_mosaic.version = 14 : i64} {
  func.func @_sc_body(%arg0: i32, %arg1: i32, %arg2: memref<10000x128xf32, #tpu.memory_space<hbm>>, %arg3: memref<320000x128xf32, #tpu.memory_space<hbm>>, %arg4: memref<320000xi32, #tpu.memory_space<hbm>>, %arg5: memref<320000xi32, #tpu.memory_space<hbm>>, %arg6: memref<20480x128xf32, #tpu.memory_space<hbm>>, %arg7: memref<10240x128xf32, #tpu.memory_space<vmem_shared>>, %arg8: memref<80xi32, #tpu.memory_space<vmem>>, %arg9: memref<80xi32, #tpu.memory_space<vmem>>, %arg10: memref<80xi32, #tpu.memory_space<vmem>>, %arg11: memref<80xi32, #tpu.memory_space<vmem>>, %arg12: memref<80xi32, #tpu.memory_space<vmem>>, %arg13: memref<80xi32, #tpu.memory_space<vmem>>, %arg14: memref<80x128xf32, #tpu.memory_space<vmem>>, %arg15: memref<80x128xf32, #tpu.memory_space<vmem>>, %arg16: memref<80x128xf32, #tpu.memory_space<vmem>>, %arg17: memref<80x128xf32, #tpu.memory_space<vmem>>, %arg18: memref<!tpu.dma_semaphore, #tpu.memory_space<semaphore_mem>>, %arg19: memref<!tpu.dma_semaphore, #tpu.memory_space<semaphore_mem>>, %arg20: memref<!tpu.dma_semaphore, #tpu.memory_space<semaphore_mem>>, %arg21: memref<!tpu.dma_semaphore, #tpu.memory_space<semaphore_mem>>, %arg22: memref<!tpu.dma_semaphore, #tpu.memory_space<semaphore_mem>>, %arg23: memref<!tpu.dma_semaphore, #tpu.memory_space<semaphore_mem>>, %arg24: memref<!tpu.dma_semaphore, #tpu.memory_space<semaphore_mem>>, %arg25: memref<!tpu.dma_semaphore, #tpu.memory_space<semaphore_mem>>, %arg26: memref<!tpu.dma_semaphore, #tpu.memory_space<semaphore_mem>>, %arg27: memref<!tpu.dma_semaphore, #tpu.memory_space<semaphore_mem>>, %arg28: memref<!tpu.dma_semaphore, #tpu.memory_space<semaphore_mem>>, %arg29: memref<!tpu.dma_semaphore, #tpu.memory_space<semaphore_mem>>, %arg30: memref<!tpu.dma_semaphore, #tpu.memory_space<semaphore_mem>>) attributes {dimension_semantics = [#tpu.dimension_semantics<core_parallel>, #tpu.dimension_semantics<subcore_parallel>], iteration_bounds = array<i64: 2, 16>, scalar_prefetch = 0 : i64, scratch_operands = 24 : i64, tpu.core_type = #tpu.core_type<sc_vector_subcore>, window_params = [{transform_indices = #map}, {transform_indices = #map}, {transform_indices = #map1}, {transform_indices = #map1}, {transform_indices = #map}]} {
    %mul3A = arith.constant 16 : i32
    %mul3A_0 = arith.muli %arg0, %mul3A : i32
    %add3A = arith.addi %mul3A_0, %arg1 : i32
    %mul3A_1 = arith.constant 10000 : i32
    %mul3A_2 = arith.muli %add3A, %mul3A_1 : i32
    %scan3A = arith.constant 0 : i32
    %scan3A_3 = arith.constant 0 : i32
    %scan3A_4 = arith.constant 640 : i32
    %scan3A_5 = arith.addi %scan3A_3, %scan3A_4 : i32
    %scan3A_6 = arith.constant 1 : i32
    scf.for %scan3A_151 = %scan3A_3 to %scan3A_5 step %scan3A_6  : i32 {
      %jit3A = arith.constant 8 : i32
      %div3A = arith.divsi %scan3A_151, %jit3A : i32
      %sign3A = arith.constant 0 : i32
      %sign3A_152 = arith.cmpi sgt, %scan3A_151, %sign3A : i32
      %sign3A_153 = arith.extui %sign3A_152 : i1 to i32
      %sign3A_154 = arith.constant 0 : i32
      %sign3A_155 = arith.cmpi slt, %scan3A_151, %sign3A_154 : i32
      %sign3A_156 = arith.extui %sign3A_155 : i1 to i32
      %sign3A_157 = arith.subi %sign3A_153, %sign3A_156 : i32
      %sign3A_158 = arith.constant 0 : i32
      %sign3A_159 = arith.cmpi sgt, %jit3A, %sign3A_158 : i32
      %sign3A_160 = arith.extui %sign3A_159 : i1 to i32
      %sign3A_161 = arith.constant 0 : i32
      %sign3A_162 = arith.cmpi slt, %jit3A, %sign3A_161 : i32
      %sign3A_163 = arith.extui %sign3A_162 : i1 to i32
      %sign3A_164 = arith.subi %sign3A_160, %sign3A_163 : i32
      %ne3A = arith.cmpi ne, %sign3A_157, %sign3A_164 : i32
      %rem3A = arith.remsi %scan3A_151, %jit3A : i32
      %ne3A_165 = arith.constant 0 : i32
      %ne3A_166 = arith.cmpi ne, %rem3A, %ne3A_165 : i32
      %and3A = arith.andi %ne3A, %ne3A_166 : i1
      %sub3A = arith.constant 1 : i32
      %sub3A_167 = arith.subi %div3A, %sub3A : i32
      %select_n3A = arith.select %and3A, %sub3A_167, %div3A : i32
      %jit3A_168 = arith.constant 8 : i32
      %eq3A = arith.constant 0 : i32
      %eq3A_169 = arith.cmpi eq, %jit3A_168, %eq3A : i32
      %jit3A_170 = arith.constant 1 : i32
      %select_n3A_171 = arith.select %eq3A_169, %jit3A_170, %jit3A_168 : i32
      %rem3A_172 = arith.remsi %scan3A_151, %select_n3A_171 : i32
      %ne3A_173 = arith.constant 0 : i32
      %ne3A_174 = arith.cmpi ne, %rem3A_172, %ne3A_173 : i32
      %lt3A = arith.constant 0 : i32
      %lt3A_175 = arith.cmpi slt, %rem3A_172, %lt3A : i32
      %lt3A_176 = arith.constant 0 : i32
      %lt3A_177 = arith.cmpi slt, %select_n3A_171, %lt3A_176 : i32
      %ne3A_178 = arith.xori %lt3A_175, %lt3A_177 : i1
      %and3A_179 = arith.andi %ne3A_178, %ne3A_174 : i1
      %add3A_180 = arith.addi %rem3A_172, %select_n3A_171 : i32
      %select_n3A_181 = arith.select %and3A_179, %add3A_180, %rem3A_172 : i32
      %mul3A_182 = arith.constant 16 : i32
      %mul3A_183 = arith.muli %select_n3A_181, %mul3A_182 : i32
      %broadcast_in_dim3A = arith.constant 0.000000e+00 : f32
      %broadcast_in_dim3A_184 = vector.broadcast %broadcast_in_dim3A : f32 to vector<16xf32>
      %swap3A = arith.index_cast %select_n3A : i32 to index
      %swap3A_185 = arith.index_cast %mul3A_183 : i32 to index
      %swap3A_186 = tpu.vector_load %arg14[%swap3A, %swap3A_185] {strides = array<i32>} : memref<80x128xf32, #tpu.memory_space<vmem>>, vector<1x16xf32>,
      %swap3A_187 = vector.shape_cast %swap3A_186 : vector<1x16xf32> to vector<16xf32>
      %swap3A_188 = vector.shape_cast %broadcast_in_dim3A_184 : vector<16xf32> to vector<1x16xf32>
      tpu.vector_store %arg14[%swap3A, %swap3A_185], %swap3A_188 {strides = array<i32>} : memref<80x128xf32, #tpu.memory_space<vmem>>, vector<1x16xf32>,
    }
    %scan3A_7 = arith.constant 640 : i32
    %mul3A_8 = arith.constant 640 : i32
    %mul3A_9 = arith.muli %arg1, %mul3A_8 : i32
    %add3A_10 = arith.constant 0 : i32
    %add3A_11 = arith.addi %mul3A_9, %add3A_10 : i32
    "tpu.region"() ({
      %run_scoped3A = tpu.sem_alloc : memref<!tpu.dma_semaphore, #tpu.memory_space<semaphore_mem>>
      %dma_start3A_151 = arith.constant 0 : i32
      %dma_start3A_152 = tpu.memref_slice %arg7[%add3A_11, %dma_start3A_151] : memref<10240x128xf32, #tpu.memory_space<vmem_shared>> -> memref<80x128xf32, #tpu.memory_space<vmem_shared>>
      %dma_start3A_153 = arith.constant 0 : i32
      %dma_start3A_154 = tpu.memref_slice %arg7[%add3A_11, %dma_start3A_153] : memref<10240x128xf32, #tpu.memory_space<vmem_shared>> -> memref<80x128xf32, #tpu.memory_space<vmem_shared>>
      tpu.enqueue_dma source(%arg14 : memref<80x128xf32, #tpu.memory_space<vmem>>) target(%dma_start3A_154 : memref<80x128xf32, #tpu.memory_space<vmem_shared>>) target_semaphore(%run_scoped3A : memref<!tpu.dma_semaphore, #tpu.memory_space<semaphore_mem>>)
      %dma_wait3A_155 = arith.constant 0 : i32
      %dma_wait3A_156 = tpu.memref_slice %arg7[%add3A_11, %dma_wait3A_155] : memref<10240x128xf32, #tpu.memory_space<vmem_shared>> -> memref<80x128xf32, #tpu.memory_space<vmem_shared>>
      %dma_wait3A_157 = arith.constant 0 : i32
      %dma_wait3A_158 = tpu.memref_slice %arg7[%add3A_11, %dma_wait3A_157] : memref<10240x128xf32, #tpu.memory_space<vmem_shared>> -> memref<80x128xf32, #tpu.memory_space<vmem_shared>>
      tpu.wait_dma2 semaphore(%run_scoped3A : memref<!tpu.dma_semaphore, #tpu.memory_space<semaphore_mem>>) src(%arg14 : memref<80x128xf32, #tpu.memory_space<vmem>>) dst(%dma_wait3A_158 : memref<80x128xf32, #tpu.memory_space<vmem_shared>>)
      tpu.yield
    }) : () -> ()
    %mul3A_12 = arith.constant 640 : i32
    %mul3A_13 = arith.muli %arg1, %mul3A_12 : i32
    %add3A_14 = arith.constant 80 : i32
    %add3A_15 = arith.addi %mul3A_13, %add3A_14 : i32
    "tpu.region"() ({
      %run_scoped3A = tpu.sem_alloc : memref<!tpu.dma_semaphore, #tpu.memory_space<semaphore_mem>>
      %dma_start3A_151 = arith.constant 0 : i32
      %dma_start3A_152 = tpu.memref_slice %arg7[%add3A_15, %dma_start3A_151] : memref<10240x128xf32, #tpu.memory_space<vmem_shared>> -> memref<80x128xf32, #tpu.memory_space<vmem_shared>>
      %dma_start3A_153 = arith.constant 0 : i32
      %dma_start3A_154 = tpu.memref_slice %arg7[%add3A_15, %dma_start3A_153] : memref<10240x128xf32, #tpu.memory_space<vmem_shared>> -> memref<80x128xf32, #tpu.memory_space<vmem_shared>>
      tpu.enqueue_dma source(%arg14 : memref<80x128xf32, #tpu.memory_space<vmem>>) target(%dma_start3A_154 : memref<80x128xf32, #tpu.memory_space<vmem_shared>>) target_semaphore(%run_scoped3A : memref<!tpu.dma_semaphore, #tpu.memory_space<semaphore_mem>>)
      %dma_wait3A_155 = arith.constant 0 : i32
      %dma_wait3A_156 = tpu.memref_slice %arg7[%add3A_15, %dma_wait3A_155] : memref<10240x128xf32, #tpu.memory_space<vmem_shared>> -> memref<80x128xf32, #tpu.memory_space<vmem_shared>>
      %dma_wait3A_157 = arith.constant 0 : i32
      %dma_wait3A_158 = tpu.memref_slice %arg7[%add3A_15, %dma_wait3A_157] : memref<10240x128xf32, #tpu.memory_space<vmem_shared>> -> memref<80x128xf32, #tpu.memory_space<vmem_shared>>
      tpu.wait_dma2 semaphore(%run_scoped3A : memref<!tpu.dma_semaphore, #tpu.memory_space<semaphore_mem>>) src(%arg14 : memref<80x128xf32, #tpu.memory_space<vmem>>) dst(%dma_wait3A_158 : memref<80x128xf32, #tpu.memory_space<vmem_shared>>)
      tpu.yield
    }) : () -> ()
    %mul3A_16 = arith.constant 640 : i32
    %mul3A_17 = arith.muli %arg1, %mul3A_16 : i32
    %add3A_18 = arith.constant 160 : i32
    %add3A_19 = arith.addi %mul3A_17, %add3A_18 : i32
    "tpu.region"() ({
      %run_scoped3A = tpu.sem_alloc : memref<!tpu.dma_semaphore, #tpu.memory_space<semaphore_mem>>
      %dma_start3A_151 = arith.constant 0 : i32
      %dma_start3A_152 = tpu.memref_slice %arg7[%add3A_19, %dma_start3A_151] : memref<10240x128xf32, #tpu.memory_space<vmem_shared>> -> memref<80x128xf32, #tpu.memory_space<vmem_shared>>
      %dma_start3A_153 = arith.constant 0 : i32
      %dma_start3A_154 = tpu.memref_slice %arg7[%add3A_19, %dma_start3A_153] : memref<10240x128xf32, #tpu.memory_space<vmem_shared>> -> memref<80x128xf32, #tpu.memory_space<vmem_shared>>
      tpu.enqueue_dma source(%arg14 : memref<80x128xf32, #tpu.memory_space<vmem>>) target(%dma_start3A_154 : memref<80x128xf32, #tpu.memory_space<vmem_shared>>) target_semaphore(%run_scoped3A : memref<!tpu.dma_semaphore, #tpu.memory_space<semaphore_mem>>)
      %dma_wait3A_155 = arith.constant 0 : i32
      %dma_wait3A_156 = tpu.memref_slice %arg7[%add3A_19, %dma_wait3A_155] : memref<10240x128xf32, #tpu.memory_space<vmem_shared>> -> memref<80x128xf32, #tpu.memory_space<vmem_shared>>
      %dma_wait3A_157 = arith.constant 0 : i32
      %dma_wait3A_158 = tpu.memref_slice %arg7[%add3A_19, %dma_wait3A_157] : memref<10240x128xf32, #tpu.memory_space<vmem_shared>> -> memref<80x128xf32, #tpu.memory_space<vmem_shared>>
      tpu.wait_dma2 semaphore(%run_scoped3A : memref<!tpu.dma_semaphore, #tpu.memory_space<semaphore_mem>>) src(%arg14 : memref<80x128xf32, #tpu.memory_space<vmem>>) dst(%dma_wait3A_158 : memref<80x128xf32, #tpu.memory_space<vmem_shared>>)
      tpu.yield
    }) : () -> ()
    %mul3A_20 = arith.constant 640 : i32
    %mul3A_21 = arith.muli %arg1, %mul3A_20 : i32
    %add3A_22 = arith.constant 240 : i32
    %add3A_23 = arith.addi %mul3A_21, %add3A_22 : i32
    "tpu.region"() ({
      %run_scoped3A = tpu.sem_alloc : memref<!tpu.dma_semaphore, #tpu.memory_space<semaphore_mem>>
      %dma_start3A_151 = arith.constant 0 : i32
      %dma_start3A_152 = tpu.memref_slice %arg7[%add3A_23, %dma_start3A_151] : memref<10240x128xf32, #tpu.memory_space<vmem_shared>> -> memref<80x128xf32, #tpu.memory_space<vmem_shared>>
      %dma_start3A_153 = arith.constant 0 : i32
      %dma_start3A_154 = tpu.memref_slice %arg7[%add3A_23, %dma_start3A_153] : memref<10240x128xf32, #tpu.memory_space<vmem_shared>> -> memref<80x128xf32, #tpu.memory_space<vmem_shared>>
      tpu.enqueue_dma source(%arg14 : memref<80x128xf32, #tpu.memory_space<vmem>>) target(%dma_start3A_154 : memref<80x128xf32, #tpu.memory_space<vmem_shared>>) target_semaphore(%run_scoped3A : memref<!tpu.dma_semaphore, #tpu.memory_space<semaphore_mem>>)
      %dma_wait3A_155 = arith.constant 0 : i32
      %dma_wait3A_156 = tpu.memref_slice %arg7[%add3A_23, %dma_wait3A_155] : memref<10240x128xf32, #tpu.memory_space<vmem_shared>> -> memref<80x128xf32, #tpu.memory_space<vmem_shared>>
      %dma_wait3A_157 = arith.constant 0 : i32
      %dma_wait3A_158 = tpu.memref_slice %arg7[%add3A_23, %dma_wait3A_157] : memref<10240x128xf32, #tpu.memory_space<vmem_shared>> -> memref<80x128xf32, #tpu.memory_space<vmem_shared>>
      tpu.wait_dma2 semaphore(%run_scoped3A : memref<!tpu.dma_semaphore, #tpu.memory_space<semaphore_mem>>) src(%arg14 : memref<80x128xf32, #tpu.memory_space<vmem>>) dst(%dma_wait3A_158 : memref<80x128xf32, #tpu.memory_space<vmem_shared>>)
      tpu.yield
    }) : () -> ()
    %mul3A_24 = arith.constant 640 : i32
    %mul3A_25 = arith.muli %arg1, %mul3A_24 : i32
    %add3A_26 = arith.constant 320 : i32
    %add3A_27 = arith.addi %mul3A_25, %add3A_26 : i32
    "tpu.region"() ({
      %run_scoped3A = tpu.sem_alloc : memref<!tpu.dma_semaphore, #tpu.memory_space<semaphore_mem>>
      %dma_start3A_151 = arith.constant 0 : i32
      %dma_start3A_152 = tpu.memref_slice %arg7[%add3A_27, %dma_start3A_151] : memref<10240x128xf32, #tpu.memory_space<vmem_shared>> -> memref<80x128xf32, #tpu.memory_space<vmem_shared>>
      %dma_start3A_153 = arith.constant 0 : i32
      %dma_start3A_154 = tpu.memref_slice %arg7[%add3A_27, %dma_start3A_153] : memref<10240x128xf32, #tpu.memory_space<vmem_shared>> -> memref<80x128xf32, #tpu.memory_space<vmem_shared>>
      tpu.enqueue_dma source(%arg14 : memref<80x128xf32, #tpu.memory_space<vmem>>) target(%dma_start3A_154 : memref<80x128xf32, #tpu.memory_space<vmem_shared>>) target_semaphore(%run_scoped3A : memref<!tpu.dma_semaphore, #tpu.memory_space<semaphore_mem>>)
      %dma_wait3A_155 = arith.constant 0 : i32
      %dma_wait3A_156 = tpu.memref_slice %arg7[%add3A_27, %dma_wait3A_155] : memref<10240x128xf32, #tpu.memory_space<vmem_shared>> -> memref<80x128xf32, #tpu.memory_space<vmem_shared>>
      %dma_wait3A_157 = arith.constant 0 : i32
      %dma_wait3A_158 = tpu.memref_slice %arg7[%add3A_27, %dma_wait3A_157] : memref<10240x128xf32, #tpu.memory_space<vmem_shared>> -> memref<80x128xf32, #tpu.memory_space<vmem_shared>>
      tpu.wait_dma2 semaphore(%run_scoped3A : memref<!tpu.dma_semaphore, #tpu.memory_space<semaphore_mem>>) src(%arg14 : memref<80x128xf32, #tpu.memory_space<vmem>>) dst(%dma_wait3A_158 : memref<80x128xf32, #tpu.memory_space<vmem_shared>>)
      tpu.yield
    }) : () -> ()
    %mul3A_28 = arith.constant 640 : i32
    %mul3A_29 = arith.muli %arg1, %mul3A_28 : i32
    %add3A_30 = arith.constant 400 : i32
    %add3A_31 = arith.addi %mul3A_29, %add3A_30 : i32
    "tpu.region"() ({
      %run_scoped3A = tpu.sem_alloc : memref<!tpu.dma_semaphore, #tpu.memory_space<semaphore_mem>>
      %dma_start3A_151 = arith.constant 0 : i32
      %dma_start3A_152 = tpu.memref_slice %arg7[%add3A_31, %dma_start3A_151] : memref<10240x128xf32, #tpu.memory_space<vmem_shared>> -> memref<80x128xf32, #tpu.memory_space<vmem_shared>>
      %dma_start3A_153 = arith.constant 0 : i32
      %dma_start3A_154 = tpu.memref_slice %arg7[%add3A_31, %dma_start3A_153] : memref<10240x128xf32, #tpu.memory_space<vmem_shared>> -> memref<80x128xf32, #tpu.memory_space<vmem_shared>>
      tpu.enqueue_dma source(%arg14 : memref<80x128xf32, #tpu.memory_space<vmem>>) target(%dma_start3A_154 : memref<80x128xf32, #tpu.memory_space<vmem_shared>>) target_semaphore(%run_scoped3A : memref<!tpu.dma_semaphore, #tpu.memory_space<semaphore_mem>>)
      %dma_wait3A_155 = arith.constant 0 : i32
      %dma_wait3A_156 = tpu.memref_slice %arg7[%add3A_31, %dma_wait3A_155] : memref<10240x128xf32, #tpu.memory_space<vmem_shared>> -> memref<80x128xf32, #tpu.memory_space<vmem_shared>>
      %dma_wait3A_157 = arith.constant 0 : i32
      %dma_wait3A_158 = tpu.memref_slice %arg7[%add3A_31, %dma_wait3A_157] : memref<10240x128xf32, #tpu.memory_space<vmem_shared>> -> memref<80x128xf32, #tpu.memory_space<vmem_shared>>
      tpu.wait_dma2 semaphore(%run_scoped3A : memref<!tpu.dma_semaphore, #tpu.memory_space<semaphore_mem>>) src(%arg14 : memref<80x128xf32, #tpu.memory_space<vmem>>) dst(%dma_wait3A_158 : memref<80x128xf32, #tpu.memory_space<vmem_shared>>)
      tpu.yield
    }) : () -> ()
    %mul3A_32 = arith.constant 640 : i32
    %mul3A_33 = arith.muli %arg1, %mul3A_32 : i32
    %add3A_34 = arith.constant 480 : i32
    %add3A_35 = arith.addi %mul3A_33, %add3A_34 : i32
    "tpu.region"() ({
      %run_scoped3A = tpu.sem_alloc : memref<!tpu.dma_semaphore, #tpu.memory_space<semaphore_mem>>
      %dma_start3A_151 = arith.constant 0 : i32
      %dma_start3A_152 = tpu.memref_slice %arg7[%add3A_35, %dma_start3A_151] : memref<10240x128xf32, #tpu.memory_space<vmem_shared>> -> memref<80x128xf32, #tpu.memory_space<vmem_shared>>
      %dma_start3A_153 = arith.constant 0 : i32
      %dma_start3A_154 = tpu.memref_slice %arg7[%add3A_35, %dma_start3A_153] : memref<10240x128xf32, #tpu.memory_space<vmem_shared>> -> memref<80x128xf32, #tpu.memory_space<vmem_shared>>
      tpu.enqueue_dma source(%arg14 : memref<80x128xf32, #tpu.memory_space<vmem>>) target(%dma_start3A_154 : memref<80x128xf32, #tpu.memory_space<vmem_shared>>) target_semaphore(%run_scoped3A : memref<!tpu.dma_semaphore, #tpu.memory_space<semaphore_mem>>)
      %dma_wait3A_155 = arith.constant 0 : i32
      %dma_wait3A_156 = tpu.memref_slice %arg7[%add3A_35, %dma_wait3A_155] : memref<10240x128xf32, #tpu.memory_space<vmem_shared>> -> memref<80x128xf32, #tpu.memory_space<vmem_shared>>
      %dma_wait3A_157 = arith.constant 0 : i32
      %dma_wait3A_158 = tpu.memref_slice %arg7[%add3A_35, %dma_wait3A_157] : memref<10240x128xf32, #tpu.memory_space<vmem_shared>> -> memref<80x128xf32, #tpu.memory_space<vmem_shared>>
      tpu.wait_dma2 semaphore(%run_scoped3A : memref<!tpu.dma_semaphore, #tpu.memory_space<semaphore_mem>>) src(%arg14 : memref<80x128xf32, #tpu.memory_space<vmem>>) dst(%dma_wait3A_158 : memref<80x128xf32, #tpu.memory_space<vmem_shared>>)
      tpu.yield
    }) : () -> ()
    %mul3A_36 = arith.constant 640 : i32
    %mul3A_37 = arith.muli %arg1, %mul3A_36 : i32
    %add3A_38 = arith.constant 560 : i32
    %add3A_39 = arith.addi %mul3A_37, %add3A_38 : i32
    "tpu.region"() ({
      %run_scoped3A = tpu.sem_alloc : memref<!tpu.dma_semaphore, #tpu.memory_space<semaphore_mem>>
      %dma_start3A_151 = arith.constant 0 : i32
      %dma_start3A_152 = tpu.memref_slice %arg7[%add3A_39, %dma_start3A_151] : memref<10240x128xf32, #tpu.memory_space<vmem_shared>> -> memref<80x128xf32, #tpu.memory_space<vmem_shared>>
      %dma_start3A_153 = arith.constant 0 : i32
      %dma_start3A_154 = tpu.memref_slice %arg7[%add3A_39, %dma_start3A_153] : memref<10240x128xf32, #tpu.memory_space<vmem_shared>> -> memref<80x128xf32, #tpu.memory_space<vmem_shared>>
      tpu.enqueue_dma source(%arg14 : memref<80x128xf32, #tpu.memory_space<vmem>>) target(%dma_start3A_154 : memref<80x128xf32, #tpu.memory_space<vmem_shared>>) target_semaphore(%run_scoped3A : memref<!tpu.dma_semaphore, #tpu.memory_space<semaphore_mem>>)
      %dma_wait3A_155 = arith.constant 0 : i32
      %dma_wait3A_156 = tpu.memref_slice %arg7[%add3A_39, %dma_wait3A_155] : memref<10240x128xf32, #tpu.memory_space<vmem_shared>> -> memref<80x128xf32, #tpu.memory_space<vmem_shared>>
      %dma_wait3A_157 = arith.constant 0 : i32
      %dma_wait3A_158 = tpu.memref_slice %arg7[%add3A_39, %dma_wait3A_157] : memref<10240x128xf32, #tpu.memory_space<vmem_shared>> -> memref<80x128xf32, #tpu.memory_space<vmem_shared>>
      tpu.wait_dma2 semaphore(%run_scoped3A : memref<!tpu.dma_semaphore, #tpu.memory_space<semaphore_mem>>) src(%arg14 : memref<80x128xf32, #tpu.memory_space<vmem>>) dst(%dma_wait3A_158 : memref<80x128xf32, #tpu.memory_space<vmem_shared>>)
      tpu.yield
    }) : () -> ()
    %add3A_40 = arith.constant 0 : i32
    %add3A_41 = arith.addi %mul3A_2, %add3A_40 : i32
    %dma_start3A = tpu.memref_slice %arg4[%add3A_41] : memref<320000xi32, #tpu.memory_space<hbm>> -> memref<80xi32, #tpu.memory_space<hbm>>
    %dma_start3A_42 = tpu.memref_slice %arg4[%add3A_41] : memref<320000xi32, #tpu.memory_space<hbm>> -> memref<80xi32, #tpu.memory_space<hbm>>
    tpu.enqueue_dma source(%dma_start3A_42 : memref<80xi32, #tpu.memory_space<hbm>>) target(%arg8 : memref<80xi32, #tpu.memory_space<vmem>>) target_semaphore(%arg21 : memref<!tpu.dma_semaphore, #tpu.memory_space<semaphore_mem>>)
    %add3A_43 = arith.constant 80 : i32
    %add3A_44 = arith.addi %mul3A_2, %add3A_43 : i32
    %dma_start3A_45 = tpu.memref_slice %arg4[%add3A_44] : memref<320000xi32, #tpu.memory_space<hbm>> -> memref<80xi32, #tpu.memory_space<hbm>>
    %dma_start3A_46 = tpu.memref_slice %arg4[%add3A_44] : memref<320000xi32, #tpu.memory_space<hbm>> -> memref<80xi32, #tpu.memory_space<hbm>>
    tpu.enqueue_dma source(%dma_start3A_46 : memref<80xi32, #tpu.memory_space<hbm>>) target(%arg9 : memref<80xi32, #tpu.memory_space<vmem>>) target_semaphore(%arg22 : memref<!tpu.dma_semaphore, #tpu.memory_space<semaphore_mem>>)
    %add3A_47 = arith.constant 160 : i32
    %add3A_48 = arith.addi %mul3A_2, %add3A_47 : i32
    %dma_start3A_49 = tpu.memref_slice %arg4[%add3A_48] : memref<320000xi32, #tpu.memory_space<hbm>> -> memref<80xi32, #tpu.memory_space<hbm>>
    %dma_start3A_50 = tpu.memref_slice %arg4[%add3A_48] : memref<320000xi32, #tpu.memory_space<hbm>> -> memref<80xi32, #tpu.memory_space<hbm>>
    tpu.enqueue_dma source(%dma_start3A_50 : memref<80xi32, #tpu.memory_space<hbm>>) target(%arg10 : memref<80xi32, #tpu.memory_space<vmem>>) target_semaphore(%arg23 : memref<!tpu.dma_semaphore, #tpu.memory_space<semaphore_mem>>)
    %add3A_51 = arith.constant 0 : i32
    %add3A_52 = arith.addi %mul3A_2, %add3A_51 : i32
    %dma_start3A_53 = tpu.memref_slice %arg5[%add3A_52] : memref<320000xi32, #tpu.memory_space<hbm>> -> memref<80xi32, #tpu.memory_space<hbm>>
    %dma_start3A_54 = tpu.memref_slice %arg5[%add3A_52] : memref<320000xi32, #tpu.memory_space<hbm>> -> memref<80xi32, #tpu.memory_space<hbm>>
    tpu.enqueue_dma source(%dma_start3A_54 : memref<80xi32, #tpu.memory_space<hbm>>) target(%arg11 : memref<80xi32, #tpu.memory_space<vmem>>) target_semaphore(%arg24 : memref<!tpu.dma_semaphore, #tpu.memory_space<semaphore_mem>>)
    %add3A_55 = arith.constant 80 : i32
    %add3A_56 = arith.addi %mul3A_2, %add3A_55 : i32
    %dma_start3A_57 = tpu.memref_slice %arg5[%add3A_56] : memref<320000xi32, #tpu.memory_space<hbm>> -> memref<80xi32, #tpu.memory_space<hbm>>
    %dma_start3A_58 = tpu.memref_slice %arg5[%add3A_56] : memref<320000xi32, #tpu.memory_space<hbm>> -> memref<80xi32, #tpu.memory_space<hbm>>
    tpu.enqueue_dma source(%dma_start3A_58 : memref<80xi32, #tpu.memory_space<hbm>>) target(%arg12 : memref<80xi32, #tpu.memory_space<vmem>>) target_semaphore(%arg25 : memref<!tpu.dma_semaphore, #tpu.memory_space<semaphore_mem>>)
    %add3A_59 = arith.constant 0 : i32
    %add3A_60 = arith.addi %mul3A_2, %add3A_59 : i32
    %dma_wait3A = tpu.memref_slice %arg4[%add3A_60] : memref<320000xi32, #tpu.memory_space<hbm>> -> memref<80xi32, #tpu.memory_space<hbm>>
    %dma_wait3A_61 = tpu.memref_slice %arg4[%add3A_60] : memref<320000xi32, #tpu.memory_space<hbm>> -> memref<80xi32, #tpu.memory_space<hbm>>
    tpu.wait_dma2 semaphore(%arg21 : memref<!tpu.dma_semaphore, #tpu.memory_space<semaphore_mem>>) src(%dma_wait3A_61 : memref<80xi32, #tpu.memory_space<hbm>>) dst(%arg8 : memref<80xi32, #tpu.memory_space<vmem>>)
    %dma_start3A_62 = arith.constant 0 : i32
    %dma_start3A_63 = arith.constant 0 : i32
    %dma_start3A_64 = tpu.memref_slice %arg2[%dma_start3A_62, %dma_start3A_63] : memref<10000x128xf32, #tpu.memory_space<hbm>> -> memref<10000x128xf32, #tpu.memory_space<hbm>>
    tpu.enqueue_indirect_dma source(%dma_start3A_64 : memref<10000x128xf32, #tpu.memory_space<hbm>>) target(%arg14 : memref<80x128xf32, #tpu.memory_space<vmem>>) offsets(%arg8 : memref<80xi32, #tpu.memory_space<vmem>>) semaphore(%arg18 : memref<!tpu.dma_semaphore, #tpu.memory_space<semaphore_mem>>)
    %add3A_65 = arith.constant 80 : i32
    %add3A_66 = arith.addi %mul3A_2, %add3A_65 : i32
    %dma_wait3A_67 = tpu.memref_slice %arg4[%add3A_66] : memref<320000xi32, #tpu.memory_space<hbm>> -> memref<80xi32, #tpu.memory_space<hbm>>
    %dma_wait3A_68 = tpu.memref_slice %arg4[%add3A_66] : memref<320000xi32, #tpu.memory_space<hbm>> -> memref<80xi32, #tpu.memory_space<hbm>>
    tpu.wait_dma2 semaphore(%arg22 : memref<!tpu.dma_semaphore, #tpu.memory_space<semaphore_mem>>) src(%dma_wait3A_68 : memref<80xi32, #tpu.memory_space<hbm>>) dst(%arg9 : memref<80xi32, #tpu.memory_space<vmem>>)
    %dma_start3A_69 = arith.constant 0 : i32
    %dma_start3A_70 = arith.constant 0 : i32
    %dma_start3A_71 = tpu.memref_slice %arg2[%dma_start3A_69, %dma_start3A_70] : memref<10000x128xf32, #tpu.memory_space<hbm>> -> memref<10000x128xf32, #tpu.memory_space<hbm>>
    tpu.enqueue_indirect_dma source(%dma_start3A_71 : memref<10000x128xf32, #tpu.memory_space<hbm>>) target(%arg15 : memref<80x128xf32, #tpu.memory_space<vmem>>) offsets(%arg9 : memref<80xi32, #tpu.memory_space<vmem>>) semaphore(%arg19 : memref<!tpu.dma_semaphore, #tpu.memory_space<semaphore_mem>>)
    %add3A_72 = arith.constant 0 : i32
    %add3A_73 = arith.addi %mul3A_2, %add3A_72 : i32
    %dma_start3A_74 = arith.constant 0 : i32
    %dma_start3A_75 = tpu.memref_slice %arg3[%add3A_73, %dma_start3A_74] : memref<320000x128xf32, #tpu.memory_space<hbm>> -> memref<80x128xf32, #tpu.memory_space<hbm>>
    %dma_start3A_76 = arith.constant 0 : i32
    %dma_start3A_77 = tpu.memref_slice %arg3[%add3A_73, %dma_start3A_76] : memref<320000x128xf32, #tpu.memory_space<hbm>> -> memref<80x128xf32, #tpu.memory_space<hbm>>
    tpu.enqueue_dma source(%dma_start3A_77 : memref<80x128xf32, #tpu.memory_space<hbm>>) target(%arg17 : memref<80x128xf32, #tpu.memory_space<vmem>>) target_semaphore(%arg30 : memref<!tpu.dma_semaphore, #tpu.memory_space<semaphore_mem>>)
    %barrier3A = arith.constant 0 : index
    tpu.barrier barrier_id(%barrier3A)
    %scan3A_78 = arith.constant 0 : i32
    %scan3A_79 = arith.constant 0 : i32
    %scan3A_80 = arith.constant 41 : i32
    %scan3A_81 = arith.addi %scan3A_79, %scan3A_80 : i32
    %scan3A_82 = arith.constant 1 : i32
    scf.for %scan3A_151 = %scan3A_79 to %scan3A_81 step %scan3A_82  : i32 {
      %mul3A_152 = arith.constant 3 : i32
      %mul3A_153 = arith.muli %mul3A_152, %scan3A_151 : i32
      %add3A_154 = arith.constant 0 : i32
      %add3A_155 = arith.addi %mul3A_153, %add3A_154 : i32
      %dma_wait3A_156 = arith.constant 0 : i32
      %dma_wait3A_157 = arith.constant 0 : i32
      %dma_wait3A_158 = tpu.memref_slice %arg2[%dma_wait3A_156, %dma_wait3A_157] : memref<10000x128xf32, #tpu.memory_space<hbm>> -> memref<10000x128xf32, #tpu.memory_space<hbm>>
      tpu.wait_indirect_dma semaphore(%arg18 : memref<!tpu.dma_semaphore, #tpu.memory_space<semaphore_mem>>) src(%dma_wait3A_158 : memref<10000x128xf32, #tpu.memory_space<hbm>>) dst(%arg14 : memref<80x128xf32, #tpu.memory_space<vmem>>)
      %mul3A_159 = arith.constant 80 : i32
      %mul3A_160 = arith.muli %add3A_155, %mul3A_159 : i32
      %add3A_161 = arith.addi %mul3A_2, %mul3A_160 : i32
      %dma_wait3A_162 = tpu.memref_slice %arg5[%add3A_161] : memref<320000xi32, #tpu.memory_space<hbm>> -> memref<80xi32, #tpu.memory_space<hbm>>
      %dma_wait3A_163 = tpu.memref_slice %arg5[%add3A_161] : memref<320000xi32, #tpu.memory_space<hbm>> -> memref<80xi32, #tpu.memory_space<hbm>>
      tpu.wait_dma2 semaphore(%arg24 : memref<!tpu.dma_semaphore, #tpu.memory_space<semaphore_mem>>) src(%dma_wait3A_163 : memref<80xi32, #tpu.memory_space<hbm>>) dst(%arg11 : memref<80xi32, #tpu.memory_space<vmem>>)
      %mul3A_164 = arith.constant 80 : i32
      %mul3A_165 = arith.muli %add3A_155, %mul3A_164 : i32
      %add3A_166 = arith.addi %mul3A_2, %mul3A_165 : i32
      %dma_wait3A_167 = arith.constant 0 : i32
      %dma_wait3A_168 = tpu.memref_slice %arg3[%add3A_166, %dma_wait3A_167] : memref<320000x128xf32, #tpu.memory_space<hbm>> -> memref<80x128xf32, #tpu.memory_space<hbm>>
      %dma_wait3A_169 = arith.constant 0 : i32
      %dma_wait3A_170 = tpu.memref_slice %arg3[%add3A_166, %dma_wait3A_169] : memref<320000x128xf32, #tpu.memory_space<hbm>> -> memref<80x128xf32, #tpu.memory_space<hbm>>
      tpu.wait_dma2 semaphore(%arg30 : memref<!tpu.dma_semaphore, #tpu.memory_space<semaphore_mem>>) src(%dma_wait3A_170 : memref<80x128xf32, #tpu.memory_space<hbm>>) dst(%arg17 : memref<80x128xf32, #tpu.memory_space<vmem>>)
      %scan3A_171 = arith.constant 0 : i32
      %scan3A_172 = arith.constant 0 : i32
      %scan3A_173 = arith.constant 80 : i32
      %scan3A_174 = arith.addi %scan3A_172, %scan3A_173 : i32
      %scan3A_175 = arith.constant 1 : i32
      scf.for %scan3A_310 = %scan3A_172 to %scan3A_174 step %scan3A_175  : i32 {
        %get3A = arith.index_cast %scan3A_310 : i32 to index
        %get3A_311 = arith.constant 0 : index
        %get3A_312 = tpu.vector_load %arg17[%get3A, %get3A_311] {strides = array<i32>} : memref<80x128xf32, #tpu.memory_space<vmem>>, vector<1x16xf32>,
        %get3A_313 = vector.shape_cast %get3A_312 : vector<1x16xf32> to vector<16xf32>
        %swap3A = arith.index_cast %scan3A_310 : i32 to index
        %swap3A_314 = arith.constant 0 : index
        %swap3A_315 = tpu.vector_load %arg14[%swap3A, %swap3A_314] {strides = array<i32>} : memref<80x128xf32, #tpu.memory_space<vmem>>, vector<1x16xf32>,
        %swap3A_316 = vector.shape_cast %swap3A_315 : vector<1x16xf32> to vector<16xf32>
        %swap3A_317 = vector.shape_cast %get3A_313 : vector<16xf32> to vector<1x16xf32>
        tpu.vector_store %arg14[%swap3A, %swap3A_314], %swap3A_317 {add = true, strides = array<i32>} : memref<80x128xf32, #tpu.memory_space<vmem>>, vector<1x16xf32>,
        %get3A_318 = arith.index_cast %scan3A_310 : i32 to index
        %get3A_319 = arith.constant 16 : index
        %get3A_320 = tpu.vector_load %arg17[%get3A_318, %get3A_319] {strides = array<i32>} : memref<80x128xf32, #tpu.memory_space<vmem>>, vector<1x16xf32>,
        %get3A_321 = vector.shape_cast %get3A_320 : vector<1x16xf32> to vector<16xf32>
        %swap3A_322 = arith.index_cast %scan3A_310 : i32 to index
        %swap3A_323 = arith.constant 16 : index
        %swap3A_324 = tpu.vector_load %arg14[%swap3A_322, %swap3A_323] {strides = array<i32>} : memref<80x128xf32, #tpu.memory_space<vmem>>, vector<1x16xf32>,
        %swap3A_325 = vector.shape_cast %swap3A_324 : vector<1x16xf32> to vector<16xf32>
        %swap3A_326 = vector.shape_cast %get3A_321 : vector<16xf32> to vector<1x16xf32>
        tpu.vector_store %arg14[%swap3A_322, %swap3A_323], %swap3A_326 {add = true, strides = array<i32>} : memref<80x128xf32, #tpu.memory_space<vmem>>, vector<1x16xf32>,
        %get3A_327 = arith.index_cast %scan3A_310 : i32 to index
        %get3A_328 = arith.constant 32 : index
        %get3A_329 = tpu.vector_load %arg17[%get3A_327, %get3A_328] {strides = array<i32>} : memref<80x128xf32, #tpu.memory_space<vmem>>, vector<1x16xf32>,
        %get3A_330 = vector.shape_cast %get3A_329 : vector<1x16xf32> to vector<16xf32>
        %swap3A_331 = arith.index_cast %scan3A_310 : i32 to index
        %swap3A_332 = arith.constant 32 : index
        %swap3A_333 = tpu.vector_load %arg14[%swap3A_331, %swap3A_332] {strides = array<i32>} : memref<80x128xf32, #tpu.memory_space<vmem>>, vector<1x16xf32>,
        %swap3A_334 = vector.shape_cast %swap3A_333 : vector<1x16xf32> to vector<16xf32>
        %swap3A_335 = vector.shape_cast %get3A_330 : vector<16xf32> to vector<1x16xf32>
        tpu.vector_store %arg14[%swap3A_331, %swap3A_332], %swap3A_335 {add = true, strides = array<i32>} : memref<80x128xf32, #tpu.memory_space<vmem>>, vector<1x16xf32>,
        %get3A_336 = arith.index_cast %scan3A_310 : i32 to index
        %get3A_337 = arith.constant 48 : index
        %get3A_338 = tpu.vector_load %arg17[%get3A_336, %get3A_337] {strides = array<i32>} : memref<80x128xf32, #tpu.memory_space<vmem>>, vector<1x16xf32>,
        %get3A_339 = vector.shape_cast %get3A_338 : vector<1x16xf32> to vector<16xf32>
        %swap3A_340 = arith.index_cast %scan3A_310 : i32 to index
        %swap3A_341 = arith.constant 48 : index
        %swap3A_342 = tpu.vector_load %arg14[%swap3A_340, %swap3A_341] {strides = array<i32>} : memref<80x128xf32, #tpu.memory_space<vmem>>, vector<1x16xf32>,
        %swap3A_343 = vector.shape_cast %swap3A_342 : vector<1x16xf32> to vector<16xf32>
        %swap3A_344 = vector.shape_cast %get3A_339 : vector<16xf32> to vector<1x16xf32>
        tpu.vector_store %arg14[%swap3A_340, %swap3A_341], %swap3A_344 {add = true, strides = array<i32>} : memref<80x128xf32, #tpu.memory_space<vmem>>, vector<1x16xf32>,
        %get3A_345 = arith.index_cast %scan3A_310 : i32 to index
        %get3A_346 = arith.constant 64 : index
        %get3A_347 = tpu.vector_load %arg17[%get3A_345, %get3A_346] {strides = array<i32>} : memref<80x128xf32, #tpu.memory_space<vmem>>, vector<1x16xf32>,
        %get3A_348 = vector.shape_cast %get3A_347 : vector<1x16xf32> to vector<16xf32>
        %swap3A_349 = arith.index_cast %scan3A_310 : i32 to index
        %swap3A_350 = arith.constant 64 : index
        %swap3A_351 = tpu.vector_load %arg14[%swap3A_349, %swap3A_350] {strides = array<i32>} : memref<80x128xf32, #tpu.memory_space<vmem>>, vector<1x16xf32>,
        %swap3A_352 = vector.shape_cast %swap3A_351 : vector<1x16xf32> to vector<16xf32>
        %swap3A_353 = vector.shape_cast %get3A_348 : vector<16xf32> to vector<1x16xf32>
        tpu.vector_store %arg14[%swap3A_349, %swap3A_350], %swap3A_353 {add = true, strides = array<i32>} : memref<80x128xf32, #tpu.memory_space<vmem>>, vector<1x16xf32>,
        %get3A_354 = arith.index_cast %scan3A_310 : i32 to index
        %get3A_355 = arith.constant 80 : index
        %get3A_356 = tpu.vector_load %arg17[%get3A_354, %get3A_355] {strides = array<i32>} : memref<80x128xf32, #tpu.memory_space<vmem>>, vector<1x16xf32>,
        %get3A_357 = vector.shape_cast %get3A_356 : vector<1x16xf32> to vector<16xf32>
        %swap3A_358 = arith.index_cast %scan3A_310 : i32 to index
        %swap3A_359 = arith.constant 80 : index
        %swap3A_360 = tpu.vector_load %arg14[%swap3A_358, %swap3A_359] {strides = array<i32>} : memref<80x128xf32, #tpu.memory_space<vmem>>, vector<1x16xf32>,
        %swap3A_361 = vector.shape_cast %swap3A_360 : vector<1x16xf32> to vector<16xf32>
        %swap3A_362 = vector.shape_cast %get3A_357 : vector<16xf32> to vector<1x16xf32>
        tpu.vector_store %arg14[%swap3A_358, %swap3A_359], %swap3A_362 {add = true, strides = array<i32>} : memref<80x128xf32, #tpu.memory_space<vmem>>, vector<1x16xf32>,
        %get3A_363 = arith.index_cast %scan3A_310 : i32 to index
        %get3A_364 = arith.constant 96 : index
        %get3A_365 = tpu.vector_load %arg17[%get3A_363, %get3A_364] {strides = array<i32>} : memref<80x128xf32, #tpu.memory_space<vmem>>, vector<1x16xf32>,
        %get3A_366 = vector.shape_cast %get3A_365 : vector<1x16xf32> to vector<16xf32>
        %swap3A_367 = arith.index_cast %scan3A_310 : i32 to index
        %swap3A_368 = arith.constant 96 : index
        %swap3A_369 = tpu.vector_load %arg14[%swap3A_367, %swap3A_368] {strides = array<i32>} : memref<80x128xf32, #tpu.memory_space<vmem>>, vector<1x16xf32>,
        %swap3A_370 = vector.shape_cast %swap3A_369 : vector<1x16xf32> to vector<16xf32>
        %swap3A_371 = vector.shape_cast %get3A_366 : vector<16xf32> to vector<1x16xf32>
        tpu.vector_store %arg14[%swap3A_367, %swap3A_368], %swap3A_371 {add = true, strides = array<i32>} : memref<80x128xf32, #tpu.memory_space<vmem>>, vector<1x16xf32>,
        %get3A_372 = arith.index_cast %scan3A_310 : i32 to index
        %get3A_373 = arith.constant 112 : index
        %get3A_374 = tpu.vector_load %arg17[%get3A_372, %get3A_373] {strides = array<i32>} : memref<80x128xf32, #tpu.memory_space<vmem>>, vector<1x16xf32>,
        %get3A_375 = vector.shape_cast %get3A_374 : vector<1x16xf32> to vector<16xf32>
        %swap3A_376 = arith.index_cast %scan3A_310 : i32 to index
        %swap3A_377 = arith.constant 112 : index
        %swap3A_378 = tpu.vector_load %arg14[%swap3A_376, %swap3A_377] {strides = array<i32>} : memref<80x128xf32, #tpu.memory_space<vmem>>, vector<1x16xf32>,
        %swap3A_379 = vector.shape_cast %swap3A_378 : vector<1x16xf32> to vector<16xf32>
        %swap3A_380 = vector.shape_cast %get3A_375 : vector<16xf32> to vector<1x16xf32>
        tpu.vector_store %arg14[%swap3A_376, %swap3A_377], %swap3A_380 {add = true, strides = array<i32>} : memref<80x128xf32, #tpu.memory_space<vmem>>, vector<1x16xf32>,
      }
      %scan3A_176 = arith.constant 80 : i32
      %add3A_177 = arith.constant 1 : i32
      %add3A_178 = arith.addi %add3A_155, %add3A_177 : i32
      %lt3A = arith.constant 125 : i32
      %lt3A_179 = arith.cmpi slt, %add3A_178, %lt3A : i32
      %convert_element_type3A = arith.extui %lt3A_179 : i1 to i32
      %cond3A = arith.constant 0 : i32
      %cond3A_180 = arith.cmpi ne, %convert_element_type3A, %cond3A : i32
      scf.if %cond3A_180 {
        %add3A_310 = arith.constant 1 : i32
        %add3A_311 = arith.addi %add3A_155, %add3A_310 : i32
        %mul3A_312 = arith.constant 80 : i32
        %mul3A_313 = arith.muli %add3A_311, %mul3A_312 : i32
        %add3A_314 = arith.addi %mul3A_2, %mul3A_313 : i32
        %dma_start3A_315 = arith.constant 0 : i32
        %dma_start3A_316 = tpu.memref_slice %arg3[%add3A_314, %dma_start3A_315] : memref<320000x128xf32, #tpu.memory_space<hbm>> -> memref<80x128xf32, #tpu.memory_space<hbm>>
        %dma_start3A_317 = arith.constant 0 : i32
        %dma_start3A_318 = tpu.memref_slice %arg3[%add3A_314, %dma_start3A_317] : memref<320000x128xf32, #tpu.memory_space<hbm>> -> memref<80x128xf32, #tpu.memory_space<hbm>>
        tpu.enqueue_dma source(%dma_start3A_318 : memref<80x128xf32, #tpu.memory_space<hbm>>) target(%arg17 : memref<80x128xf32, #tpu.memory_space<vmem>>) target_semaphore(%arg30 : memref<!tpu.dma_semaphore, #tpu.memory_space<semaphore_mem>>)
      } else {
      }
      %ge3A = arith.constant 1 : i32
      %ge3A_181 = arith.cmpi sge, %add3A_155, %ge3A : i32
      %convert_element_type3A_182 = arith.extui %ge3A_181 : i1 to i32
      %cond3A_183 = arith.constant 0 : i32
      %cond3A_184 = arith.cmpi ne, %convert_element_type3A_182, %cond3A_183 : i32
      scf.if %cond3A_184 {
        %dma_wait3A_310 = arith.constant 0 : i32
        %dma_wait3A_311 = arith.constant 0 : i32
        %dma_wait3A_312 = tpu.memref_slice %arg7[%dma_wait3A_310, %dma_wait3A_311] : memref<10240x128xf32, #tpu.memory_space<vmem_shared>> -> memref<10240x128xf32, #tpu.memory_space<vmem_shared>>
        tpu.wait_indirect_dma semaphore(%arg29 : memref<!tpu.dma_semaphore, #tpu.memory_space<semaphore_mem>>) src(%arg16 : memref<80x128xf32, #tpu.memory_space<vmem>>) dst(%dma_wait3A_312 : memref<10240x128xf32, #tpu.memory_space<vmem_shared>>)
      } else {
      }
      %dma_start3A_185 = arith.constant 0 : i32
      %dma_start3A_186 = arith.constant 0 : i32
      %dma_start3A_187 = tpu.memref_slice %arg7[%dma_start3A_185, %dma_start3A_186] : memref<10240x128xf32, #tpu.memory_space<vmem_shared>> -> memref<10240x128xf32, #tpu.memory_space<vmem_shared>>
      tpu.enqueue_indirect_dma source(%arg14 : memref<80x128xf32, #tpu.memory_space<vmem>>) target(%dma_start3A_187 : memref<10240x128xf32, #tpu.memory_space<vmem_shared>>) offsets(%arg11 : memref<80xi32, #tpu.memory_space<vmem>>) semaphore(%arg27 : memref<!tpu.dma_semaphore, #tpu.memory_space<semaphore_mem>>) {add = true}
      %add3A_188 = arith.constant 3 : i32
      %add3A_189 = arith.addi %add3A_155, %add3A_188 : i32
      %lt3A_190 = arith.constant 125 : i32
      %lt3A_191 = arith.cmpi slt, %add3A_189, %lt3A_190 : i32
      %convert_element_type3A_192 = arith.extui %lt3A_191 : i1 to i32
      %cond3A_193 = arith.constant 0 : i32
      %cond3A_194 = arith.cmpi ne, %convert_element_type3A_192, %cond3A_193 : i32
      scf.if %cond3A_194 {
        %add3A_310 = arith.constant 3 : i32
        %add3A_311 = arith.addi %add3A_155, %add3A_310 : i32
        %mul3A_312 = arith.constant 80 : i32
        %mul3A_313 = arith.muli %add3A_311, %mul3A_312 : i32
        %add3A_314 = arith.addi %mul3A_2, %mul3A_313 : i32
        %dma_start3A_315 = tpu.memref_slice %arg4[%add3A_314] : memref<320000xi32, #tpu.memory_space<hbm>> -> memref<80xi32, #tpu.memory_space<hbm>>
        %dma_start3A_316 = tpu.memref_slice %arg4[%add3A_314] : memref<320000xi32, #tpu.memory_space<hbm>> -> memref<80xi32, #tpu.memory_space<hbm>>
        tpu.enqueue_dma source(%dma_start3A_316 : memref<80xi32, #tpu.memory_space<hbm>>) target(%arg8 : memref<80xi32, #tpu.memory_space<vmem>>) target_semaphore(%arg21 : memref<!tpu.dma_semaphore, #tpu.memory_space<semaphore_mem>>)
      } else {
      }
      %add3A_195 = arith.constant 2 : i32
      %add3A_196 = arith.addi %add3A_155, %add3A_195 : i32
      %lt3A_197 = arith.constant 125 : i32
      %lt3A_198 = arith.cmpi slt, %add3A_196, %lt3A_197 : i32
      %convert_element_type3A_199 = arith.extui %lt3A_198 : i1 to i32
      %cond3A_200 = arith.constant 0 : i32
      %cond3A_201 = arith.cmpi ne, %convert_element_type3A_199, %cond3A_200 : i32
      scf.if %cond3A_201 {
        %add3A_310 = arith.constant 2 : i32
        %add3A_311 = arith.addi %add3A_155, %add3A_310 : i32
        %mul3A_312 = arith.constant 80 : i32
        %mul3A_313 = arith.muli %add3A_311, %mul3A_312 : i32
        %add3A_314 = arith.addi %mul3A_2, %mul3A_313 : i32
        %dma_start3A_315 = tpu.memref_slice %arg5[%add3A_314] : memref<320000xi32, #tpu.memory_space<hbm>> -> memref<80xi32, #tpu.memory_space<hbm>>
        %dma_start3A_316 = tpu.memref_slice %arg5[%add3A_314] : memref<320000xi32, #tpu.memory_space<hbm>> -> memref<80xi32, #tpu.memory_space<hbm>>
        tpu.enqueue_dma source(%dma_start3A_316 : memref<80xi32, #tpu.memory_space<hbm>>) target(%arg13 : memref<80xi32, #tpu.memory_space<vmem>>) target_semaphore(%arg26 : memref<!tpu.dma_semaphore, #tpu.memory_space<semaphore_mem>>)
        %add3A_317 = arith.constant 2 : i32
        %add3A_318 = arith.addi %add3A_155, %add3A_317 : i32
        %mul3A_319 = arith.constant 80 : i32
        %mul3A_320 = arith.muli %add3A_318, %mul3A_319 : i32
        %add3A_321 = arith.addi %mul3A_2, %mul3A_320 : i32
        %dma_wait3A_322 = tpu.memref_slice %arg4[%add3A_321] : memref<320000xi32, #tpu.memory_space<hbm>> -> memref<80xi32, #tpu.memory_space<hbm>>
        %dma_wait3A_323 = tpu.memref_slice %arg4[%add3A_321] : memref<320000xi32, #tpu.memory_space<hbm>> -> memref<80xi32, #tpu.memory_space<hbm>>
        tpu.wait_dma2 semaphore(%arg23 : memref<!tpu.dma_semaphore, #tpu.memory_space<semaphore_mem>>) src(%dma_wait3A_323 : memref<80xi32, #tpu.memory_space<hbm>>) dst(%arg10 : memref<80xi32, #tpu.memory_space<vmem>>)
        %dma_start3A_324 = arith.constant 0 : i32
        %dma_start3A_325 = arith.constant 0 : i32
        %dma_start3A_326 = tpu.memref_slice %arg2[%dma_start3A_324, %dma_start3A_325] : memref<10000x128xf32, #tpu.memory_space<hbm>> -> memref<10000x128xf32, #tpu.memory_space<hbm>>
        tpu.enqueue_indirect_dma source(%dma_start3A_326 : memref<10000x128xf32, #tpu.memory_space<hbm>>) target(%arg16 : memref<80x128xf32, #tpu.memory_space<vmem>>) offsets(%arg10 : memref<80xi32, #tpu.memory_space<vmem>>) semaphore(%arg20 : memref<!tpu.dma_semaphore, #tpu.memory_space<semaphore_mem>>)
      } else {
      }
      %mul3A_202 = arith.constant 3 : i32
      %mul3A_203 = arith.muli %mul3A_202, %scan3A_151 : i32
      %add3A_204 = arith.constant 1 : i32
      %add3A_205 = arith.addi %mul3A_203, %add3A_204 : i32
      %dma_wait3A_206 = arith.constant 0 : i32
      %dma_wait3A_207 = arith.constant 0 : i32
      %dma_wait3A_208 = tpu.memref_slice %arg2[%dma_wait3A_206, %dma_wait3A_207] : memref<10000x128xf32, #tpu.memory_space<hbm>> -> memref<10000x128xf32, #tpu.memory_space<hbm>>
      tpu.wait_indirect_dma semaphore(%arg19 : memref<!tpu.dma_semaphore, #tpu.memory_space<semaphore_mem>>) src(%dma_wait3A_208 : memref<10000x128xf32, #tpu.memory_space<hbm>>) dst(%arg15 : memref<80x128xf32, #tpu.memory_space<vmem>>)
      %mul3A_209 = arith.constant 80 : i32
      %mul3A_210 = arith.muli %add3A_205, %mul3A_209 : i32
      %add3A_211 = arith.addi %mul3A_2, %mul3A_210 : i32
      %dma_wait3A_212 = tpu.memref_slice %arg5[%add3A_211] : memref<320000xi32, #tpu.memory_space<hbm>> -> memref<80xi32, #tpu.memory_space<hbm>>
      %dma_wait3A_213 = tpu.memref_slice %arg5[%add3A_211] : memref<320000xi32, #tpu.memory_space<hbm>> -> memref<80xi32, #tpu.memory_space<hbm>>
      tpu.wait_dma2 semaphore(%arg25 : memref<!tpu.dma_semaphore, #tpu.memory_space<semaphore_mem>>) src(%dma_wait3A_213 : memref<80xi32, #tpu.memory_space<hbm>>) dst(%arg12 : memref<80xi32, #tpu.memory_space<vmem>>)
      %mul3A_214 = arith.constant 80 : i32
      %mul3A_215 = arith.muli %add3A_205, %mul3A_214 : i32
      %add3A_216 = arith.addi %mul3A_2, %mul3A_215 : i32
      %dma_wait3A_217 = arith.constant 0 : i32
      %dma_wait3A_218 = tpu.memref_slice %arg3[%add3A_216, %dma_wait3A_217] : memref<320000x128xf32, #tpu.memory_space<hbm>> -> memref<80x128xf32, #tpu.memory_space<hbm>>
      %dma_wait3A_219 = arith.constant 0 : i32
      %dma_wait3A_220 = tpu.memref_slice %arg3[%add3A_216, %dma_wait3A_219] : memref<320000x128xf32, #tpu.memory_space<hbm>> -> memref<80x128xf32, #tpu.memory_space<hbm>>
      tpu.wait_dma2 semaphore(%arg30 : memref<!tpu.dma_semaphore, #tpu.memory_space<semaphore_mem>>) src(%dma_wait3A_220 : memref<80x128xf32, #tpu.memory_space<hbm>>) dst(%arg17 : memref<80x128xf32, #tpu.memory_space<vmem>>)
      %scan3A_221 = arith.constant 0 : i32
      %scan3A_222 = arith.constant 0 : i32
      %scan3A_223 = arith.constant 80 : i32
      %scan3A_224 = arith.addi %scan3A_222, %scan3A_223 : i32
      %scan3A_225 = arith.constant 1 : i32
      scf.for %scan3A_310 = %scan3A_222 to %scan3A_224 step %scan3A_225  : i32 {
        %get3A = arith.index_cast %scan3A_310 : i32 to index
        %get3A_311 = arith.constant 0 : index
        %get3A_312 = tpu.vector_load %arg17[%get3A, %get3A_311] {strides = array<i32>} : memref<80x128xf32, #tpu.memory_space<vmem>>, vector<1x16xf32>,
        %get3A_313 = vector.shape_cast %get3A_312 : vector<1x16xf32> to vector<16xf32>
        %swap3A = arith.index_cast %scan3A_310 : i32 to index
        %swap3A_314 = arith.constant 0 : index
        %swap3A_315 = tpu.vector_load %arg15[%swap3A, %swap3A_314] {strides = array<i32>} : memref<80x128xf32, #tpu.memory_space<vmem>>, vector<1x16xf32>,
        %swap3A_316 = vector.shape_cast %swap3A_315 : vector<1x16xf32> to vector<16xf32>
        %swap3A_317 = vector.shape_cast %get3A_313 : vector<16xf32> to vector<1x16xf32>
        tpu.vector_store %arg15[%swap3A, %swap3A_314], %swap3A_317 {add = true, strides = array<i32>} : memref<80x128xf32, #tpu.memory_space<vmem>>, vector<1x16xf32>,
        %get3A_318 = arith.index_cast %scan3A_310 : i32 to index
        %get3A_319 = arith.constant 16 : index
        %get3A_320 = tpu.vector_load %arg17[%get3A_318, %get3A_319] {strides = array<i32>} : memref<80x128xf32, #tpu.memory_space<vmem>>, vector<1x16xf32>,
        %get3A_321 = vector.shape_cast %get3A_320 : vector<1x16xf32> to vector<16xf32>
        %swap3A_322 = arith.index_cast %scan3A_310 : i32 to index
        %swap3A_323 = arith.constant 16 : index
        %swap3A_324 = tpu.vector_load %arg15[%swap3A_322, %swap3A_323] {strides = array<i32>} : memref<80x128xf32, #tpu.memory_space<vmem>>, vector<1x16xf32>,
        %swap3A_325 = vector.shape_cast %swap3A_324 : vector<1x16xf32> to vector<16xf32>
        %swap3A_326 = vector.shape_cast %get3A_321 : vector<16xf32> to vector<1x16xf32>
        tpu.vector_store %arg15[%swap3A_322, %swap3A_323], %swap3A_326 {add = true, strides = array<i32>} : memref<80x128xf32, #tpu.memory_space<vmem>>, vector<1x16xf32>,
        %get3A_327 = arith.index_cast %scan3A_310 : i32 to index
        %get3A_328 = arith.constant 32 : index
        %get3A_329 = tpu.vector_load %arg17[%get3A_327, %get3A_328] {strides = array<i32>} : memref<80x128xf32, #tpu.memory_space<vmem>>, vector<1x16xf32>,
        %get3A_330 = vector.shape_cast %get3A_329 : vector<1x16xf32> to vector<16xf32>
        %swap3A_331 = arith.index_cast %scan3A_310 : i32 to index
        %swap3A_332 = arith.constant 32 : index
        %swap3A_333 = tpu.vector_load %arg15[%swap3A_331, %swap3A_332] {strides = array<i32>} : memref<80x128xf32, #tpu.memory_space<vmem>>, vector<1x16xf32>,
        %swap3A_334 = vector.shape_cast %swap3A_333 : vector<1x16xf32> to vector<16xf32>
        %swap3A_335 = vector.shape_cast %get3A_330 : vector<16xf32> to vector<1x16xf32>
        tpu.vector_store %arg15[%swap3A_331, %swap3A_332], %swap3A_335 {add = true, strides = array<i32>} : memref<80x128xf32, #tpu.memory_space<vmem>>, vector<1x16xf32>,
        %get3A_336 = arith.index_cast %scan3A_310 : i32 to index
        %get3A_337 = arith.constant 48 : index
        %get3A_338 = tpu.vector_load %arg17[%get3A_336, %get3A_337] {strides = array<i32>} : memref<80x128xf32, #tpu.memory_space<vmem>>, vector<1x16xf32>,
        %get3A_339 = vector.shape_cast %get3A_338 : vector<1x16xf32> to vector<16xf32>
        %swap3A_340 = arith.index_cast %scan3A_310 : i32 to index
        %swap3A_341 = arith.constant 48 : index
        %swap3A_342 = tpu.vector_load %arg15[%swap3A_340, %swap3A_341] {strides = array<i32>} : memref<80x128xf32, #tpu.memory_space<vmem>>, vector<1x16xf32>,
        %swap3A_343 = vector.shape_cast %swap3A_342 : vector<1x16xf32> to vector<16xf32>
        %swap3A_344 = vector.shape_cast %get3A_339 : vector<16xf32> to vector<1x16xf32>
        tpu.vector_store %arg15[%swap3A_340, %swap3A_341], %swap3A_344 {add = true, strides = array<i32>} : memref<80x128xf32, #tpu.memory_space<vmem>>, vector<1x16xf32>,
        %get3A_345 = arith.index_cast %scan3A_310 : i32 to index
        %get3A_346 = arith.constant 64 : index
        %get3A_347 = tpu.vector_load %arg17[%get3A_345, %get3A_346] {strides = array<i32>} : memref<80x128xf32, #tpu.memory_space<vmem>>, vector<1x16xf32>,
        %get3A_348 = vector.shape_cast %get3A_347 : vector<1x16xf32> to vector<16xf32>
        %swap3A_349 = arith.index_cast %scan3A_310 : i32 to index
        %swap3A_350 = arith.constant 64 : index
        %swap3A_351 = tpu.vector_load %arg15[%swap3A_349, %swap3A_350] {strides = array<i32>} : memref<80x128xf32, #tpu.memory_space<vmem>>, vector<1x16xf32>,
        %swap3A_352 = vector.shape_cast %swap3A_351 : vector<1x16xf32> to vector<16xf32>
        %swap3A_353 = vector.shape_cast %get3A_348 : vector<16xf32> to vector<1x16xf32>
        tpu.vector_store %arg15[%swap3A_349, %swap3A_350], %swap3A_353 {add = true, strides = array<i32>} : memref<80x128xf32, #tpu.memory_space<vmem>>, vector<1x16xf32>,
        %get3A_354 = arith.index_cast %scan3A_310 : i32 to index
        %get3A_355 = arith.constant 80 : index
        %get3A_356 = tpu.vector_load %arg17[%get3A_354, %get3A_355] {strides = array<i32>} : memref<80x128xf32, #tpu.memory_space<vmem>>, vector<1x16xf32>,
        %get3A_357 = vector.shape_cast %get3A_356 : vector<1x16xf32> to vector<16xf32>
        %swap3A_358 = arith.index_cast %scan3A_310 : i32 to index
        %swap3A_359 = arith.constant 80 : index
        %swap3A_360 = tpu.vector_load %arg15[%swap3A_358, %swap3A_359] {strides = array<i32>} : memref<80x128xf32, #tpu.memory_space<vmem>>, vector<1x16xf32>,
        %swap3A_361 = vector.shape_cast %swap3A_360 : vector<1x16xf32> to vector<16xf32>
        %swap3A_362 = vector.shape_cast %get3A_357 : vector<16xf32> to vector<1x16xf32>
        tpu.vector_store %arg15[%swap3A_358, %swap3A_359], %swap3A_362 {add = true, strides = array<i32>} : memref<80x128xf32, #tpu.memory_space<vmem>>, vector<1x16xf32>,
        %get3A_363 = arith.index_cast %scan3A_310 : i32 to index
        %get3A_364 = arith.constant 96 : index
        %get3A_365 = tpu.vector_load %arg17[%get3A_363, %get3A_364] {strides = array<i32>} : memref<80x128xf32, #tpu.memory_space<vmem>>, vector<1x16xf32>,
        %get3A_366 = vector.shape_cast %get3A_365 : vector<1x16xf32> to vector<16xf32>
        %swap3A_367 = arith.index_cast %scan3A_310 : i32 to index
        %swap3A_368 = arith.constant 96 : index
        %swap3A_369 = tpu.vector_load %arg15[%swap3A_367, %swap3A_368] {strides = array<i32>} : memref<80x128xf32, #tpu.memory_space<vmem>>, vector<1x16xf32>,
        %swap3A_370 = vector.shape_cast %swap3A_369 : vector<1x16xf32> to vector<16xf32>
        %swap3A_371 = vector.shape_cast %get3A_366 : vector<16xf32> to vector<1x16xf32>
        tpu.vector_store %arg15[%swap3A_367, %swap3A_368], %swap3A_371 {add = true, strides = array<i32>} : memref<80x128xf32, #tpu.memory_space<vmem>>, vector<1x16xf32>,
        %get3A_372 = arith.index_cast %scan3A_310 : i32 to index
        %get3A_373 = arith.constant 112 : index
        %get3A_374 = tpu.vector_load %arg17[%get3A_372, %get3A_373] {strides = array<i32>} : memref<80x128xf32, #tpu.memory_space<vmem>>, vector<1x16xf32>,
        %get3A_375 = vector.shape_cast %get3A_374 : vector<1x16xf32> to vector<16xf32>
        %swap3A_376 = arith.index_cast %scan3A_310 : i32 to index
        %swap3A_377 = arith.constant 112 : index
        %swap3A_378 = tpu.vector_load %arg15[%swap3A_376, %swap3A_377] {strides = array<i32>} : memref<80x128xf32, #tpu.memory_space<vmem>>, vector<1x16xf32>,
        %swap3A_379 = vector.shape_cast %swap3A_378 : vector<1x16xf32> to vector<16xf32>
        %swap3A_380 = vector.shape_cast %get3A_375 : vector<16xf32> to vector<1x16xf32>
        tpu.vector_store %arg15[%swap3A_376, %swap3A_377], %swap3A_380 {add = true, strides = array<i32>} : memref<80x128xf32, #tpu.memory_space<vmem>>, vector<1x16xf32>,
      }
      %scan3A_226 = arith.constant 80 : i32
      %add3A_227 = arith.constant 1 : i32
      %add3A_228 = arith.addi %add3A_205, %add3A_227 : i32
      %lt3A_229 = arith.constant 125 : i32
      %lt3A_230 = arith.cmpi slt, %add3A_228, %lt3A_229 : i32
      %convert_element_type3A_231 = arith.extui %lt3A_230 : i1 to i32
      %cond3A_232 = arith.constant 0 : i32
      %cond3A_233 = arith.cmpi ne, %convert_element_type3A_231, %cond3A_232 : i32
      scf.if %cond3A_233 {
        %add3A_310 = arith.constant 1 : i32
        %add3A_311 = arith.addi %add3A_205, %add3A_310 : i32
        %mul3A_312 = arith.constant 80 : i32
        %mul3A_313 = arith.muli %add3A_311, %mul3A_312 : i32
        %add3A_314 = arith.addi %mul3A_2, %mul3A_313 : i32
        %dma_start3A_315 = arith.constant 0 : i32
        %dma_start3A_316 = tpu.memref_slice %arg3[%add3A_314, %dma_start3A_315] : memref<320000x128xf32, #tpu.memory_space<hbm>> -> memref<80x128xf32, #tpu.memory_space<hbm>>
        %dma_start3A_317 = arith.constant 0 : i32
        %dma_start3A_318 = tpu.memref_slice %arg3[%add3A_314, %dma_start3A_317] : memref<320000x128xf32, #tpu.memory_space<hbm>> -> memref<80x128xf32, #tpu.memory_space<hbm>>
        tpu.enqueue_dma source(%dma_start3A_318 : memref<80x128xf32, #tpu.memory_space<hbm>>) target(%arg17 : memref<80x128xf32, #tpu.memory_space<vmem>>) target_semaphore(%arg30 : memref<!tpu.dma_semaphore, #tpu.memory_space<semaphore_mem>>)
      } else {
      }
      %ge3A_234 = arith.constant 1 : i32
      %ge3A_235 = arith.cmpi sge, %add3A_205, %ge3A_234 : i32
      %convert_element_type3A_236 = arith.extui %ge3A_235 : i1 to i32
      %cond3A_237 = arith.constant 0 : i32
      %cond3A_238 = arith.cmpi ne, %convert_element_type3A_236, %cond3A_237 : i32
      scf.if %cond3A_238 {
        %dma_wait3A_310 = arith.constant 0 : i32
        %dma_wait3A_311 = arith.constant 0 : i32
        %dma_wait3A_312 = tpu.memref_slice %arg7[%dma_wait3A_310, %dma_wait3A_311] : memref<10240x128xf32, #tpu.memory_space<vmem_shared>> -> memref<10240x128xf32, #tpu.memory_space<vmem_shared>>
        tpu.wait_indirect_dma semaphore(%arg27 : memref<!tpu.dma_semaphore, #tpu.memory_space<semaphore_mem>>) src(%arg14 : memref<80x128xf32, #tpu.memory_space<vmem>>) dst(%dma_wait3A_312 : memref<10240x128xf32, #tpu.memory_space<vmem_shared>>)
      } else {
      }
      %dma_start3A_239 = arith.constant 0 : i32
      %dma_start3A_240 = arith.constant 0 : i32
      %dma_start3A_241 = tpu.memref_slice %arg7[%dma_start3A_239, %dma_start3A_240] : memref<10240x128xf32, #tpu.memory_space<vmem_shared>> -> memref<10240x128xf32, #tpu.memory_space<vmem_shared>>
      tpu.enqueue_indirect_dma source(%arg15 : memref<80x128xf32, #tpu.memory_space<vmem>>) target(%dma_start3A_241 : memref<10240x128xf32, #tpu.memory_space<vmem_shared>>) offsets(%arg12 : memref<80xi32, #tpu.memory_space<vmem>>) semaphore(%arg28 : memref<!tpu.dma_semaphore, #tpu.memory_space<semaphore_mem>>) {add = true}
      %add3A_242 = arith.constant 3 : i32
      %add3A_243 = arith.addi %add3A_205, %add3A_242 : i32
      %lt3A_244 = arith.constant 125 : i32
      %lt3A_245 = arith.cmpi slt, %add3A_243, %lt3A_244 : i32
      %convert_element_type3A_246 = arith.extui %lt3A_245 : i1 to i32
      %cond3A_247 = arith.constant 0 : i32
      %cond3A_248 = arith.cmpi ne, %convert_element_type3A_246, %cond3A_247 : i32
      scf.if %cond3A_248 {
        %add3A_310 = arith.constant 3 : i32
        %add3A_311 = arith.addi %add3A_205, %add3A_310 : i32
        %mul3A_312 = arith.constant 80 : i32
        %mul3A_313 = arith.muli %add3A_311, %mul3A_312 : i32
        %add3A_314 = arith.addi %mul3A_2, %mul3A_313 : i32
        %dma_start3A_315 = tpu.memref_slice %arg4[%add3A_314] : memref<320000xi32, #tpu.memory_space<hbm>> -> memref<80xi32, #tpu.memory_space<hbm>>
        %dma_start3A_316 = tpu.memref_slice %arg4[%add3A_314] : memref<320000xi32, #tpu.memory_space<hbm>> -> memref<80xi32, #tpu.memory_space<hbm>>
        tpu.enqueue_dma source(%dma_start3A_316 : memref<80xi32, #tpu.memory_space<hbm>>) target(%arg9 : memref<80xi32, #tpu.memory_space<vmem>>) target_semaphore(%arg22 : memref<!tpu.dma_semaphore, #tpu.memory_space<semaphore_mem>>)
      } else {
      }
      %add3A_249 = arith.constant 2 : i32
      %add3A_250 = arith.addi %add3A_205, %add3A_249 : i32
      %lt3A_251 = arith.constant 125 : i32
      %lt3A_252 = arith.cmpi slt, %add3A_250, %lt3A_251 : i32
      %convert_element_type3A_253 = arith.extui %lt3A_252 : i1 to i32
      %cond3A_254 = arith.constant 0 : i32
      %cond3A_255 = arith.cmpi ne, %convert_element_type3A_253, %cond3A_254 : i32
      scf.if %cond3A_255 {
        %add3A_310 = arith.constant 2 : i32
        %add3A_311 = arith.addi %add3A_205, %add3A_310 : i32
        %mul3A_312 = arith.constant 80 : i32
        %mul3A_313 = arith.muli %add3A_311, %mul3A_312 : i32
        %add3A_314 = arith.addi %mul3A_2, %mul3A_313 : i32
        %dma_start3A_315 = tpu.memref_slice %arg5[%add3A_314] : memref<320000xi32, #tpu.memory_space<hbm>> -> memref<80xi32, #tpu.memory_space<hbm>>
        %dma_start3A_316 = tpu.memref_slice %arg5[%add3A_314] : memref<320000xi32, #tpu.memory_space<hbm>> -> memref<80xi32, #tpu.memory_space<hbm>>
        tpu.enqueue_dma source(%dma_start3A_316 : memref<80xi32, #tpu.memory_space<hbm>>) target(%arg11 : memref<80xi32, #tpu.memory_space<vmem>>) target_semaphore(%arg24 : memref<!tpu.dma_semaphore, #tpu.memory_space<semaphore_mem>>)
        %add3A_317 = arith.constant 2 : i32
        %add3A_318 = arith.addi %add3A_205, %add3A_317 : i32
        %mul3A_319 = arith.constant 80 : i32
        %mul3A_320 = arith.muli %add3A_318, %mul3A_319 : i32
        %add3A_321 = arith.addi %mul3A_2, %mul3A_320 : i32
        %dma_wait3A_322 = tpu.memref_slice %arg4[%add3A_321] : memref<320000xi32, #tpu.memory_space<hbm>> -> memref<80xi32, #tpu.memory_space<hbm>>
        %dma_wait3A_323 = tpu.memref_slice %arg4[%add3A_321] : memref<320000xi32, #tpu.memory_space<hbm>> -> memref<80xi32, #tpu.memory_space<hbm>>
        tpu.wait_dma2 semaphore(%arg21 : memref<!tpu.dma_semaphore, #tpu.memory_space<semaphore_mem>>) src(%dma_wait3A_323 : memref<80xi32, #tpu.memory_space<hbm>>) dst(%arg8 : memref<80xi32, #tpu.memory_space<vmem>>)
        %dma_start3A_324 = arith.constant 0 : i32
        %dma_start3A_325 = arith.constant 0 : i32
        %dma_start3A_326 = tpu.memref_slice %arg2[%dma_start3A_324, %dma_start3A_325] : memref<10000x128xf32, #tpu.memory_space<hbm>> -> memref<10000x128xf32, #tpu.memory_space<hbm>>
        tpu.enqueue_indirect_dma source(%dma_start3A_326 : memref<10000x128xf32, #tpu.memory_space<hbm>>) target(%arg14 : memref<80x128xf32, #tpu.memory_space<vmem>>) offsets(%arg8 : memref<80xi32, #tpu.memory_space<vmem>>) semaphore(%arg18 : memref<!tpu.dma_semaphore, #tpu.memory_space<semaphore_mem>>)
      } else {
      }
      %mul3A_256 = arith.constant 3 : i32
      %mul3A_257 = arith.muli %mul3A_256, %scan3A_151 : i32
      %add3A_258 = arith.constant 2 : i32
      %add3A_259 = arith.addi %mul3A_257, %add3A_258 : i32
      %dma_wait3A_260 = arith.constant 0 : i32
      %dma_wait3A_261 = arith.constant 0 : i32
      %dma_wait3A_262 = tpu.memref_slice %arg2[%dma_wait3A_260, %dma_wait3A_261] : memref<10000x128xf32, #tpu.memory_space<hbm>> -> memref<10000x128xf32, #tpu.memory_space<hbm>>
      tpu.wait_indirect_dma semaphore(%arg20 : memref<!tpu.dma_semaphore, #tpu.memory_space<semaphore_mem>>) src(%dma_wait3A_262 : memref<10000x128xf32, #tpu.memory_space<hbm>>) dst(%arg16 : memref<80x128xf32, #tpu.memory_space<vmem>>)
      %mul3A_263 = arith.constant 80 : i32
      %mul3A_264 = arith.muli %add3A_259, %mul3A_263 : i32
      %add3A_265 = arith.addi %mul3A_2, %mul3A_264 : i32
      %dma_wait3A_266 = tpu.memref_slice %arg5[%add3A_265] : memref<320000xi32, #tpu.memory_space<hbm>> -> memref<80xi32, #tpu.memory_space<hbm>>
      %dma_wait3A_267 = tpu.memref_slice %arg5[%add3A_265] : memref<320000xi32, #tpu.memory_space<hbm>> -> memref<80xi32, #tpu.memory_space<hbm>>
      tpu.wait_dma2 semaphore(%arg26 : memref<!tpu.dma_semaphore, #tpu.memory_space<semaphore_mem>>) src(%dma_wait3A_267 : memref<80xi32, #tpu.memory_space<hbm>>) dst(%arg13 : memref<80xi32, #tpu.memory_space<vmem>>)
      %mul3A_268 = arith.constant 80 : i32
      %mul3A_269 = arith.muli %add3A_259, %mul3A_268 : i32
      %add3A_270 = arith.addi %mul3A_2, %mul3A_269 : i32
      %dma_wait3A_271 = arith.constant 0 : i32
      %dma_wait3A_272 = tpu.memref_slice %arg3[%add3A_270, %dma_wait3A_271] : memref<320000x128xf32, #tpu.memory_space<hbm>> -> memref<80x128xf32, #tpu.memory_space<hbm>>
      %dma_wait3A_273 = arith.constant 0 : i32
      %dma_wait3A_274 = tpu.memref_slice %arg3[%add3A_270, %dma_wait3A_273] : memref<320000x128xf32, #tpu.memory_space<hbm>> -> memref<80x128xf32, #tpu.memory_space<hbm>>
      tpu.wait_dma2 semaphore(%arg30 : memref<!tpu.dma_semaphore, #tpu.memory_space<semaphore_mem>>) src(%dma_wait3A_274 : memref<80x128xf32, #tpu.memory_space<hbm>>) dst(%arg17 : memref<80x128xf32, #tpu.memory_space<vmem>>)
      %scan3A_275 = arith.constant 0 : i32
      %scan3A_276 = arith.constant 0 : i32
      %scan3A_277 = arith.constant 80 : i32
      %scan3A_278 = arith.addi %scan3A_276, %scan3A_277 : i32
      %scan3A_279 = arith.constant 1 : i32
      scf.for %scan3A_310 = %scan3A_276 to %scan3A_278 step %scan3A_279  : i32 {
        %get3A = arith.index_cast %scan3A_310 : i32 to index
        %get3A_311 = arith.constant 0 : index
        %get3A_312 = tpu.vector_load %arg17[%get3A, %get3A_311] {strides = array<i32>} : memref<80x128xf32, #tpu.memory_space<vmem>>, vector<1x16xf32>,
        %get3A_313 = vector.shape_cast %get3A_312 : vector<1x16xf32> to vector<16xf32>
        %swap3A = arith.index_cast %scan3A_310 : i32 to index
        %swap3A_314 = arith.constant 0 : index
        %swap3A_315 = tpu.vector_load %arg16[%swap3A, %swap3A_314] {strides = array<i32>} : memref<80x128xf32, #tpu.memory_space<vmem>>, vector<1x16xf32>,
        %swap3A_316 = vector.shape_cast %swap3A_315 : vector<1x16xf32> to vector<16xf32>
        %swap3A_317 = vector.shape_cast %get3A_313 : vector<16xf32> to vector<1x16xf32>
        tpu.vector_store %arg16[%swap3A, %swap3A_314], %swap3A_317 {add = true, strides = array<i32>} : memref<80x128xf32, #tpu.memory_space<vmem>>, vector<1x16xf32>,
        %get3A_318 = arith.index_cast %scan3A_310 : i32 to index
        %get3A_319 = arith.constant 16 : index
        %get3A_320 = tpu.vector_load %arg17[%get3A_318, %get3A_319] {strides = array<i32>} : memref<80x128xf32, #tpu.memory_space<vmem>>, vector<1x16xf32>,
        %get3A_321 = vector.shape_cast %get3A_320 : vector<1x16xf32> to vector<16xf32>
        %swap3A_322 = arith.index_cast %scan3A_310 : i32 to index
        %swap3A_323 = arith.constant 16 : index
        %swap3A_324 = tpu.vector_load %arg16[%swap3A_322, %swap3A_323] {strides = array<i32>} : memref<80x128xf32, #tpu.memory_space<vmem>>, vector<1x16xf32>,
        %swap3A_325 = vector.shape_cast %swap3A_324 : vector<1x16xf32> to vector<16xf32>
        %swap3A_326 = vector.shape_cast %get3A_321 : vector<16xf32> to vector<1x16xf32>
        tpu.vector_store %arg16[%swap3A_322, %swap3A_323], %swap3A_326 {add = true, strides = array<i32>} : memref<80x128xf32, #tpu.memory_space<vmem>>, vector<1x16xf32>,
        %get3A_327 = arith.index_cast %scan3A_310 : i32 to index
        %get3A_328 = arith.constant 32 : index
        %get3A_329 = tpu.vector_load %arg17[%get3A_327, %get3A_328] {strides = array<i32>} : memref<80x128xf32, #tpu.memory_space<vmem>>, vector<1x16xf32>,
        %get3A_330 = vector.shape_cast %get3A_329 : vector<1x16xf32> to vector<16xf32>
        %swap3A_331 = arith.index_cast %scan3A_310 : i32 to index
        %swap3A_332 = arith.constant 32 : index
        %swap3A_333 = tpu.vector_load %arg16[%swap3A_331, %swap3A_332] {strides = array<i32>} : memref<80x128xf32, #tpu.memory_space<vmem>>, vector<1x16xf32>,
        %swap3A_334 = vector.shape_cast %swap3A_333 : vector<1x16xf32> to vector<16xf32>
        %swap3A_335 = vector.shape_cast %get3A_330 : vector<16xf32> to vector<1x16xf32>
        tpu.vector_store %arg16[%swap3A_331, %swap3A_332], %swap3A_335 {add = true, strides = array<i32>} : memref<80x128xf32, #tpu.memory_space<vmem>>, vector<1x16xf32>,
        %get3A_336 = arith.index_cast %scan3A_310 : i32 to index
        %get3A_337 = arith.constant 48 : index
        %get3A_338 = tpu.vector_load %arg17[%get3A_336, %get3A_337] {strides = array<i32>} : memref<80x128xf32, #tpu.memory_space<vmem>>, vector<1x16xf32>,
        %get3A_339 = vector.shape_cast %get3A_338 : vector<1x16xf32> to vector<16xf32>
        %swap3A_340 = arith.index_cast %scan3A_310 : i32 to index
        %swap3A_341 = arith.constant 48 : index
        %swap3A_342 = tpu.vector_load %arg16[%swap3A_340, %swap3A_341] {strides = array<i32>} : memref<80x128xf32, #tpu.memory_space<vmem>>, vector<1x16xf32>,
        %swap3A_343 = vector.shape_cast %swap3A_342 : vector<1x16xf32> to vector<16xf32>
        %swap3A_344 = vector.shape_cast %get3A_339 : vector<16xf32> to vector<1x16xf32>
        tpu.vector_store %arg16[%swap3A_340, %swap3A_341], %swap3A_344 {add = true, strides = array<i32>} : memref<80x128xf32, #tpu.memory_space<vmem>>, vector<1x16xf32>,
        %get3A_345 = arith.index_cast %scan3A_310 : i32 to index
        %get3A_346 = arith.constant 64 : index
        %get3A_347 = tpu.vector_load %arg17[%get3A_345, %get3A_346] {strides = array<i32>} : memref<80x128xf32, #tpu.memory_space<vmem>>, vector<1x16xf32>,
        %get3A_348 = vector.shape_cast %get3A_347 : vector<1x16xf32> to vector<16xf32>
        %swap3A_349 = arith.index_cast %scan3A_310 : i32 to index
        %swap3A_350 = arith.constant 64 : index
        %swap3A_351 = tpu.vector_load %arg16[%swap3A_349, %swap3A_350] {strides = array<i32>} : memref<80x128xf32, #tpu.memory_space<vmem>>, vector<1x16xf32>,
        %swap3A_352 = vector.shape_cast %swap3A_351 : vector<1x16xf32> to vector<16xf32>
        %swap3A_353 = vector.shape_cast %get3A_348 : vector<16xf32> to vector<1x16xf32>
        tpu.vector_store %arg16[%swap3A_349, %swap3A_350], %swap3A_353 {add = true, strides = array<i32>} : memref<80x128xf32, #tpu.memory_space<vmem>>, vector<1x16xf32>,
        %get3A_354 = arith.index_cast %scan3A_310 : i32 to index
        %get3A_355 = arith.constant 80 : index
        %get3A_356 = tpu.vector_load %arg17[%get3A_354, %get3A_355] {strides = array<i32>} : memref<80x128xf32, #tpu.memory_space<vmem>>, vector<1x16xf32>,
        %get3A_357 = vector.shape_cast %get3A_356 : vector<1x16xf32> to vector<16xf32>
        %swap3A_358 = arith.index_cast %scan3A_310 : i32 to index
        %swap3A_359 = arith.constant 80 : index
        %swap3A_360 = tpu.vector_load %arg16[%swap3A_358, %swap3A_359] {strides = array<i32>} : memref<80x128xf32, #tpu.memory_space<vmem>>, vector<1x16xf32>,
        %swap3A_361 = vector.shape_cast %swap3A_360 : vector<1x16xf32> to vector<16xf32>
        %swap3A_362 = vector.shape_cast %get3A_357 : vector<16xf32> to vector<1x16xf32>
        tpu.vector_store %arg16[%swap3A_358, %swap3A_359], %swap3A_362 {add = true, strides = array<i32>} : memref<80x128xf32, #tpu.memory_space<vmem>>, vector<1x16xf32>,
        %get3A_363 = arith.index_cast %scan3A_310 : i32 to index
        %get3A_364 = arith.constant 96 : index
        %get3A_365 = tpu.vector_load %arg17[%get3A_363, %get3A_364] {strides = array<i32>} : memref<80x128xf32, #tpu.memory_space<vmem>>, vector<1x16xf32>,
        %get3A_366 = vector.shape_cast %get3A_365 : vector<1x16xf32> to vector<16xf32>
        %swap3A_367 = arith.index_cast %scan3A_310 : i32 to index
        %swap3A_368 = arith.constant 96 : index
        %swap3A_369 = tpu.vector_load %arg16[%swap3A_367, %swap3A_368] {strides = array<i32>} : memref<80x128xf32, #tpu.memory_space<vmem>>, vector<1x16xf32>,
        %swap3A_370 = vector.shape_cast %swap3A_369 : vector<1x16xf32> to vector<16xf32>
        %swap3A_371 = vector.shape_cast %get3A_366 : vector<16xf32> to vector<1x16xf32>
        tpu.vector_store %arg16[%swap3A_367, %swap3A_368], %swap3A_371 {add = true, strides = array<i32>} : memref<80x128xf32, #tpu.memory_space<vmem>>, vector<1x16xf32>,
        %get3A_372 = arith.index_cast %scan3A_310 : i32 to index
        %get3A_373 = arith.constant 112 : index
        %get3A_374 = tpu.vector_load %arg17[%get3A_372, %get3A_373] {strides = array<i32>} : memref<80x128xf32, #tpu.memory_space<vmem>>, vector<1x16xf32>,
        %get3A_375 = vector.shape_cast %get3A_374 : vector<1x16xf32> to vector<16xf32>
        %swap3A_376 = arith.index_cast %scan3A_310 : i32 to index
        %swap3A_377 = arith.constant 112 : index
        %swap3A_378 = tpu.vector_load %arg16[%swap3A_376, %swap3A_377] {strides = array<i32>} : memref<80x128xf32, #tpu.memory_space<vmem>>, vector<1x16xf32>,
        %swap3A_379 = vector.shape_cast %swap3A_378 : vector<1x16xf32> to vector<16xf32>
        %swap3A_380 = vector.shape_cast %get3A_375 : vector<16xf32> to vector<1x16xf32>
        tpu.vector_store %arg16[%swap3A_376, %swap3A_377], %swap3A_380 {add = true, strides = array<i32>} : memref<80x128xf32, #tpu.memory_space<vmem>>, vector<1x16xf32>,
      }
      %scan3A_280 = arith.constant 80 : i32
      %add3A_281 = arith.constant 1 : i32
      %add3A_282 = arith.addi %add3A_259, %add3A_281 : i32
      %lt3A_283 = arith.constant 125 : i32
      %lt3A_284 = arith.cmpi slt, %add3A_282, %lt3A_283 : i32
      %convert_element_type3A_285 = arith.extui %lt3A_284 : i1 to i32
      %cond3A_286 = arith.constant 0 : i32
      %cond3A_287 = arith.cmpi ne, %convert_element_type3A_285, %cond3A_286 : i32
      scf.if %cond3A_287 {
        %add3A_310 = arith.constant 1 : i32
        %add3A_311 = arith.addi %add3A_259, %add3A_310 : i32
        %mul3A_312 = arith.constant 80 : i32
        %mul3A_313 = arith.muli %add3A_311, %mul3A_312 : i32
        %add3A_314 = arith.addi %mul3A_2, %mul3A_313 : i32
        %dma_start3A_315 = arith.constant 0 : i32
        %dma_start3A_316 = tpu.memref_slice %arg3[%add3A_314, %dma_start3A_315] : memref<320000x128xf32, #tpu.memory_space<hbm>> -> memref<80x128xf32, #tpu.memory_space<hbm>>
        %dma_start3A_317 = arith.constant 0 : i32
        %dma_start3A_318 = tpu.memref_slice %arg3[%add3A_314, %dma_start3A_317] : memref<320000x128xf32, #tpu.memory_space<hbm>> -> memref<80x128xf32, #tpu.memory_space<hbm>>
        tpu.enqueue_dma source(%dma_start3A_318 : memref<80x128xf32, #tpu.memory_space<hbm>>) target(%arg17 : memref<80x128xf32, #tpu.memory_space<vmem>>) target_semaphore(%arg30 : memref<!tpu.dma_semaphore, #tpu.memory_space<semaphore_mem>>)
      } else {
      }
      %ge3A_288 = arith.constant 1 : i32
      %ge3A_289 = arith.cmpi sge, %add3A_259, %ge3A_288 : i32
      %convert_element_type3A_290 = arith.extui %ge3A_289 : i1 to i32
      %cond3A_291 = arith.constant 0 : i32
      %cond3A_292 = arith.cmpi ne, %convert_element_type3A_290, %cond3A_291 : i32
      scf.if %cond3A_292 {
        %dma_wait3A_310 = arith.constant 0 : i32
        %dma_wait3A_311 = arith.constant 0 : i32
        %dma_wait3A_312 = tpu.memref_slice %arg7[%dma_wait3A_310, %dma_wait3A_311] : memref<10240x128xf32, #tpu.memory_space<vmem_shared>> -> memref<10240x128xf32, #tpu.memory_space<vmem_shared>>
        tpu.wait_indirect_dma semaphore(%arg28 : memref<!tpu.dma_semaphore, #tpu.memory_space<semaphore_mem>>) src(%arg15 : memref<80x128xf32, #tpu.memory_space<vmem>>) dst(%dma_wait3A_312 : memref<10240x128xf32, #tpu.memory_space<vmem_shared>>)
      } else {
      }
      %dma_start3A_293 = arith.constant 0 : i32
      %dma_start3A_294 = arith.constant 0 : i32
      %dma_start3A_295 = tpu.memref_slice %arg7[%dma_start3A_293, %dma_start3A_294] : memref<10240x128xf32, #tpu.memory_space<vmem_shared>> -> memref<10240x128xf32, #tpu.memory_space<vmem_shared>>
      tpu.enqueue_indirect_dma source(%arg16 : memref<80x128xf32, #tpu.memory_space<vmem>>) target(%dma_start3A_295 : memref<10240x128xf32, #tpu.memory_space<vmem_shared>>) offsets(%arg13 : memref<80xi32, #tpu.memory_space<vmem>>) semaphore(%arg29 : memref<!tpu.dma_semaphore, #tpu.memory_space<semaphore_mem>>) {add = true}
      %add3A_296 = arith.constant 3 : i32
      %add3A_297 = arith.addi %add3A_259, %add3A_296 : i32
      %lt3A_298 = arith.constant 125 : i32
      %lt3A_299 = arith.cmpi slt, %add3A_297, %lt3A_298 : i32
      %convert_element_type3A_300 = arith.extui %lt3A_299 : i1 to i32
      %cond3A_301 = arith.constant 0 : i32
      %cond3A_302 = arith.cmpi ne, %convert_element_type3A_300, %cond3A_301 : i32
      scf.if %cond3A_302 {
        %add3A_310 = arith.constant 3 : i32
        %add3A_311 = arith.addi %add3A_259, %add3A_310 : i32
        %mul3A_312 = arith.constant 80 : i32
        %mul3A_313 = arith.muli %add3A_311, %mul3A_312 : i32
        %add3A_314 = arith.addi %mul3A_2, %mul3A_313 : i32
        %dma_start3A_315 = tpu.memref_slice %arg4[%add3A_314] : memref<320000xi32, #tpu.memory_space<hbm>> -> memref<80xi32, #tpu.memory_space<hbm>>
        %dma_start3A_316 = tpu.memref_slice %arg4[%add3A_314] : memref<320000xi32, #tpu.memory_space<hbm>> -> memref<80xi32, #tpu.memory_space<hbm>>
        tpu.enqueue_dma source(%dma_start3A_316 : memref<80xi32, #tpu.memory_space<hbm>>) target(%arg10 : memref<80xi32, #tpu.memory_space<vmem>>) target_semaphore(%arg23 : memref<!tpu.dma_semaphore, #tpu.memory_space<semaphore_mem>>)
      } else {
      }
      %add3A_303 = arith.constant 2 : i32
      %add3A_304 = arith.addi %add3A_259, %add3A_303 : i32
      %lt3A_305 = arith.constant 125 : i32
      %lt3A_306 = arith.cmpi slt, %add3A_304, %lt3A_305 : i32
      %convert_element_type3A_307 = arith.extui %lt3A_306 : i1 to i32
      %cond3A_308 = arith.constant 0 : i32
      %cond3A_309 = arith.cmpi ne, %convert_element_type3A_307, %cond3A_308 : i32
      scf.if %cond3A_309 {
        %add3A_310 = arith.constant 2 : i32
        %add3A_311 = arith.addi %add3A_259, %add3A_310 : i32
        %mul3A_312 = arith.constant 80 : i32
        %mul3A_313 = arith.muli %add3A_311, %mul3A_312 : i32
        %add3A_314 = arith.addi %mul3A_2, %mul3A_313 : i32
        %dma_start3A_315 = tpu.memref_slice %arg5[%add3A_314] : memref<320000xi32, #tpu.memory_space<hbm>> -> memref<80xi32, #tpu.memory_space<hbm>>
        %dma_start3A_316 = tpu.memref_slice %arg5[%add3A_314] : memref<320000xi32, #tpu.memory_space<hbm>> -> memref<80xi32, #tpu.memory_space<hbm>>
        tpu.enqueue_dma source(%dma_start3A_316 : memref<80xi32, #tpu.memory_space<hbm>>) target(%arg12 : memref<80xi32, #tpu.memory_space<vmem>>) target_semaphore(%arg25 : memref<!tpu.dma_semaphore, #tpu.memory_space<semaphore_mem>>)
        %add3A_317 = arith.constant 2 : i32
        %add3A_318 = arith.addi %add3A_259, %add3A_317 : i32
        %mul3A_319 = arith.constant 80 : i32
        %mul3A_320 = arith.muli %add3A_318, %mul3A_319 : i32
        %add3A_321 = arith.addi %mul3A_2, %mul3A_320 : i32
        %dma_wait3A_322 = tpu.memref_slice %arg4[%add3A_321] : memref<320000xi32, #tpu.memory_space<hbm>> -> memref<80xi32, #tpu.memory_space<hbm>>
        %dma_wait3A_323 = tpu.memref_slice %arg4[%add3A_321] : memref<320000xi32, #tpu.memory_space<hbm>> -> memref<80xi32, #tpu.memory_space<hbm>>
        tpu.wait_dma2 semaphore(%arg22 : memref<!tpu.dma_semaphore, #tpu.memory_space<semaphore_mem>>) src(%dma_wait3A_323 : memref<80xi32, #tpu.memory_space<hbm>>) dst(%arg9 : memref<80xi32, #tpu.memory_space<vmem>>)
        %dma_start3A_324 = arith.constant 0 : i32
        %dma_start3A_325 = arith.constant 0 : i32
        %dma_start3A_326 = tpu.memref_slice %arg2[%dma_start3A_324, %dma_start3A_325] : memref<10000x128xf32, #tpu.memory_space<hbm>> -> memref<10000x128xf32, #tpu.memory_space<hbm>>
        tpu.enqueue_indirect_dma source(%dma_start3A_326 : memref<10000x128xf32, #tpu.memory_space<hbm>>) target(%arg15 : memref<80x128xf32, #tpu.memory_space<vmem>>) offsets(%arg9 : memref<80xi32, #tpu.memory_space<vmem>>) semaphore(%arg19 : memref<!tpu.dma_semaphore, #tpu.memory_space<semaphore_mem>>)
      } else {
      }
    }
    %scan3A_83 = arith.constant 41 : i32
    %dma_wait3A_84 = arith.constant 0 : i32
    %dma_wait3A_85 = arith.constant 0 : i32
    %dma_wait3A_86 = tpu.memref_slice %arg2[%dma_wait3A_84, %dma_wait3A_85] : memref<10000x128xf32, #tpu.memory_space<hbm>> -> memref<10000x128xf32, #tpu.memory_space<hbm>>
    tpu.wait_indirect_dma semaphore(%arg18 : memref<!tpu.dma_semaphore, #tpu.memory_space<semaphore_mem>>) src(%dma_wait3A_86 : memref<10000x128xf32, #tpu.memory_space<hbm>>) dst(%arg14 : memref<80x128xf32, #tpu.memory_space<vmem>>)
    %add3A_87 = arith.constant 9840 : i32
    %add3A_88 = arith.addi %mul3A_2, %add3A_87 : i32
    %dma_wait3A_89 = tpu.memref_slice %arg5[%add3A_88] : memref<320000xi32, #tpu.memory_space<hbm>> -> memref<80xi32, #tpu.memory_space<hbm>>
    %dma_wait3A_90 = tpu.memref_slice %arg5[%add3A_88] : memref<320000xi32, #tpu.memory_space<hbm>> -> memref<80xi32, #tpu.memory_space<hbm>>
    tpu.wait_dma2 semaphore(%arg24 : memref<!tpu.dma_semaphore, #tpu.memory_space<semaphore_mem>>) src(%dma_wait3A_90 : memref<80xi32, #tpu.memory_space<hbm>>) dst(%arg11 : memref<80xi32, #tpu.memory_space<vmem>>)
    %add3A_91 = arith.constant 9840 : i32
    %add3A_92 = arith.addi %mul3A_2, %add3A_91 : i32
    %dma_wait3A_93 = arith.constant 0 : i32
    %dma_wait3A_94 = tpu.memref_slice %arg3[%add3A_92, %dma_wait3A_93] : memref<320000x128xf32, #tpu.memory_space<hbm>> -> memref<80x128xf32, #tpu.memory_space<hbm>>
    %dma_wait3A_95 = arith.constant 0 : i32
    %dma_wait3A_96 = tpu.memref_slice %arg3[%add3A_92, %dma_wait3A_95] : memref<320000x128xf32, #tpu.memory_space<hbm>> -> memref<80x128xf32, #tpu.memory_space<hbm>>
    tpu.wait_dma2 semaphore(%arg30 : memref<!tpu.dma_semaphore, #tpu.memory_space<semaphore_mem>>) src(%dma_wait3A_96 : memref<80x128xf32, #tpu.memory_space<hbm>>) dst(%arg17 : memref<80x128xf32, #tpu.memory_space<vmem>>)
    %scan3A_97 = arith.constant 0 : i32
    %scan3A_98 = arith.constant 0 : i32
    %scan3A_99 = arith.constant 80 : i32
    %scan3A_100 = arith.addi %scan3A_98, %scan3A_99 : i32
    %scan3A_101 = arith.constant 1 : i32
    scf.for %scan3A_151 = %scan3A_98 to %scan3A_100 step %scan3A_101  : i32 {
      %get3A = arith.index_cast %scan3A_151 : i32 to index
      %get3A_152 = arith.constant 0 : index
      %get3A_153 = tpu.vector_load %arg17[%get3A, %get3A_152] {strides = array<i32>} : memref<80x128xf32, #tpu.memory_space<vmem>>, vector<1x16xf32>,
      %get3A_154 = vector.shape_cast %get3A_153 : vector<1x16xf32> to vector<16xf32>
      %swap3A = arith.index_cast %scan3A_151 : i32 to index
      %swap3A_155 = arith.constant 0 : index
      %swap3A_156 = tpu.vector_load %arg14[%swap3A, %swap3A_155] {strides = array<i32>} : memref<80x128xf32, #tpu.memory_space<vmem>>, vector<1x16xf32>,
      %swap3A_157 = vector.shape_cast %swap3A_156 : vector<1x16xf32> to vector<16xf32>
      %swap3A_158 = vector.shape_cast %get3A_154 : vector<16xf32> to vector<1x16xf32>
      tpu.vector_store %arg14[%swap3A, %swap3A_155], %swap3A_158 {add = true, strides = array<i32>} : memref<80x128xf32, #tpu.memory_space<vmem>>, vector<1x16xf32>,
      %get3A_159 = arith.index_cast %scan3A_151 : i32 to index
      %get3A_160 = arith.constant 16 : index
      %get3A_161 = tpu.vector_load %arg17[%get3A_159, %get3A_160] {strides = array<i32>} : memref<80x128xf32, #tpu.memory_space<vmem>>, vector<1x16xf32>,
      %get3A_162 = vector.shape_cast %get3A_161 : vector<1x16xf32> to vector<16xf32>
      %swap3A_163 = arith.index_cast %scan3A_151 : i32 to index
      %swap3A_164 = arith.constant 16 : index
      %swap3A_165 = tpu.vector_load %arg14[%swap3A_163, %swap3A_164] {strides = array<i32>} : memref<80x128xf32, #tpu.memory_space<vmem>>, vector<1x16xf32>,
      %swap3A_166 = vector.shape_cast %swap3A_165 : vector<1x16xf32> to vector<16xf32>
      %swap3A_167 = vector.shape_cast %get3A_162 : vector<16xf32> to vector<1x16xf32>
      tpu.vector_store %arg14[%swap3A_163, %swap3A_164], %swap3A_167 {add = true, strides = array<i32>} : memref<80x128xf32, #tpu.memory_space<vmem>>, vector<1x16xf32>,
      %get3A_168 = arith.index_cast %scan3A_151 : i32 to index
      %get3A_169 = arith.constant 32 : index
      %get3A_170 = tpu.vector_load %arg17[%get3A_168, %get3A_169] {strides = array<i32>} : memref<80x128xf32, #tpu.memory_space<vmem>>, vector<1x16xf32>,
      %get3A_171 = vector.shape_cast %get3A_170 : vector<1x16xf32> to vector<16xf32>
      %swap3A_172 = arith.index_cast %scan3A_151 : i32 to index
      %swap3A_173 = arith.constant 32 : index
      %swap3A_174 = tpu.vector_load %arg14[%swap3A_172, %swap3A_173] {strides = array<i32>} : memref<80x128xf32, #tpu.memory_space<vmem>>, vector<1x16xf32>,
      %swap3A_175 = vector.shape_cast %swap3A_174 : vector<1x16xf32> to vector<16xf32>
      %swap3A_176 = vector.shape_cast %get3A_171 : vector<16xf32> to vector<1x16xf32>
      tpu.vector_store %arg14[%swap3A_172, %swap3A_173], %swap3A_176 {add = true, strides = array<i32>} : memref<80x128xf32, #tpu.memory_space<vmem>>, vector<1x16xf32>,
      %get3A_177 = arith.index_cast %scan3A_151 : i32 to index
      %get3A_178 = arith.constant 48 : index
      %get3A_179 = tpu.vector_load %arg17[%get3A_177, %get3A_178] {strides = array<i32>} : memref<80x128xf32, #tpu.memory_space<vmem>>, vector<1x16xf32>,
      %get3A_180 = vector.shape_cast %get3A_179 : vector<1x16xf32> to vector<16xf32>
      %swap3A_181 = arith.index_cast %scan3A_151 : i32 to index
      %swap3A_182 = arith.constant 48 : index
      %swap3A_183 = tpu.vector_load %arg14[%swap3A_181, %swap3A_182] {strides = array<i32>} : memref<80x128xf32, #tpu.memory_space<vmem>>, vector<1x16xf32>,
      %swap3A_184 = vector.shape_cast %swap3A_183 : vector<1x16xf32> to vector<16xf32>
      %swap3A_185 = vector.shape_cast %get3A_180 : vector<16xf32> to vector<1x16xf32>
      tpu.vector_store %arg14[%swap3A_181, %swap3A_182], %swap3A_185 {add = true, strides = array<i32>} : memref<80x128xf32, #tpu.memory_space<vmem>>, vector<1x16xf32>,
      %get3A_186 = arith.index_cast %scan3A_151 : i32 to index
      %get3A_187 = arith.constant 64 : index
      %get3A_188 = tpu.vector_load %arg17[%get3A_186, %get3A_187] {strides = array<i32>} : memref<80x128xf32, #tpu.memory_space<vmem>>, vector<1x16xf32>,
      %get3A_189 = vector.shape_cast %get3A_188 : vector<1x16xf32> to vector<16xf32>
      %swap3A_190 = arith.index_cast %scan3A_151 : i32 to index
      %swap3A_191 = arith.constant 64 : index
      %swap3A_192 = tpu.vector_load %arg14[%swap3A_190, %swap3A_191] {strides = array<i32>} : memref<80x128xf32, #tpu.memory_space<vmem>>, vector<1x16xf32>,
      %swap3A_193 = vector.shape_cast %swap3A_192 : vector<1x16xf32> to vector<16xf32>
      %swap3A_194 = vector.shape_cast %get3A_189 : vector<16xf32> to vector<1x16xf32>
      tpu.vector_store %arg14[%swap3A_190, %swap3A_191], %swap3A_194 {add = true, strides = array<i32>} : memref<80x128xf32, #tpu.memory_space<vmem>>, vector<1x16xf32>,
      %get3A_195 = arith.index_cast %scan3A_151 : i32 to index
      %get3A_196 = arith.constant 80 : index
      %get3A_197 = tpu.vector_load %arg17[%get3A_195, %get3A_196] {strides = array<i32>} : memref<80x128xf32, #tpu.memory_space<vmem>>, vector<1x16xf32>,
      %get3A_198 = vector.shape_cast %get3A_197 : vector<1x16xf32> to vector<16xf32>
      %swap3A_199 = arith.index_cast %scan3A_151 : i32 to index
      %swap3A_200 = arith.constant 80 : index
      %swap3A_201 = tpu.vector_load %arg14[%swap3A_199, %swap3A_200] {strides = array<i32>} : memref<80x128xf32, #tpu.memory_space<vmem>>, vector<1x16xf32>,
      %swap3A_202 = vector.shape_cast %swap3A_201 : vector<1x16xf32> to vector<16xf32>
      %swap3A_203 = vector.shape_cast %get3A_198 : vector<16xf32> to vector<1x16xf32>
      tpu.vector_store %arg14[%swap3A_199, %swap3A_200], %swap3A_203 {add = true, strides = array<i32>} : memref<80x128xf32, #tpu.memory_space<vmem>>, vector<1x16xf32>,
      %get3A_204 = arith.index_cast %scan3A_151 : i32 to index
      %get3A_205 = arith.constant 96 : index
      %get3A_206 = tpu.vector_load %arg17[%get3A_204, %get3A_205] {strides = array<i32>} : memref<80x128xf32, #tpu.memory_space<vmem>>, vector<1x16xf32>,
      %get3A_207 = vector.shape_cast %get3A_206 : vector<1x16xf32> to vector<16xf32>
      %swap3A_208 = arith.index_cast %scan3A_151 : i32 to index
      %swap3A_209 = arith.constant 96 : index
      %swap3A_210 = tpu.vector_load %arg14[%swap3A_208, %swap3A_209] {strides = array<i32>} : memref<80x128xf32, #tpu.memory_space<vmem>>, vector<1x16xf32>,
      %swap3A_211 = vector.shape_cast %swap3A_210 : vector<1x16xf32> to vector<16xf32>
      %swap3A_212 = vector.shape_cast %get3A_207 : vector<16xf32> to vector<1x16xf32>
      tpu.vector_store %arg14[%swap3A_208, %swap3A_209], %swap3A_212 {add = true, strides = array<i32>} : memref<80x128xf32, #tpu.memory_space<vmem>>, vector<1x16xf32>,
      %get3A_213 = arith.index_cast %scan3A_151 : i32 to index
      %get3A_214 = arith.constant 112 : index
      %get3A_215 = tpu.vector_load %arg17[%get3A_213, %get3A_214] {strides = array<i32>} : memref<80x128xf32, #tpu.memory_space<vmem>>, vector<1x16xf32>,
      %get3A_216 = vector.shape_cast %get3A_215 : vector<1x16xf32> to vector<16xf32>
      %swap3A_217 = arith.index_cast %scan3A_151 : i32 to index
      %swap3A_218 = arith.constant 112 : index
      %swap3A_219 = tpu.vector_load %arg14[%swap3A_217, %swap3A_218] {strides = array<i32>} : memref<80x128xf32, #tpu.memory_space<vmem>>, vector<1x16xf32>,
      %swap3A_220 = vector.shape_cast %swap3A_219 : vector<1x16xf32> to vector<16xf32>
      %swap3A_221 = vector.shape_cast %get3A_216 : vector<16xf32> to vector<1x16xf32>
      tpu.vector_store %arg14[%swap3A_217, %swap3A_218], %swap3A_221 {add = true, strides = array<i32>} : memref<80x128xf32, #tpu.memory_space<vmem>>, vector<1x16xf32>,
    }
    %scan3A_102 = arith.constant 80 : i32
    %add3A_103 = arith.constant 9920 : i32
    %add3A_104 = arith.addi %mul3A_2, %add3A_103 : i32
    %dma_start3A_105 = arith.constant 0 : i32
    %dma_start3A_106 = tpu.memref_slice %arg3[%add3A_104, %dma_start3A_105] : memref<320000x128xf32, #tpu.memory_space<hbm>> -> memref<80x128xf32, #tpu.memory_space<hbm>>
    %dma_start3A_107 = arith.constant 0 : i32
    %dma_start3A_108 = tpu.memref_slice %arg3[%add3A_104, %dma_start3A_107] : memref<320000x128xf32, #tpu.memory_space<hbm>> -> memref<80x128xf32, #tpu.memory_space<hbm>>
    tpu.enqueue_dma source(%dma_start3A_108 : memref<80x128xf32, #tpu.memory_space<hbm>>) target(%arg17 : memref<80x128xf32, #tpu.memory_space<vmem>>) target_semaphore(%arg30 : memref<!tpu.dma_semaphore, #tpu.memory_space<semaphore_mem>>)
    %dma_wait3A_109 = arith.constant 0 : i32
    %dma_wait3A_110 = arith.constant 0 : i32
    %dma_wait3A_111 = tpu.memref_slice %arg7[%dma_wait3A_109, %dma_wait3A_110] : memref<10240x128xf32, #tpu.memory_space<vmem_shared>> -> memref<10240x128xf32, #tpu.memory_space<vmem_shared>>
    tpu.wait_indirect_dma semaphore(%arg29 : memref<!tpu.dma_semaphore, #tpu.memory_space<semaphore_mem>>) src(%arg16 : memref<80x128xf32, #tpu.memory_space<vmem>>) dst(%dma_wait3A_111 : memref<10240x128xf32, #tpu.memory_space<vmem_shared>>)
    %dma_start3A_112 = arith.constant 0 : i32
    %dma_start3A_113 = arith.constant 0 : i32
    %dma_start3A_114 = tpu.memref_slice %arg7[%dma_start3A_112, %dma_start3A_113] : memref<10240x128xf32, #tpu.memory_space<vmem_shared>> -> memref<10240x128xf32, #tpu.memory_space<vmem_shared>>
    tpu.enqueue_indirect_dma source(%arg14 : memref<80x128xf32, #tpu.memory_space<vmem>>) target(%dma_start3A_114 : memref<10240x128xf32, #tpu.memory_space<vmem_shared>>) offsets(%arg11 : memref<80xi32, #tpu.memory_space<vmem>>) semaphore(%arg27 : memref<!tpu.dma_semaphore, #tpu.memory_space<semaphore_mem>>) {add = true}
    %dma_wait3A_115 = arith.constant 0 : i32
    %dma_wait3A_116 = arith.constant 0 : i32
    %dma_wait3A_117 = tpu.memref_slice %arg2[%dma_wait3A_115, %dma_wait3A_116] : memref<10000x128xf32, #tpu.memory_space<hbm>> -> memref<10000x128xf32, #tpu.memory_space<hbm>>
    tpu.wait_indirect_dma semaphore(%arg19 : memref<!tpu.dma_semaphore, #tpu.memory_space<semaphore_mem>>) src(%dma_wait3A_117 : memref<10000x128xf32, #tpu.memory_space<hbm>>) dst(%arg15 : memref<80x128xf32, #tpu.memory_space<vmem>>)
    %add3A_118 = arith.constant 9920 : i32
    %add3A_119 = arith.addi %mul3A_2, %add3A_118 : i32
    %dma_wait3A_120 = tpu.memref_slice %arg5[%add3A_119] : memref<320000xi32, #tpu.memory_space<hbm>> -> memref<80xi32, #tpu.memory_space<hbm>>
    %dma_wait3A_121 = tpu.memref_slice %arg5[%add3A_119] : memref<320000xi32, #tpu.memory_space<hbm>> -> memref<80xi32, #tpu.memory_space<hbm>>
    tpu.wait_dma2 semaphore(%arg25 : memref<!tpu.dma_semaphore, #tpu.memory_space<semaphore_mem>>) src(%dma_wait3A_121 : memref<80xi32, #tpu.memory_space<hbm>>) dst(%arg12 : memref<80xi32, #tpu.memory_space<vmem>>)
    %add3A_122 = arith.constant 9920 : i32
    %add3A_123 = arith.addi %mul3A_2, %add3A_122 : i32
    %dma_wait3A_124 = arith.constant 0 : i32
    %dma_wait3A_125 = tpu.memref_slice %arg3[%add3A_123, %dma_wait3A_124] : memref<320000x128xf32, #tpu.memory_space<hbm>> -> memref<80x128xf32, #tpu.memory_space<hbm>>
    %dma_wait3A_126 = arith.constant 0 : i32
    %dma_wait3A_127 = tpu.memref_slice %arg3[%add3A_123, %dma_wait3A_126] : memref<320000x128xf32, #tpu.memory_space<hbm>> -> memref<80x128xf32, #tpu.memory_space<hbm>>
    tpu.wait_dma2 semaphore(%arg30 : memref<!tpu.dma_semaphore, #tpu.memory_space<semaphore_mem>>) src(%dma_wait3A_127 : memref<80x128xf32, #tpu.memory_space<hbm>>) dst(%arg17 : memref<80x128xf32, #tpu.memory_space<vmem>>)
    %scan3A_128 = arith.constant 0 : i32
    %scan3A_129 = arith.constant 0 : i32
    %scan3A_130 = arith.constant 80 : i32
    %scan3A_131 = arith.addi %scan3A_129, %scan3A_130 : i32
    %scan3A_132 = arith.constant 1 : i32
    scf.for %scan3A_151 = %scan3A_129 to %scan3A_131 step %scan3A_132  : i32 {
      %get3A = arith.index_cast %scan3A_151 : i32 to index
      %get3A_152 = arith.constant 0 : index
      %get3A_153 = tpu.vector_load %arg17[%get3A, %get3A_152] {strides = array<i32>} : memref<80x128xf32, #tpu.memory_space<vmem>>, vector<1x16xf32>,
      %get3A_154 = vector.shape_cast %get3A_153 : vector<1x16xf32> to vector<16xf32>
      %swap3A = arith.index_cast %scan3A_151 : i32 to index
      %swap3A_155 = arith.constant 0 : index
      %swap3A_156 = tpu.vector_load %arg15[%swap3A, %swap3A_155] {strides = array<i32>} : memref<80x128xf32, #tpu.memory_space<vmem>>, vector<1x16xf32>,
      %swap3A_157 = vector.shape_cast %swap3A_156 : vector<1x16xf32> to vector<16xf32>
      %swap3A_158 = vector.shape_cast %get3A_154 : vector<16xf32> to vector<1x16xf32>
      tpu.vector_store %arg15[%swap3A, %swap3A_155], %swap3A_158 {add = true, strides = array<i32>} : memref<80x128xf32, #tpu.memory_space<vmem>>, vector<1x16xf32>,
      %get3A_159 = arith.index_cast %scan3A_151 : i32 to index
      %get3A_160 = arith.constant 16 : index
      %get3A_161 = tpu.vector_load %arg17[%get3A_159, %get3A_160] {strides = array<i32>} : memref<80x128xf32, #tpu.memory_space<vmem>>, vector<1x16xf32>,
      %get3A_162 = vector.shape_cast %get3A_161 : vector<1x16xf32> to vector<16xf32>
      %swap3A_163 = arith.index_cast %scan3A_151 : i32 to index
      %swap3A_164 = arith.constant 16 : index
      %swap3A_165 = tpu.vector_load %arg15[%swap3A_163, %swap3A_164] {strides = array<i32>} : memref<80x128xf32, #tpu.memory_space<vmem>>, vector<1x16xf32>,
      %swap3A_166 = vector.shape_cast %swap3A_165 : vector<1x16xf32> to vector<16xf32>
      %swap3A_167 = vector.shape_cast %get3A_162 : vector<16xf32> to vector<1x16xf32>
      tpu.vector_store %arg15[%swap3A_163, %swap3A_164], %swap3A_167 {add = true, strides = array<i32>} : memref<80x128xf32, #tpu.memory_space<vmem>>, vector<1x16xf32>,
      %get3A_168 = arith.index_cast %scan3A_151 : i32 to index
      %get3A_169 = arith.constant 32 : index
      %get3A_170 = tpu.vector_load %arg17[%get3A_168, %get3A_169] {strides = array<i32>} : memref<80x128xf32, #tpu.memory_space<vmem>>, vector<1x16xf32>,
      %get3A_171 = vector.shape_cast %get3A_170 : vector<1x16xf32> to vector<16xf32>
      %swap3A_172 = arith.index_cast %scan3A_151 : i32 to index
      %swap3A_173 = arith.constant 32 : index
      %swap3A_174 = tpu.vector_load %arg15[%swap3A_172, %swap3A_173] {strides = array<i32>} : memref<80x128xf32, #tpu.memory_space<vmem>>, vector<1x16xf32>,
      %swap3A_175 = vector.shape_cast %swap3A_174 : vector<1x16xf32> to vector<16xf32>
      %swap3A_176 = vector.shape_cast %get3A_171 : vector<16xf32> to vector<1x16xf32>
      tpu.vector_store %arg15[%swap3A_172, %swap3A_173], %swap3A_176 {add = true, strides = array<i32>} : memref<80x128xf32, #tpu.memory_space<vmem>>, vector<1x16xf32>,
      %get3A_177 = arith.index_cast %scan3A_151 : i32 to index
      %get3A_178 = arith.constant 48 : index
      %get3A_179 = tpu.vector_load %arg17[%get3A_177, %get3A_178] {strides = array<i32>} : memref<80x128xf32, #tpu.memory_space<vmem>>, vector<1x16xf32>,
      %get3A_180 = vector.shape_cast %get3A_179 : vector<1x16xf32> to vector<16xf32>
      %swap3A_181 = arith.index_cast %scan3A_151 : i32 to index
      %swap3A_182 = arith.constant 48 : index
      %swap3A_183 = tpu.vector_load %arg15[%swap3A_181, %swap3A_182] {strides = array<i32>} : memref<80x128xf32, #tpu.memory_space<vmem>>, vector<1x16xf32>,
      %swap3A_184 = vector.shape_cast %swap3A_183 : vector<1x16xf32> to vector<16xf32>
      %swap3A_185 = vector.shape_cast %get3A_180 : vector<16xf32> to vector<1x16xf32>
      tpu.vector_store %arg15[%swap3A_181, %swap3A_182], %swap3A_185 {add = true, strides = array<i32>} : memref<80x128xf32, #tpu.memory_space<vmem>>, vector<1x16xf32>,
      %get3A_186 = arith.index_cast %scan3A_151 : i32 to index
      %get3A_187 = arith.constant 64 : index
      %get3A_188 = tpu.vector_load %arg17[%get3A_186, %get3A_187] {strides = array<i32>} : memref<80x128xf32, #tpu.memory_space<vmem>>, vector<1x16xf32>,
      %get3A_189 = vector.shape_cast %get3A_188 : vector<1x16xf32> to vector<16xf32>
      %swap3A_190 = arith.index_cast %scan3A_151 : i32 to index
      %swap3A_191 = arith.constant 64 : index
      %swap3A_192 = tpu.vector_load %arg15[%swap3A_190, %swap3A_191] {strides = array<i32>} : memref<80x128xf32, #tpu.memory_space<vmem>>, vector<1x16xf32>,
      %swap3A_193 = vector.shape_cast %swap3A_192 : vector<1x16xf32> to vector<16xf32>
      %swap3A_194 = vector.shape_cast %get3A_189 : vector<16xf32> to vector<1x16xf32>
      tpu.vector_store %arg15[%swap3A_190, %swap3A_191], %swap3A_194 {add = true, strides = array<i32>} : memref<80x128xf32, #tpu.memory_space<vmem>>, vector<1x16xf32>,
      %get3A_195 = arith.index_cast %scan3A_151 : i32 to index
      %get3A_196 = arith.constant 80 : index
      %get3A_197 = tpu.vector_load %arg17[%get3A_195, %get3A_196] {strides = array<i32>} : memref<80x128xf32, #tpu.memory_space<vmem>>, vector<1x16xf32>,
      %get3A_198 = vector.shape_cast %get3A_197 : vector<1x16xf32> to vector<16xf32>
      %swap3A_199 = arith.index_cast %scan3A_151 : i32 to index
      %swap3A_200 = arith.constant 80 : index
      %swap3A_201 = tpu.vector_load %arg15[%swap3A_199, %swap3A_200] {strides = array<i32>} : memref<80x128xf32, #tpu.memory_space<vmem>>, vector<1x16xf32>,
      %swap3A_202 = vector.shape_cast %swap3A_201 : vector<1x16xf32> to vector<16xf32>
      %swap3A_203 = vector.shape_cast %get3A_198 : vector<16xf32> to vector<1x16xf32>
      tpu.vector_store %arg15[%swap3A_199, %swap3A_200], %swap3A_203 {add = true, strides = array<i32>} : memref<80x128xf32, #tpu.memory_space<vmem>>, vector<1x16xf32>,
      %get3A_204 = arith.index_cast %scan3A_151 : i32 to index
      %get3A_205 = arith.constant 96 : index
      %get3A_206 = tpu.vector_load %arg17[%get3A_204, %get3A_205] {strides = array<i32>} : memref<80x128xf32, #tpu.memory_space<vmem>>, vector<1x16xf32>,
      %get3A_207 = vector.shape_cast %get3A_206 : vector<1x16xf32> to vector<16xf32>
      %swap3A_208 = arith.index_cast %scan3A_151 : i32 to index
      %swap3A_209 = arith.constant 96 : index
      %swap3A_210 = tpu.vector_load %arg15[%swap3A_208, %swap3A_209] {strides = array<i32>} : memref<80x128xf32, #tpu.memory_space<vmem>>, vector<1x16xf32>,
      %swap3A_211 = vector.shape_cast %swap3A_210 : vector<1x16xf32> to vector<16xf32>
      %swap3A_212 = vector.shape_cast %get3A_207 : vector<16xf32> to vector<1x16xf32>
      tpu.vector_store %arg15[%swap3A_208, %swap3A_209], %swap3A_212 {add = true, strides = array<i32>} : memref<80x128xf32, #tpu.memory_space<vmem>>, vector<1x16xf32>,
      %get3A_213 = arith.index_cast %scan3A_151 : i32 to index
      %get3A_214 = arith.constant 112 : index
      %get3A_215 = tpu.vector_load %arg17[%get3A_213, %get3A_214] {strides = array<i32>} : memref<80x128xf32, #tpu.memory_space<vmem>>, vector<1x16xf32>,
      %get3A_216 = vector.shape_cast %get3A_215 : vector<1x16xf32> to vector<16xf32>
      %swap3A_217 = arith.index_cast %scan3A_151 : i32 to index
      %swap3A_218 = arith.constant 112 : index
      %swap3A_219 = tpu.vector_load %arg15[%swap3A_217, %swap3A_218] {strides = array<i32>} : memref<80x128xf32, #tpu.memory_space<vmem>>, vector<1x16xf32>,
      %swap3A_220 = vector.shape_cast %swap3A_219 : vector<1x16xf32> to vector<16xf32>
      %swap3A_221 = vector.shape_cast %get3A_216 : vector<16xf32> to vector<1x16xf32>
      tpu.vector_store %arg15[%swap3A_217, %swap3A_218], %swap3A_221 {add = true, strides = array<i32>} : memref<80x128xf32, #tpu.memory_space<vmem>>, vector<1x16xf32>,
    }
    %scan3A_133 = arith.constant 80 : i32
    %dma_wait3A_134 = arith.constant 0 : i32
    %dma_wait3A_135 = arith.constant 0 : i32
    %dma_wait3A_136 = tpu.memref_slice %arg7[%dma_wait3A_134, %dma_wait3A_135] : memref<10240x128xf32, #tpu.memory_space<vmem_shared>> -> memref<10240x128xf32, #tpu.memory_space<vmem_shared>>
    tpu.wait_indirect_dma semaphore(%arg27 : memref<!tpu.dma_semaphore, #tpu.memory_space<semaphore_mem>>) src(%arg14 : memref<80x128xf32, #tpu.memory_space<vmem>>) dst(%dma_wait3A_136 : memref<10240x128xf32, #tpu.memory_space<vmem_shared>>)
    %dma_start3A_137 = arith.constant 0 : i32
    %dma_start3A_138 = arith.constant 0 : i32
    %dma_start3A_139 = tpu.memref_slice %arg7[%dma_start3A_137, %dma_start3A_138] : memref<10240x128xf32, #tpu.memory_space<vmem_shared>> -> memref<10240x128xf32, #tpu.memory_space<vmem_shared>>
    tpu.enqueue_indirect_dma source(%arg15 : memref<80x128xf32, #tpu.memory_space<vmem>>) target(%dma_start3A_139 : memref<10240x128xf32, #tpu.memory_space<vmem_shared>>) offsets(%arg12 : memref<80xi32, #tpu.memory_space<vmem>>) semaphore(%arg28 : memref<!tpu.dma_semaphore, #tpu.memory_space<semaphore_mem>>) {add = true}
    %dma_wait3A_140 = arith.constant 0 : i32
    %dma_wait3A_141 = arith.constant 0 : i32
    %dma_wait3A_142 = tpu.memref_slice %arg7[%dma_wait3A_140, %dma_wait3A_141] : memref<10240x128xf32, #tpu.memory_space<vmem_shared>> -> memref<10240x128xf32, #tpu.memory_space<vmem_shared>>
    tpu.wait_indirect_dma semaphore(%arg28 : memref<!tpu.dma_semaphore, #tpu.memory_space<semaphore_mem>>) src(%arg15 : memref<80x128xf32, #tpu.memory_space<vmem>>) dst(%dma_wait3A_142 : memref<10240x128xf32, #tpu.memory_space<vmem_shared>>)
    %barrier3A_143 = arith.constant 0 : index
    tpu.barrier barrier_id(%barrier3A_143)
    %mul3A_144 = arith.constant 640 : i32
    %mul3A_145 = arith.muli %arg1, %mul3A_144 : i32
    %mul3A_146 = arith.constant 10240 : i32
    %mul3A_147 = arith.muli %arg0, %mul3A_146 : i32
    %mul3A_148 = arith.constant 640 : i32
    %mul3A_149 = arith.muli %arg1, %mul3A_148 : i32
    %add3A_150 = arith.addi %mul3A_147, %mul3A_149 : i32
    "tpu.region"() ({
      %run_scoped3A = tpu.sem_alloc : memref<!tpu.dma_semaphore, #tpu.memory_space<semaphore_mem>>
      %dma_start3A_151 = arith.constant 0 : i32
      %dma_start3A_152 = tpu.memref_slice %arg6[%add3A_150, %dma_start3A_151] : memref<20480x128xf32, #tpu.memory_space<hbm>> -> memref<640x128xf32, #tpu.memory_space<hbm>>
      %dma_start3A_153 = arith.constant 0 : i32
      %dma_start3A_154 = tpu.memref_slice %arg7[%mul3A_145, %dma_start3A_153] : memref<10240x128xf32, #tpu.memory_space<vmem_shared>> -> memref<640x128xf32, #tpu.memory_space<vmem_shared>>
      tpu.enqueue_dma source(%dma_start3A_154 : memref<640x128xf32, #tpu.memory_space<vmem_shared>>) target(%dma_start3A_152 : memref<640x128xf32, #tpu.memory_space<hbm>>) target_semaphore(%run_scoped3A : memref<!tpu.dma_semaphore, #tpu.memory_space<semaphore_mem>>)
      %dma_wait3A_155 = arith.constant 0 : i32
      %dma_wait3A_156 = tpu.memref_slice %arg6[%add3A_150, %dma_wait3A_155] : memref<20480x128xf32, #tpu.memory_space<hbm>> -> memref<640x128xf32, #tpu.memory_space<hbm>>
      %dma_wait3A_157 = arith.constant 0 : i32
      %dma_wait3A_158 = tpu.memref_slice %arg7[%mul3A_145, %dma_wait3A_157] : memref<10240x128xf32, #tpu.memory_space<vmem_shared>> -> memref<640x128xf32, #tpu.memory_space<vmem_shared>>
      tpu.wait_dma2 semaphore(%run_scoped3A : memref<!tpu.dma_semaphore, #tpu.memory_space<semaphore_mem>>) src(%dma_wait3A_158 : memref<640x128xf32, #tpu.memory_space<vmem_shared>>) dst(%dma_wait3A_156 : memref<640x128xf32, #tpu.memory_space<hbm>>)
      tpu.yield
    }) : () -> ()
    return
  }
}

module attributes {stable_mosaic.version = 14 : i64} {
  func.func @_tc_body(%arg0: i32, %arg1: memref<1000x128xf32, #tpu.memory_space<vmem>>, %arg2: memref<1000x128xf32, #tpu.memory_space<vmem>>, %arg3: memref<1000x128xf32, #tpu.memory_space<vmem>>, %arg4: memref<1000x1xi32, #tpu.memory_space<vmem>>, %arg5: memref<80x128xi32, #tpu.memory_space<vmem>>, %arg6: memref<128x256xf32, #tpu.memory_space<vmem>>, %arg7: memref<1x256xf32, #tpu.memory_space<vmem>>, %arg8: memref<256x128xf32, #tpu.memory_space<vmem>>, %arg9: memref<1x128xf32, #tpu.memory_space<vmem>>, %arg10: memref<1x128xf32, #tpu.memory_space<vmem>>, %arg11: memref<1x128xf32, #tpu.memory_space<vmem>>, %arg12: memref<1000x128xf32, #tpu.memory_space<vmem>>, %arg13: memref<1x128xf32, #tpu.memory_space<vmem>>) attributes {dimension_semantics = [#tpu.dimension_semantics<arbitrary>], iteration_bounds = array<i64: 10>, scalar_prefetch = 0 : i64, scratch_operands = 1 : i64, tpu.core_type = #tpu.core_type<tc>, window_params = [{transform_indices = @transform_0, window_bounds = array<i64: 1000, 128>}, {transform_indices = @transform_1, window_bounds = array<i64: 1000, 128>}, {transform_indices = @transform_2, window_bounds = array<i64: 1000, 128>}, {transform_indices = @transform_3, window_bounds = array<i64: 1000, 1>}, {pipeline_mode = #tpu.pipeline_mode<synchronous>, transform_indices = @transform_4, window_bounds = array<i64: 80, 128>}, {pipeline_mode = #tpu.pipeline_mode<synchronous>, transform_indices = @transform_5, window_bounds = array<i64: 128, 256>}, {pipeline_mode = #tpu.pipeline_mode<synchronous>, transform_indices = @transform_6, window_bounds = array<i64: 1, 256>}, {pipeline_mode = #tpu.pipeline_mode<synchronous>, transform_indices = @transform_7, window_bounds = array<i64: 256, 128>}, {pipeline_mode = #tpu.pipeline_mode<synchronous>, transform_indices = @transform_8, window_bounds = array<i64: 1, 128>}, {pipeline_mode = #tpu.pipeline_mode<synchronous>, transform_indices = @transform_9, window_bounds = array<i64: 1, 128>}, {pipeline_mode = #tpu.pipeline_mode<synchronous>, transform_indices = @transform_10, window_bounds = array<i64: 1, 128>}, {transform_indices = @transform_11, window_bounds = array<i64: 1000, 128>}]} {
    %eq3A = arith.constant 0 : i32
    %eq3A_0 = arith.cmpi eq, %arg0, %eq3A : i32
    %convert_element_type3A = arith.extui %eq3A_0 : i1 to i32
    %cond3A = arith.constant 0 : i32
    %cond3A_1 = arith.cmpi ne, %convert_element_type3A, %cond3A : i32
    scf.if %cond3A_1 {
      %get3A_78 = arith.constant 0 : index
      %get3A_79 = arith.constant 0 : index
      %get3A_80 = vector.load %arg5[%get3A_78, %get3A_79] : memref<80x128xi32, #tpu.memory_space<vmem>>, vector<80x128xi32>
      %iota3A_81 = tpu.iota {dimensions = array<i32: 1>} : vector<1x128xi32>
      %broadcast_in_dim3A_82 = arith.constant 0.000000e+00 : f32
      %broadcast_in_dim3A_83 = vector.broadcast %broadcast_in_dim3A_82 : f32 to vector<1x128xf32>
      %eq3A_84 = arith.constant 0 : i32
      %eq3A_85 = vector.broadcast %eq3A_84 : i32 to vector<80x128xi32>
      %eq3A_86 = arith.cmpi eq, %get3A_80, %eq3A_85 : vector<80x128xi32>
      %convert_element_type3A_87 = arith.extui %eq3A_86 : vector<80x128xi1> to vector<80x128xi32>
      %convert_element_type3A_88 = arith.sitofp %convert_element_type3A_87 : vector<80x128xi32> to vector<80x128xf32>
      %reduce_sum3A_89 = vector.shape_cast %convert_element_type3A_88 : vector<80x128xf32> to vector<1x80x128xf32>
      %reduce_sum3A_90 = arith.constant dense<0.000000e+00> : vector<1xf32>
      %reduce_sum3A_91 = vector.multi_reduction <add>, %reduce_sum3A_89, %reduce_sum3A_90 [1, 2] : vector<1x80x128xf32> to vector<1xf32>
      %reduce_sum3A_92 = vector.shape_cast %reduce_sum3A_91 : vector<1xf32> to vector<1x1x1xf32>
      %reduce_sum3A_93 = vector.extract %reduce_sum3A_92[0, 0, 0] : f32 from vector<1x1x1xf32>
      %max3A_94 = arith.constant 1.000000e+00 : f32
      %max3A_95 = arith.maximumf %reduce_sum3A_93, %max3A_94 : f32
      %rsqrt3A_96 = math.rsqrt %max3A_95 : f32
      %eq3A_97 = arith.constant 0 : i32
      %eq3A_98 = vector.broadcast %eq3A_97 : i32 to vector<1x128xi32>
      %eq3A_99 = arith.cmpi eq, %iota3A_81, %eq3A_98 : vector<1x128xi32>
      %jit3A_100 = arith.constant 0.000000e+00 : f32
      %broadcast_in_dim3A_101 = vector.broadcast %rsqrt3A_96 : f32 to vector<1x128xf32>
      %broadcast_in_dim3A_102 = vector.broadcast %jit3A_100 : f32 to vector<1x128xf32>
      %select_n3A_103 = arith.select %eq3A_99, %broadcast_in_dim3A_101, %broadcast_in_dim3A_102 : vector<1x128xi1>, vector<1x128xf32>
      %add3A_104 = arith.addf %broadcast_in_dim3A_83, %select_n3A_103 : vector<1x128xf32>
      %eq3A_105 = arith.constant 1 : i32
      %eq3A_106 = vector.broadcast %eq3A_105 : i32 to vector<80x128xi32>
      %eq3A_107 = arith.cmpi eq, %get3A_80, %eq3A_106 : vector<80x128xi32>
      %convert_element_type3A_108 = arith.extui %eq3A_107 : vector<80x128xi1> to vector<80x128xi32>
      %convert_element_type3A_109 = arith.sitofp %convert_element_type3A_108 : vector<80x128xi32> to vector<80x128xf32>
      %reduce_sum3A_110 = vector.shape_cast %convert_element_type3A_109 : vector<80x128xf32> to vector<1x80x128xf32>
      %reduce_sum3A_111 = arith.constant dense<0.000000e+00> : vector<1xf32>
      %reduce_sum3A_112 = vector.multi_reduction <add>, %reduce_sum3A_110, %reduce_sum3A_111 [1, 2] : vector<1x80x128xf32> to vector<1xf32>
      %reduce_sum3A_113 = vector.shape_cast %reduce_sum3A_112 : vector<1xf32> to vector<1x1x1xf32>
      %reduce_sum3A_114 = vector.extract %reduce_sum3A_113[0, 0, 0] : f32 from vector<1x1x1xf32>
      %max3A_115 = arith.constant 1.000000e+00 : f32
      %max3A_116 = arith.maximumf %reduce_sum3A_114, %max3A_115 : f32
      %rsqrt3A_117 = math.rsqrt %max3A_116 : f32
      %eq3A_118 = arith.constant 1 : i32
      %eq3A_119 = vector.broadcast %eq3A_118 : i32 to vector<1x128xi32>
      %eq3A_120 = arith.cmpi eq, %iota3A_81, %eq3A_119 : vector<1x128xi32>
      %jit3A_121 = arith.constant 0.000000e+00 : f32
      %broadcast_in_dim3A_122 = vector.broadcast %rsqrt3A_117 : f32 to vector<1x128xf32>
      %broadcast_in_dim3A_123 = vector.broadcast %jit3A_121 : f32 to vector<1x128xf32>
      %select_n3A_124 = arith.select %eq3A_120, %broadcast_in_dim3A_122, %broadcast_in_dim3A_123 : vector<1x128xi1>, vector<1x128xf32>
      %add3A_125 = arith.addf %add3A_104, %select_n3A_124 : vector<1x128xf32>
      %eq3A_126 = arith.constant 2 : i32
      %eq3A_127 = vector.broadcast %eq3A_126 : i32 to vector<80x128xi32>
      %eq3A_128 = arith.cmpi eq, %get3A_80, %eq3A_127 : vector<80x128xi32>
      %convert_element_type3A_129 = arith.extui %eq3A_128 : vector<80x128xi1> to vector<80x128xi32>
      %convert_element_type3A_130 = arith.sitofp %convert_element_type3A_129 : vector<80x128xi32> to vector<80x128xf32>
      %reduce_sum3A_131 = vector.shape_cast %convert_element_type3A_130 : vector<80x128xf32> to vector<1x80x128xf32>
      %reduce_sum3A_132 = arith.constant dense<0.000000e+00> : vector<1xf32>
      %reduce_sum3A_133 = vector.multi_reduction <add>, %reduce_sum3A_131, %reduce_sum3A_132 [1, 2] : vector<1x80x128xf32> to vector<1xf32>
      %reduce_sum3A_134 = vector.shape_cast %reduce_sum3A_133 : vector<1xf32> to vector<1x1x1xf32>
      %reduce_sum3A_135 = vector.extract %reduce_sum3A_134[0, 0, 0] : f32 from vector<1x1x1xf32>
      %max3A_136 = arith.constant 1.000000e+00 : f32
      %max3A_137 = arith.maximumf %reduce_sum3A_135, %max3A_136 : f32
      %rsqrt3A_138 = math.rsqrt %max3A_137 : f32
      %eq3A_139 = arith.constant 2 : i32
      %eq3A_140 = vector.broadcast %eq3A_139 : i32 to vector<1x128xi32>
      %eq3A_141 = arith.cmpi eq, %iota3A_81, %eq3A_140 : vector<1x128xi32>
      %jit3A_142 = arith.constant 0.000000e+00 : f32
      %broadcast_in_dim3A_143 = vector.broadcast %rsqrt3A_138 : f32 to vector<1x128xf32>
      %broadcast_in_dim3A_144 = vector.broadcast %jit3A_142 : f32 to vector<1x128xf32>
      %select_n3A_145 = arith.select %eq3A_141, %broadcast_in_dim3A_143, %broadcast_in_dim3A_144 : vector<1x128xi1>, vector<1x128xf32>
      %add3A_146 = arith.addf %add3A_125, %select_n3A_145 : vector<1x128xf32>
      %eq3A_147 = arith.constant 3 : i32
      %eq3A_148 = vector.broadcast %eq3A_147 : i32 to vector<80x128xi32>
      %eq3A_149 = arith.cmpi eq, %get3A_80, %eq3A_148 : vector<80x128xi32>
      %convert_element_type3A_150 = arith.extui %eq3A_149 : vector<80x128xi1> to vector<80x128xi32>
      %convert_element_type3A_151 = arith.sitofp %convert_element_type3A_150 : vector<80x128xi32> to vector<80x128xf32>
      %reduce_sum3A_152 = vector.shape_cast %convert_element_type3A_151 : vector<80x128xf32> to vector<1x80x128xf32>
      %reduce_sum3A_153 = arith.constant dense<0.000000e+00> : vector<1xf32>
      %reduce_sum3A_154 = vector.multi_reduction <add>, %reduce_sum3A_152, %reduce_sum3A_153 [1, 2] : vector<1x80x128xf32> to vector<1xf32>
      %reduce_sum3A_155 = vector.shape_cast %reduce_sum3A_154 : vector<1xf32> to vector<1x1x1xf32>
      %reduce_sum3A_156 = vector.extract %reduce_sum3A_155[0, 0, 0] : f32 from vector<1x1x1xf32>
      %max3A_157 = arith.constant 1.000000e+00 : f32
      %max3A_158 = arith.maximumf %reduce_sum3A_156, %max3A_157 : f32
      %rsqrt3A_159 = math.rsqrt %max3A_158 : f32
      %eq3A_160 = arith.constant 3 : i32
      %eq3A_161 = vector.broadcast %eq3A_160 : i32 to vector<1x128xi32>
      %eq3A_162 = arith.cmpi eq, %iota3A_81, %eq3A_161 : vector<1x128xi32>
      %jit3A_163 = arith.constant 0.000000e+00 : f32
      %broadcast_in_dim3A_164 = vector.broadcast %rsqrt3A_159 : f32 to vector<1x128xf32>
      %broadcast_in_dim3A_165 = vector.broadcast %jit3A_163 : f32 to vector<1x128xf32>
      %select_n3A_166 = arith.select %eq3A_162, %broadcast_in_dim3A_164, %broadcast_in_dim3A_165 : vector<1x128xi1>, vector<1x128xf32>
      %add3A_167 = arith.addf %add3A_146, %select_n3A_166 : vector<1x128xf32>
      %eq3A_168 = arith.constant 4 : i32
      %eq3A_169 = vector.broadcast %eq3A_168 : i32 to vector<80x128xi32>
      %eq3A_170 = arith.cmpi eq, %get3A_80, %eq3A_169 : vector<80x128xi32>
      %convert_element_type3A_171 = arith.extui %eq3A_170 : vector<80x128xi1> to vector<80x128xi32>
      %convert_element_type3A_172 = arith.sitofp %convert_element_type3A_171 : vector<80x128xi32> to vector<80x128xf32>
      %reduce_sum3A_173 = vector.shape_cast %convert_element_type3A_172 : vector<80x128xf32> to vector<1x80x128xf32>
      %reduce_sum3A_174 = arith.constant dense<0.000000e+00> : vector<1xf32>
      %reduce_sum3A_175 = vector.multi_reduction <add>, %reduce_sum3A_173, %reduce_sum3A_174 [1, 2] : vector<1x80x128xf32> to vector<1xf32>
      %reduce_sum3A_176 = vector.shape_cast %reduce_sum3A_175 : vector<1xf32> to vector<1x1x1xf32>
      %reduce_sum3A_177 = vector.extract %reduce_sum3A_176[0, 0, 0] : f32 from vector<1x1x1xf32>
      %max3A_178 = arith.constant 1.000000e+00 : f32
      %max3A_179 = arith.maximumf %reduce_sum3A_177, %max3A_178 : f32
      %rsqrt3A_180 = math.rsqrt %max3A_179 : f32
      %eq3A_181 = arith.constant 4 : i32
      %eq3A_182 = vector.broadcast %eq3A_181 : i32 to vector<1x128xi32>
      %eq3A_183 = arith.cmpi eq, %iota3A_81, %eq3A_182 : vector<1x128xi32>
      %jit3A_184 = arith.constant 0.000000e+00 : f32
      %broadcast_in_dim3A_185 = vector.broadcast %rsqrt3A_180 : f32 to vector<1x128xf32>
      %broadcast_in_dim3A_186 = vector.broadcast %jit3A_184 : f32 to vector<1x128xf32>
      %select_n3A_187 = arith.select %eq3A_183, %broadcast_in_dim3A_185, %broadcast_in_dim3A_186 : vector<1x128xi1>, vector<1x128xf32>
      %add3A_188 = arith.addf %add3A_167, %select_n3A_187 : vector<1x128xf32>
      %eq3A_189 = arith.constant 5 : i32
      %eq3A_190 = vector.broadcast %eq3A_189 : i32 to vector<80x128xi32>
      %eq3A_191 = arith.cmpi eq, %get3A_80, %eq3A_190 : vector<80x128xi32>
      %convert_element_type3A_192 = arith.extui %eq3A_191 : vector<80x128xi1> to vector<80x128xi32>
      %convert_element_type3A_193 = arith.sitofp %convert_element_type3A_192 : vector<80x128xi32> to vector<80x128xf32>
      %reduce_sum3A_194 = vector.shape_cast %convert_element_type3A_193 : vector<80x128xf32> to vector<1x80x128xf32>
      %reduce_sum3A_195 = arith.constant dense<0.000000e+00> : vector<1xf32>
      %reduce_sum3A_196 = vector.multi_reduction <add>, %reduce_sum3A_194, %reduce_sum3A_195 [1, 2] : vector<1x80x128xf32> to vector<1xf32>
      %reduce_sum3A_197 = vector.shape_cast %reduce_sum3A_196 : vector<1xf32> to vector<1x1x1xf32>
      %reduce_sum3A_198 = vector.extract %reduce_sum3A_197[0, 0, 0] : f32 from vector<1x1x1xf32>
      %max3A_199 = arith.constant 1.000000e+00 : f32
      %max3A_200 = arith.maximumf %reduce_sum3A_198, %max3A_199 : f32
      %rsqrt3A_201 = math.rsqrt %max3A_200 : f32
      %eq3A_202 = arith.constant 5 : i32
      %eq3A_203 = vector.broadcast %eq3A_202 : i32 to vector<1x128xi32>
      %eq3A_204 = arith.cmpi eq, %iota3A_81, %eq3A_203 : vector<1x128xi32>
      %jit3A_205 = arith.constant 0.000000e+00 : f32
      %broadcast_in_dim3A_206 = vector.broadcast %rsqrt3A_201 : f32 to vector<1x128xf32>
      %broadcast_in_dim3A_207 = vector.broadcast %jit3A_205 : f32 to vector<1x128xf32>
      %select_n3A_208 = arith.select %eq3A_204, %broadcast_in_dim3A_206, %broadcast_in_dim3A_207 : vector<1x128xi1>, vector<1x128xf32>
      %add3A_209 = arith.addf %add3A_188, %select_n3A_208 : vector<1x128xf32>
      %eq3A_210 = arith.constant 6 : i32
      %eq3A_211 = vector.broadcast %eq3A_210 : i32 to vector<80x128xi32>
      %eq3A_212 = arith.cmpi eq, %get3A_80, %eq3A_211 : vector<80x128xi32>
      %convert_element_type3A_213 = arith.extui %eq3A_212 : vector<80x128xi1> to vector<80x128xi32>
      %convert_element_type3A_214 = arith.sitofp %convert_element_type3A_213 : vector<80x128xi32> to vector<80x128xf32>
      %reduce_sum3A_215 = vector.shape_cast %convert_element_type3A_214 : vector<80x128xf32> to vector<1x80x128xf32>
      %reduce_sum3A_216 = arith.constant dense<0.000000e+00> : vector<1xf32>
      %reduce_sum3A_217 = vector.multi_reduction <add>, %reduce_sum3A_215, %reduce_sum3A_216 [1, 2] : vector<1x80x128xf32> to vector<1xf32>
      %reduce_sum3A_218 = vector.shape_cast %reduce_sum3A_217 : vector<1xf32> to vector<1x1x1xf32>
      %reduce_sum3A_219 = vector.extract %reduce_sum3A_218[0, 0, 0] : f32 from vector<1x1x1xf32>
      %max3A_220 = arith.constant 1.000000e+00 : f32
      %max3A_221 = arith.maximumf %reduce_sum3A_219, %max3A_220 : f32
      %rsqrt3A_222 = math.rsqrt %max3A_221 : f32
      %eq3A_223 = arith.constant 6 : i32
      %eq3A_224 = vector.broadcast %eq3A_223 : i32 to vector<1x128xi32>
      %eq3A_225 = arith.cmpi eq, %iota3A_81, %eq3A_224 : vector<1x128xi32>
      %jit3A_226 = arith.constant 0.000000e+00 : f32
      %broadcast_in_dim3A_227 = vector.broadcast %rsqrt3A_222 : f32 to vector<1x128xf32>
      %broadcast_in_dim3A_228 = vector.broadcast %jit3A_226 : f32 to vector<1x128xf32>
      %select_n3A_229 = arith.select %eq3A_225, %broadcast_in_dim3A_227, %broadcast_in_dim3A_228 : vector<1x128xi1>, vector<1x128xf32>
      %add3A_230 = arith.addf %add3A_209, %select_n3A_229 : vector<1x128xf32>
      %eq3A_231 = arith.constant 7 : i32
      %eq3A_232 = vector.broadcast %eq3A_231 : i32 to vector<80x128xi32>
      %eq3A_233 = arith.cmpi eq, %get3A_80, %eq3A_232 : vector<80x128xi32>
      %convert_element_type3A_234 = arith.extui %eq3A_233 : vector<80x128xi1> to vector<80x128xi32>
      %convert_element_type3A_235 = arith.sitofp %convert_element_type3A_234 : vector<80x128xi32> to vector<80x128xf32>
      %reduce_sum3A_236 = vector.shape_cast %convert_element_type3A_235 : vector<80x128xf32> to vector<1x80x128xf32>
      %reduce_sum3A_237 = arith.constant dense<0.000000e+00> : vector<1xf32>
      %reduce_sum3A_238 = vector.multi_reduction <add>, %reduce_sum3A_236, %reduce_sum3A_237 [1, 2] : vector<1x80x128xf32> to vector<1xf32>
      %reduce_sum3A_239 = vector.shape_cast %reduce_sum3A_238 : vector<1xf32> to vector<1x1x1xf32>
      %reduce_sum3A_240 = vector.extract %reduce_sum3A_239[0, 0, 0] : f32 from vector<1x1x1xf32>
      %max3A_241 = arith.constant 1.000000e+00 : f32
      %max3A_242 = arith.maximumf %reduce_sum3A_240, %max3A_241 : f32
      %rsqrt3A_243 = math.rsqrt %max3A_242 : f32
      %eq3A_244 = arith.constant 7 : i32
      %eq3A_245 = vector.broadcast %eq3A_244 : i32 to vector<1x128xi32>
      %eq3A_246 = arith.cmpi eq, %iota3A_81, %eq3A_245 : vector<1x128xi32>
      %jit3A_247 = arith.constant 0.000000e+00 : f32
      %broadcast_in_dim3A_248 = vector.broadcast %rsqrt3A_243 : f32 to vector<1x128xf32>
      %broadcast_in_dim3A_249 = vector.broadcast %jit3A_247 : f32 to vector<1x128xf32>
      %select_n3A_250 = arith.select %eq3A_246, %broadcast_in_dim3A_248, %broadcast_in_dim3A_249 : vector<1x128xi1>, vector<1x128xf32>
      %add3A_251 = arith.addf %add3A_230, %select_n3A_250 : vector<1x128xf32>
      %eq3A_252 = arith.constant 8 : i32
      %eq3A_253 = vector.broadcast %eq3A_252 : i32 to vector<80x128xi32>
      %eq3A_254 = arith.cmpi eq, %get3A_80, %eq3A_253 : vector<80x128xi32>
      %convert_element_type3A_255 = arith.extui %eq3A_254 : vector<80x128xi1> to vector<80x128xi32>
      %convert_element_type3A_256 = arith.sitofp %convert_element_type3A_255 : vector<80x128xi32> to vector<80x128xf32>
      %reduce_sum3A_257 = vector.shape_cast %convert_element_type3A_256 : vector<80x128xf32> to vector<1x80x128xf32>
      %reduce_sum3A_258 = arith.constant dense<0.000000e+00> : vector<1xf32>
      %reduce_sum3A_259 = vector.multi_reduction <add>, %reduce_sum3A_257, %reduce_sum3A_258 [1, 2] : vector<1x80x128xf32> to vector<1xf32>
      %reduce_sum3A_260 = vector.shape_cast %reduce_sum3A_259 : vector<1xf32> to vector<1x1x1xf32>
      %reduce_sum3A_261 = vector.extract %reduce_sum3A_260[0, 0, 0] : f32 from vector<1x1x1xf32>
      %max3A_262 = arith.constant 1.000000e+00 : f32
      %max3A_263 = arith.maximumf %reduce_sum3A_261, %max3A_262 : f32
      %rsqrt3A_264 = math.rsqrt %max3A_263 : f32
      %eq3A_265 = arith.constant 8 : i32
      %eq3A_266 = vector.broadcast %eq3A_265 : i32 to vector<1x128xi32>
      %eq3A_267 = arith.cmpi eq, %iota3A_81, %eq3A_266 : vector<1x128xi32>
      %jit3A_268 = arith.constant 0.000000e+00 : f32
      %broadcast_in_dim3A_269 = vector.broadcast %rsqrt3A_264 : f32 to vector<1x128xf32>
      %broadcast_in_dim3A_270 = vector.broadcast %jit3A_268 : f32 to vector<1x128xf32>
      %select_n3A_271 = arith.select %eq3A_267, %broadcast_in_dim3A_269, %broadcast_in_dim3A_270 : vector<1x128xi1>, vector<1x128xf32>
      %add3A_272 = arith.addf %add3A_251, %select_n3A_271 : vector<1x128xf32>
      %eq3A_273 = arith.constant 9 : i32
      %eq3A_274 = vector.broadcast %eq3A_273 : i32 to vector<80x128xi32>
      %eq3A_275 = arith.cmpi eq, %get3A_80, %eq3A_274 : vector<80x128xi32>
      %convert_element_type3A_276 = arith.extui %eq3A_275 : vector<80x128xi1> to vector<80x128xi32>
      %convert_element_type3A_277 = arith.sitofp %convert_element_type3A_276 : vector<80x128xi32> to vector<80x128xf32>
      %reduce_sum3A_278 = vector.shape_cast %convert_element_type3A_277 : vector<80x128xf32> to vector<1x80x128xf32>
      %reduce_sum3A_279 = arith.constant dense<0.000000e+00> : vector<1xf32>
      %reduce_sum3A_280 = vector.multi_reduction <add>, %reduce_sum3A_278, %reduce_sum3A_279 [1, 2] : vector<1x80x128xf32> to vector<1xf32>
      %reduce_sum3A_281 = vector.shape_cast %reduce_sum3A_280 : vector<1xf32> to vector<1x1x1xf32>
      %reduce_sum3A_282 = vector.extract %reduce_sum3A_281[0, 0, 0] : f32 from vector<1x1x1xf32>
      %max3A_283 = arith.constant 1.000000e+00 : f32
      %max3A_284 = arith.maximumf %reduce_sum3A_282, %max3A_283 : f32
      %rsqrt3A_285 = math.rsqrt %max3A_284 : f32
      %eq3A_286 = arith.constant 9 : i32
      %eq3A_287 = vector.broadcast %eq3A_286 : i32 to vector<1x128xi32>
      %eq3A_288 = arith.cmpi eq, %iota3A_81, %eq3A_287 : vector<1x128xi32>
      %jit3A_289 = arith.constant 0.000000e+00 : f32
      %broadcast_in_dim3A_290 = vector.broadcast %rsqrt3A_285 : f32 to vector<1x128xf32>
      %broadcast_in_dim3A_291 = vector.broadcast %jit3A_289 : f32 to vector<1x128xf32>
      %select_n3A_292 = arith.select %eq3A_288, %broadcast_in_dim3A_290, %broadcast_in_dim3A_291 : vector<1x128xi1>, vector<1x128xf32>
      %add3A_293 = arith.addf %add3A_272, %select_n3A_292 : vector<1x128xf32>
      %eq3A_294 = arith.constant 10 : i32
      %eq3A_295 = vector.broadcast %eq3A_294 : i32 to vector<80x128xi32>
      %eq3A_296 = arith.cmpi eq, %get3A_80, %eq3A_295 : vector<80x128xi32>
      %convert_element_type3A_297 = arith.extui %eq3A_296 : vector<80x128xi1> to vector<80x128xi32>
      %convert_element_type3A_298 = arith.sitofp %convert_element_type3A_297 : vector<80x128xi32> to vector<80x128xf32>
      %reduce_sum3A_299 = vector.shape_cast %convert_element_type3A_298 : vector<80x128xf32> to vector<1x80x128xf32>
      %reduce_sum3A_300 = arith.constant dense<0.000000e+00> : vector<1xf32>
      %reduce_sum3A_301 = vector.multi_reduction <add>, %reduce_sum3A_299, %reduce_sum3A_300 [1, 2] : vector<1x80x128xf32> to vector<1xf32>
      %reduce_sum3A_302 = vector.shape_cast %reduce_sum3A_301 : vector<1xf32> to vector<1x1x1xf32>
      %reduce_sum3A_303 = vector.extract %reduce_sum3A_302[0, 0, 0] : f32 from vector<1x1x1xf32>
      %max3A_304 = arith.constant 1.000000e+00 : f32
      %max3A_305 = arith.maximumf %reduce_sum3A_303, %max3A_304 : f32
      %rsqrt3A_306 = math.rsqrt %max3A_305 : f32
      %eq3A_307 = arith.constant 10 : i32
      %eq3A_308 = vector.broadcast %eq3A_307 : i32 to vector<1x128xi32>
      %eq3A_309 = arith.cmpi eq, %iota3A_81, %eq3A_308 : vector<1x128xi32>
      %jit3A_310 = arith.constant 0.000000e+00 : f32
      %broadcast_in_dim3A_311 = vector.broadcast %rsqrt3A_306 : f32 to vector<1x128xf32>
      %broadcast_in_dim3A_312 = vector.broadcast %jit3A_310 : f32 to vector<1x128xf32>
      %select_n3A_313 = arith.select %eq3A_309, %broadcast_in_dim3A_311, %broadcast_in_dim3A_312 : vector<1x128xi1>, vector<1x128xf32>
      %add3A_314 = arith.addf %add3A_293, %select_n3A_313 : vector<1x128xf32>
      %eq3A_315 = arith.constant 11 : i32
      %eq3A_316 = vector.broadcast %eq3A_315 : i32 to vector<80x128xi32>
      %eq3A_317 = arith.cmpi eq, %get3A_80, %eq3A_316 : vector<80x128xi32>
      %convert_element_type3A_318 = arith.extui %eq3A_317 : vector<80x128xi1> to vector<80x128xi32>
      %convert_element_type3A_319 = arith.sitofp %convert_element_type3A_318 : vector<80x128xi32> to vector<80x128xf32>
      %reduce_sum3A_320 = vector.shape_cast %convert_element_type3A_319 : vector<80x128xf32> to vector<1x80x128xf32>
      %reduce_sum3A_321 = arith.constant dense<0.000000e+00> : vector<1xf32>
      %reduce_sum3A_322 = vector.multi_reduction <add>, %reduce_sum3A_320, %reduce_sum3A_321 [1, 2] : vector<1x80x128xf32> to vector<1xf32>
      %reduce_sum3A_323 = vector.shape_cast %reduce_sum3A_322 : vector<1xf32> to vector<1x1x1xf32>
      %reduce_sum3A_324 = vector.extract %reduce_sum3A_323[0, 0, 0] : f32 from vector<1x1x1xf32>
      %max3A_325 = arith.constant 1.000000e+00 : f32
      %max3A_326 = arith.maximumf %reduce_sum3A_324, %max3A_325 : f32
      %rsqrt3A_327 = math.rsqrt %max3A_326 : f32
      %eq3A_328 = arith.constant 11 : i32
      %eq3A_329 = vector.broadcast %eq3A_328 : i32 to vector<1x128xi32>
      %eq3A_330 = arith.cmpi eq, %iota3A_81, %eq3A_329 : vector<1x128xi32>
      %jit3A_331 = arith.constant 0.000000e+00 : f32
      %broadcast_in_dim3A_332 = vector.broadcast %rsqrt3A_327 : f32 to vector<1x128xf32>
      %broadcast_in_dim3A_333 = vector.broadcast %jit3A_331 : f32 to vector<1x128xf32>
      %select_n3A_334 = arith.select %eq3A_330, %broadcast_in_dim3A_332, %broadcast_in_dim3A_333 : vector<1x128xi1>, vector<1x128xf32>
      %add3A_335 = arith.addf %add3A_314, %select_n3A_334 : vector<1x128xf32>
      %eq3A_336 = arith.constant 12 : i32
      %eq3A_337 = vector.broadcast %eq3A_336 : i32 to vector<80x128xi32>
      %eq3A_338 = arith.cmpi eq, %get3A_80, %eq3A_337 : vector<80x128xi32>
      %convert_element_type3A_339 = arith.extui %eq3A_338 : vector<80x128xi1> to vector<80x128xi32>
      %convert_element_type3A_340 = arith.sitofp %convert_element_type3A_339 : vector<80x128xi32> to vector<80x128xf32>
      %reduce_sum3A_341 = vector.shape_cast %convert_element_type3A_340 : vector<80x128xf32> to vector<1x80x128xf32>
      %reduce_sum3A_342 = arith.constant dense<0.000000e+00> : vector<1xf32>
      %reduce_sum3A_343 = vector.multi_reduction <add>, %reduce_sum3A_341, %reduce_sum3A_342 [1, 2] : vector<1x80x128xf32> to vector<1xf32>
      %reduce_sum3A_344 = vector.shape_cast %reduce_sum3A_343 : vector<1xf32> to vector<1x1x1xf32>
      %reduce_sum3A_345 = vector.extract %reduce_sum3A_344[0, 0, 0] : f32 from vector<1x1x1xf32>
      %max3A_346 = arith.constant 1.000000e+00 : f32
      %max3A_347 = arith.maximumf %reduce_sum3A_345, %max3A_346 : f32
      %rsqrt3A_348 = math.rsqrt %max3A_347 : f32
      %eq3A_349 = arith.constant 12 : i32
      %eq3A_350 = vector.broadcast %eq3A_349 : i32 to vector<1x128xi32>
      %eq3A_351 = arith.cmpi eq, %iota3A_81, %eq3A_350 : vector<1x128xi32>
      %jit3A_352 = arith.constant 0.000000e+00 : f32
      %broadcast_in_dim3A_353 = vector.broadcast %rsqrt3A_348 : f32 to vector<1x128xf32>
      %broadcast_in_dim3A_354 = vector.broadcast %jit3A_352 : f32 to vector<1x128xf32>
      %select_n3A_355 = arith.select %eq3A_351, %broadcast_in_dim3A_353, %broadcast_in_dim3A_354 : vector<1x128xi1>, vector<1x128xf32>
      %add3A_356 = arith.addf %add3A_335, %select_n3A_355 : vector<1x128xf32>
      %eq3A_357 = arith.constant 13 : i32
      %eq3A_358 = vector.broadcast %eq3A_357 : i32 to vector<80x128xi32>
      %eq3A_359 = arith.cmpi eq, %get3A_80, %eq3A_358 : vector<80x128xi32>
      %convert_element_type3A_360 = arith.extui %eq3A_359 : vector<80x128xi1> to vector<80x128xi32>
      %convert_element_type3A_361 = arith.sitofp %convert_element_type3A_360 : vector<80x128xi32> to vector<80x128xf32>
      %reduce_sum3A_362 = vector.shape_cast %convert_element_type3A_361 : vector<80x128xf32> to vector<1x80x128xf32>
      %reduce_sum3A_363 = arith.constant dense<0.000000e+00> : vector<1xf32>
      %reduce_sum3A_364 = vector.multi_reduction <add>, %reduce_sum3A_362, %reduce_sum3A_363 [1, 2] : vector<1x80x128xf32> to vector<1xf32>
      %reduce_sum3A_365 = vector.shape_cast %reduce_sum3A_364 : vector<1xf32> to vector<1x1x1xf32>
      %reduce_sum3A_366 = vector.extract %reduce_sum3A_365[0, 0, 0] : f32 from vector<1x1x1xf32>
      %max3A_367 = arith.constant 1.000000e+00 : f32
      %max3A_368 = arith.maximumf %reduce_sum3A_366, %max3A_367 : f32
      %rsqrt3A_369 = math.rsqrt %max3A_368 : f32
      %eq3A_370 = arith.constant 13 : i32
      %eq3A_371 = vector.broadcast %eq3A_370 : i32 to vector<1x128xi32>
      %eq3A_372 = arith.cmpi eq, %iota3A_81, %eq3A_371 : vector<1x128xi32>
      %jit3A_373 = arith.constant 0.000000e+00 : f32
      %broadcast_in_dim3A_374 = vector.broadcast %rsqrt3A_369 : f32 to vector<1x128xf32>
      %broadcast_in_dim3A_375 = vector.broadcast %jit3A_373 : f32 to vector<1x128xf32>
      %select_n3A_376 = arith.select %eq3A_372, %broadcast_in_dim3A_374, %broadcast_in_dim3A_375 : vector<1x128xi1>, vector<1x128xf32>
      %add3A_377 = arith.addf %add3A_356, %select_n3A_376 : vector<1x128xf32>
      %eq3A_378 = arith.constant 14 : i32
      %eq3A_379 = vector.broadcast %eq3A_378 : i32 to vector<80x128xi32>
      %eq3A_380 = arith.cmpi eq, %get3A_80, %eq3A_379 : vector<80x128xi32>
      %convert_element_type3A_381 = arith.extui %eq3A_380 : vector<80x128xi1> to vector<80x128xi32>
      %convert_element_type3A_382 = arith.sitofp %convert_element_type3A_381 : vector<80x128xi32> to vector<80x128xf32>
      %reduce_sum3A_383 = vector.shape_cast %convert_element_type3A_382 : vector<80x128xf32> to vector<1x80x128xf32>
      %reduce_sum3A_384 = arith.constant dense<0.000000e+00> : vector<1xf32>
      %reduce_sum3A_385 = vector.multi_reduction <add>, %reduce_sum3A_383, %reduce_sum3A_384 [1, 2] : vector<1x80x128xf32> to vector<1xf32>
      %reduce_sum3A_386 = vector.shape_cast %reduce_sum3A_385 : vector<1xf32> to vector<1x1x1xf32>
      %reduce_sum3A_387 = vector.extract %reduce_sum3A_386[0, 0, 0] : f32 from vector<1x1x1xf32>
      %max3A_388 = arith.constant 1.000000e+00 : f32
      %max3A_389 = arith.maximumf %reduce_sum3A_387, %max3A_388 : f32
      %rsqrt3A_390 = math.rsqrt %max3A_389 : f32
      %eq3A_391 = arith.constant 14 : i32
      %eq3A_392 = vector.broadcast %eq3A_391 : i32 to vector<1x128xi32>
      %eq3A_393 = arith.cmpi eq, %iota3A_81, %eq3A_392 : vector<1x128xi32>
      %jit3A_394 = arith.constant 0.000000e+00 : f32
      %broadcast_in_dim3A_395 = vector.broadcast %rsqrt3A_390 : f32 to vector<1x128xf32>
      %broadcast_in_dim3A_396 = vector.broadcast %jit3A_394 : f32 to vector<1x128xf32>
      %select_n3A_397 = arith.select %eq3A_393, %broadcast_in_dim3A_395, %broadcast_in_dim3A_396 : vector<1x128xi1>, vector<1x128xf32>
      %add3A_398 = arith.addf %add3A_377, %select_n3A_397 : vector<1x128xf32>
      %eq3A_399 = arith.constant 15 : i32
      %eq3A_400 = vector.broadcast %eq3A_399 : i32 to vector<80x128xi32>
      %eq3A_401 = arith.cmpi eq, %get3A_80, %eq3A_400 : vector<80x128xi32>
      %convert_element_type3A_402 = arith.extui %eq3A_401 : vector<80x128xi1> to vector<80x128xi32>
      %convert_element_type3A_403 = arith.sitofp %convert_element_type3A_402 : vector<80x128xi32> to vector<80x128xf32>
      %reduce_sum3A_404 = vector.shape_cast %convert_element_type3A_403 : vector<80x128xf32> to vector<1x80x128xf32>
      %reduce_sum3A_405 = arith.constant dense<0.000000e+00> : vector<1xf32>
      %reduce_sum3A_406 = vector.multi_reduction <add>, %reduce_sum3A_404, %reduce_sum3A_405 [1, 2] : vector<1x80x128xf32> to vector<1xf32>
      %reduce_sum3A_407 = vector.shape_cast %reduce_sum3A_406 : vector<1xf32> to vector<1x1x1xf32>
      %reduce_sum3A_408 = vector.extract %reduce_sum3A_407[0, 0, 0] : f32 from vector<1x1x1xf32>
      %max3A_409 = arith.constant 1.000000e+00 : f32
      %max3A_410 = arith.maximumf %reduce_sum3A_408, %max3A_409 : f32
      %rsqrt3A_411 = math.rsqrt %max3A_410 : f32
      %eq3A_412 = arith.constant 15 : i32
      %eq3A_413 = vector.broadcast %eq3A_412 : i32 to vector<1x128xi32>
      %eq3A_414 = arith.cmpi eq, %iota3A_81, %eq3A_413 : vector<1x128xi32>
      %jit3A_415 = arith.constant 0.000000e+00 : f32
      %broadcast_in_dim3A_416 = vector.broadcast %rsqrt3A_411 : f32 to vector<1x128xf32>
      %broadcast_in_dim3A_417 = vector.broadcast %jit3A_415 : f32 to vector<1x128xf32>
      %select_n3A_418 = arith.select %eq3A_414, %broadcast_in_dim3A_416, %broadcast_in_dim3A_417 : vector<1x128xi1>, vector<1x128xf32>
      %add3A_419 = arith.addf %add3A_398, %select_n3A_418 : vector<1x128xf32>
      %eq3A_420 = arith.constant 16 : i32
      %eq3A_421 = vector.broadcast %eq3A_420 : i32 to vector<80x128xi32>
      %eq3A_422 = arith.cmpi eq, %get3A_80, %eq3A_421 : vector<80x128xi32>
      %convert_element_type3A_423 = arith.extui %eq3A_422 : vector<80x128xi1> to vector<80x128xi32>
      %convert_element_type3A_424 = arith.sitofp %convert_element_type3A_423 : vector<80x128xi32> to vector<80x128xf32>
      %reduce_sum3A_425 = vector.shape_cast %convert_element_type3A_424 : vector<80x128xf32> to vector<1x80x128xf32>
      %reduce_sum3A_426 = arith.constant dense<0.000000e+00> : vector<1xf32>
      %reduce_sum3A_427 = vector.multi_reduction <add>, %reduce_sum3A_425, %reduce_sum3A_426 [1, 2] : vector<1x80x128xf32> to vector<1xf32>
      %reduce_sum3A_428 = vector.shape_cast %reduce_sum3A_427 : vector<1xf32> to vector<1x1x1xf32>
      %reduce_sum3A_429 = vector.extract %reduce_sum3A_428[0, 0, 0] : f32 from vector<1x1x1xf32>
      %max3A_430 = arith.constant 1.000000e+00 : f32
      %max3A_431 = arith.maximumf %reduce_sum3A_429, %max3A_430 : f32
      %rsqrt3A_432 = math.rsqrt %max3A_431 : f32
      %eq3A_433 = arith.constant 16 : i32
      %eq3A_434 = vector.broadcast %eq3A_433 : i32 to vector<1x128xi32>
      %eq3A_435 = arith.cmpi eq, %iota3A_81, %eq3A_434 : vector<1x128xi32>
      %jit3A_436 = arith.constant 0.000000e+00 : f32
      %broadcast_in_dim3A_437 = vector.broadcast %rsqrt3A_432 : f32 to vector<1x128xf32>
      %broadcast_in_dim3A_438 = vector.broadcast %jit3A_436 : f32 to vector<1x128xf32>
      %select_n3A_439 = arith.select %eq3A_435, %broadcast_in_dim3A_437, %broadcast_in_dim3A_438 : vector<1x128xi1>, vector<1x128xf32>
      %add3A_440 = arith.addf %add3A_419, %select_n3A_439 : vector<1x128xf32>
      %eq3A_441 = arith.constant 17 : i32
      %eq3A_442 = vector.broadcast %eq3A_441 : i32 to vector<80x128xi32>
      %eq3A_443 = arith.cmpi eq, %get3A_80, %eq3A_442 : vector<80x128xi32>
      %convert_element_type3A_444 = arith.extui %eq3A_443 : vector<80x128xi1> to vector<80x128xi32>
      %convert_element_type3A_445 = arith.sitofp %convert_element_type3A_444 : vector<80x128xi32> to vector<80x128xf32>
      %reduce_sum3A_446 = vector.shape_cast %convert_element_type3A_445 : vector<80x128xf32> to vector<1x80x128xf32>
      %reduce_sum3A_447 = arith.constant dense<0.000000e+00> : vector<1xf32>
      %reduce_sum3A_448 = vector.multi_reduction <add>, %reduce_sum3A_446, %reduce_sum3A_447 [1, 2] : vector<1x80x128xf32> to vector<1xf32>
      %reduce_sum3A_449 = vector.shape_cast %reduce_sum3A_448 : vector<1xf32> to vector<1x1x1xf32>
      %reduce_sum3A_450 = vector.extract %reduce_sum3A_449[0, 0, 0] : f32 from vector<1x1x1xf32>
      %max3A_451 = arith.constant 1.000000e+00 : f32
      %max3A_452 = arith.maximumf %reduce_sum3A_450, %max3A_451 : f32
      %rsqrt3A_453 = math.rsqrt %max3A_452 : f32
      %eq3A_454 = arith.constant 17 : i32
      %eq3A_455 = vector.broadcast %eq3A_454 : i32 to vector<1x128xi32>
      %eq3A_456 = arith.cmpi eq, %iota3A_81, %eq3A_455 : vector<1x128xi32>
      %jit3A_457 = arith.constant 0.000000e+00 : f32
      %broadcast_in_dim3A_458 = vector.broadcast %rsqrt3A_453 : f32 to vector<1x128xf32>
      %broadcast_in_dim3A_459 = vector.broadcast %jit3A_457 : f32 to vector<1x128xf32>
      %select_n3A_460 = arith.select %eq3A_456, %broadcast_in_dim3A_458, %broadcast_in_dim3A_459 : vector<1x128xi1>, vector<1x128xf32>
      %add3A_461 = arith.addf %add3A_440, %select_n3A_460 : vector<1x128xf32>
      %eq3A_462 = arith.constant 18 : i32
      %eq3A_463 = vector.broadcast %eq3A_462 : i32 to vector<80x128xi32>
      %eq3A_464 = arith.cmpi eq, %get3A_80, %eq3A_463 : vector<80x128xi32>
      %convert_element_type3A_465 = arith.extui %eq3A_464 : vector<80x128xi1> to vector<80x128xi32>
      %convert_element_type3A_466 = arith.sitofp %convert_element_type3A_465 : vector<80x128xi32> to vector<80x128xf32>
      %reduce_sum3A_467 = vector.shape_cast %convert_element_type3A_466 : vector<80x128xf32> to vector<1x80x128xf32>
      %reduce_sum3A_468 = arith.constant dense<0.000000e+00> : vector<1xf32>
      %reduce_sum3A_469 = vector.multi_reduction <add>, %reduce_sum3A_467, %reduce_sum3A_468 [1, 2] : vector<1x80x128xf32> to vector<1xf32>
      %reduce_sum3A_470 = vector.shape_cast %reduce_sum3A_469 : vector<1xf32> to vector<1x1x1xf32>
      %reduce_sum3A_471 = vector.extract %reduce_sum3A_470[0, 0, 0] : f32 from vector<1x1x1xf32>
      %max3A_472 = arith.constant 1.000000e+00 : f32
      %max3A_473 = arith.maximumf %reduce_sum3A_471, %max3A_472 : f32
      %rsqrt3A_474 = math.rsqrt %max3A_473 : f32
      %eq3A_475 = arith.constant 18 : i32
      %eq3A_476 = vector.broadcast %eq3A_475 : i32 to vector<1x128xi32>
      %eq3A_477 = arith.cmpi eq, %iota3A_81, %eq3A_476 : vector<1x128xi32>
      %jit3A_478 = arith.constant 0.000000e+00 : f32
      %broadcast_in_dim3A_479 = vector.broadcast %rsqrt3A_474 : f32 to vector<1x128xf32>
      %broadcast_in_dim3A_480 = vector.broadcast %jit3A_478 : f32 to vector<1x128xf32>
      %select_n3A_481 = arith.select %eq3A_477, %broadcast_in_dim3A_479, %broadcast_in_dim3A_480 : vector<1x128xi1>, vector<1x128xf32>
      %add3A_482 = arith.addf %add3A_461, %select_n3A_481 : vector<1x128xf32>
      %eq3A_483 = arith.constant 19 : i32
      %eq3A_484 = vector.broadcast %eq3A_483 : i32 to vector<80x128xi32>
      %eq3A_485 = arith.cmpi eq, %get3A_80, %eq3A_484 : vector<80x128xi32>
      %convert_element_type3A_486 = arith.extui %eq3A_485 : vector<80x128xi1> to vector<80x128xi32>
      %convert_element_type3A_487 = arith.sitofp %convert_element_type3A_486 : vector<80x128xi32> to vector<80x128xf32>
      %reduce_sum3A_488 = vector.shape_cast %convert_element_type3A_487 : vector<80x128xf32> to vector<1x80x128xf32>
      %reduce_sum3A_489 = arith.constant dense<0.000000e+00> : vector<1xf32>
      %reduce_sum3A_490 = vector.multi_reduction <add>, %reduce_sum3A_488, %reduce_sum3A_489 [1, 2] : vector<1x80x128xf32> to vector<1xf32>
      %reduce_sum3A_491 = vector.shape_cast %reduce_sum3A_490 : vector<1xf32> to vector<1x1x1xf32>
      %reduce_sum3A_492 = vector.extract %reduce_sum3A_491[0, 0, 0] : f32 from vector<1x1x1xf32>
      %max3A_493 = arith.constant 1.000000e+00 : f32
      %max3A_494 = arith.maximumf %reduce_sum3A_492, %max3A_493 : f32
      %rsqrt3A_495 = math.rsqrt %max3A_494 : f32
      %eq3A_496 = arith.constant 19 : i32
      %eq3A_497 = vector.broadcast %eq3A_496 : i32 to vector<1x128xi32>
      %eq3A_498 = arith.cmpi eq, %iota3A_81, %eq3A_497 : vector<1x128xi32>
      %jit3A_499 = arith.constant 0.000000e+00 : f32
      %broadcast_in_dim3A_500 = vector.broadcast %rsqrt3A_495 : f32 to vector<1x128xf32>
      %broadcast_in_dim3A_501 = vector.broadcast %jit3A_499 : f32 to vector<1x128xf32>
      %select_n3A_502 = arith.select %eq3A_498, %broadcast_in_dim3A_500, %broadcast_in_dim3A_501 : vector<1x128xi1>, vector<1x128xf32>
      %add3A_503 = arith.addf %add3A_482, %select_n3A_502 : vector<1x128xf32>
      %eq3A_504 = arith.constant 20 : i32
      %eq3A_505 = vector.broadcast %eq3A_504 : i32 to vector<80x128xi32>
      %eq3A_506 = arith.cmpi eq, %get3A_80, %eq3A_505 : vector<80x128xi32>
      %convert_element_type3A_507 = arith.extui %eq3A_506 : vector<80x128xi1> to vector<80x128xi32>
      %convert_element_type3A_508 = arith.sitofp %convert_element_type3A_507 : vector<80x128xi32> to vector<80x128xf32>
      %reduce_sum3A_509 = vector.shape_cast %convert_element_type3A_508 : vector<80x128xf32> to vector<1x80x128xf32>
      %reduce_sum3A_510 = arith.constant dense<0.000000e+00> : vector<1xf32>
      %reduce_sum3A_511 = vector.multi_reduction <add>, %reduce_sum3A_509, %reduce_sum3A_510 [1, 2] : vector<1x80x128xf32> to vector<1xf32>
      %reduce_sum3A_512 = vector.shape_cast %reduce_sum3A_511 : vector<1xf32> to vector<1x1x1xf32>
      %reduce_sum3A_513 = vector.extract %reduce_sum3A_512[0, 0, 0] : f32 from vector<1x1x1xf32>
      %max3A_514 = arith.constant 1.000000e+00 : f32
      %max3A_515 = arith.maximumf %reduce_sum3A_513, %max3A_514 : f32
      %rsqrt3A_516 = math.rsqrt %max3A_515 : f32
      %eq3A_517 = arith.constant 20 : i32
      %eq3A_518 = vector.broadcast %eq3A_517 : i32 to vector<1x128xi32>
      %eq3A_519 = arith.cmpi eq, %iota3A_81, %eq3A_518 : vector<1x128xi32>
      %jit3A_520 = arith.constant 0.000000e+00 : f32
      %broadcast_in_dim3A_521 = vector.broadcast %rsqrt3A_516 : f32 to vector<1x128xf32>
      %broadcast_in_dim3A_522 = vector.broadcast %jit3A_520 : f32 to vector<1x128xf32>
      %select_n3A_523 = arith.select %eq3A_519, %broadcast_in_dim3A_521, %broadcast_in_dim3A_522 : vector<1x128xi1>, vector<1x128xf32>
      %add3A_524 = arith.addf %add3A_503, %select_n3A_523 : vector<1x128xf32>
      %eq3A_525 = arith.constant 21 : i32
      %eq3A_526 = vector.broadcast %eq3A_525 : i32 to vector<80x128xi32>
      %eq3A_527 = arith.cmpi eq, %get3A_80, %eq3A_526 : vector<80x128xi32>
      %convert_element_type3A_528 = arith.extui %eq3A_527 : vector<80x128xi1> to vector<80x128xi32>
      %convert_element_type3A_529 = arith.sitofp %convert_element_type3A_528 : vector<80x128xi32> to vector<80x128xf32>
      %reduce_sum3A_530 = vector.shape_cast %convert_element_type3A_529 : vector<80x128xf32> to vector<1x80x128xf32>
      %reduce_sum3A_531 = arith.constant dense<0.000000e+00> : vector<1xf32>
      %reduce_sum3A_532 = vector.multi_reduction <add>, %reduce_sum3A_530, %reduce_sum3A_531 [1, 2] : vector<1x80x128xf32> to vector<1xf32>
      %reduce_sum3A_533 = vector.shape_cast %reduce_sum3A_532 : vector<1xf32> to vector<1x1x1xf32>
      %reduce_sum3A_534 = vector.extract %reduce_sum3A_533[0, 0, 0] : f32 from vector<1x1x1xf32>
      %max3A_535 = arith.constant 1.000000e+00 : f32
      %max3A_536 = arith.maximumf %reduce_sum3A_534, %max3A_535 : f32
      %rsqrt3A_537 = math.rsqrt %max3A_536 : f32
      %eq3A_538 = arith.constant 21 : i32
      %eq3A_539 = vector.broadcast %eq3A_538 : i32 to vector<1x128xi32>
      %eq3A_540 = arith.cmpi eq, %iota3A_81, %eq3A_539 : vector<1x128xi32>
      %jit3A_541 = arith.constant 0.000000e+00 : f32
      %broadcast_in_dim3A_542 = vector.broadcast %rsqrt3A_537 : f32 to vector<1x128xf32>
      %broadcast_in_dim3A_543 = vector.broadcast %jit3A_541 : f32 to vector<1x128xf32>
      %select_n3A_544 = arith.select %eq3A_540, %broadcast_in_dim3A_542, %broadcast_in_dim3A_543 : vector<1x128xi1>, vector<1x128xf32>
      %add3A_545 = arith.addf %add3A_524, %select_n3A_544 : vector<1x128xf32>
      %eq3A_546 = arith.constant 22 : i32
      %eq3A_547 = vector.broadcast %eq3A_546 : i32 to vector<80x128xi32>
      %eq3A_548 = arith.cmpi eq, %get3A_80, %eq3A_547 : vector<80x128xi32>
      %convert_element_type3A_549 = arith.extui %eq3A_548 : vector<80x128xi1> to vector<80x128xi32>
      %convert_element_type3A_550 = arith.sitofp %convert_element_type3A_549 : vector<80x128xi32> to vector<80x128xf32>
      %reduce_sum3A_551 = vector.shape_cast %convert_element_type3A_550 : vector<80x128xf32> to vector<1x80x128xf32>
      %reduce_sum3A_552 = arith.constant dense<0.000000e+00> : vector<1xf32>
      %reduce_sum3A_553 = vector.multi_reduction <add>, %reduce_sum3A_551, %reduce_sum3A_552 [1, 2] : vector<1x80x128xf32> to vector<1xf32>
      %reduce_sum3A_554 = vector.shape_cast %reduce_sum3A_553 : vector<1xf32> to vector<1x1x1xf32>
      %reduce_sum3A_555 = vector.extract %reduce_sum3A_554[0, 0, 0] : f32 from vector<1x1x1xf32>
      %max3A_556 = arith.constant 1.000000e+00 : f32
      %max3A_557 = arith.maximumf %reduce_sum3A_555, %max3A_556 : f32
      %rsqrt3A_558 = math.rsqrt %max3A_557 : f32
      %eq3A_559 = arith.constant 22 : i32
      %eq3A_560 = vector.broadcast %eq3A_559 : i32 to vector<1x128xi32>
      %eq3A_561 = arith.cmpi eq, %iota3A_81, %eq3A_560 : vector<1x128xi32>
      %jit3A_562 = arith.constant 0.000000e+00 : f32
      %broadcast_in_dim3A_563 = vector.broadcast %rsqrt3A_558 : f32 to vector<1x128xf32>
      %broadcast_in_dim3A_564 = vector.broadcast %jit3A_562 : f32 to vector<1x128xf32>
      %select_n3A_565 = arith.select %eq3A_561, %broadcast_in_dim3A_563, %broadcast_in_dim3A_564 : vector<1x128xi1>, vector<1x128xf32>
      %add3A_566 = arith.addf %add3A_545, %select_n3A_565 : vector<1x128xf32>
      %eq3A_567 = arith.constant 23 : i32
      %eq3A_568 = vector.broadcast %eq3A_567 : i32 to vector<80x128xi32>
      %eq3A_569 = arith.cmpi eq, %get3A_80, %eq3A_568 : vector<80x128xi32>
      %convert_element_type3A_570 = arith.extui %eq3A_569 : vector<80x128xi1> to vector<80x128xi32>
      %convert_element_type3A_571 = arith.sitofp %convert_element_type3A_570 : vector<80x128xi32> to vector<80x128xf32>
      %reduce_sum3A_572 = vector.shape_cast %convert_element_type3A_571 : vector<80x128xf32> to vector<1x80x128xf32>
      %reduce_sum3A_573 = arith.constant dense<0.000000e+00> : vector<1xf32>
      %reduce_sum3A_574 = vector.multi_reduction <add>, %reduce_sum3A_572, %reduce_sum3A_573 [1, 2] : vector<1x80x128xf32> to vector<1xf32>
      %reduce_sum3A_575 = vector.shape_cast %reduce_sum3A_574 : vector<1xf32> to vector<1x1x1xf32>
      %reduce_sum3A_576 = vector.extract %reduce_sum3A_575[0, 0, 0] : f32 from vector<1x1x1xf32>
      %max3A_577 = arith.constant 1.000000e+00 : f32
      %max3A_578 = arith.maximumf %reduce_sum3A_576, %max3A_577 : f32
      %rsqrt3A_579 = math.rsqrt %max3A_578 : f32
      %eq3A_580 = arith.constant 23 : i32
      %eq3A_581 = vector.broadcast %eq3A_580 : i32 to vector<1x128xi32>
      %eq3A_582 = arith.cmpi eq, %iota3A_81, %eq3A_581 : vector<1x128xi32>
      %jit3A_583 = arith.constant 0.000000e+00 : f32
      %broadcast_in_dim3A_584 = vector.broadcast %rsqrt3A_579 : f32 to vector<1x128xf32>
      %broadcast_in_dim3A_585 = vector.broadcast %jit3A_583 : f32 to vector<1x128xf32>
      %select_n3A_586 = arith.select %eq3A_582, %broadcast_in_dim3A_584, %broadcast_in_dim3A_585 : vector<1x128xi1>, vector<1x128xf32>
      %add3A_587 = arith.addf %add3A_566, %select_n3A_586 : vector<1x128xf32>
      %eq3A_588 = arith.constant 24 : i32
      %eq3A_589 = vector.broadcast %eq3A_588 : i32 to vector<80x128xi32>
      %eq3A_590 = arith.cmpi eq, %get3A_80, %eq3A_589 : vector<80x128xi32>
      %convert_element_type3A_591 = arith.extui %eq3A_590 : vector<80x128xi1> to vector<80x128xi32>
      %convert_element_type3A_592 = arith.sitofp %convert_element_type3A_591 : vector<80x128xi32> to vector<80x128xf32>
      %reduce_sum3A_593 = vector.shape_cast %convert_element_type3A_592 : vector<80x128xf32> to vector<1x80x128xf32>
      %reduce_sum3A_594 = arith.constant dense<0.000000e+00> : vector<1xf32>
      %reduce_sum3A_595 = vector.multi_reduction <add>, %reduce_sum3A_593, %reduce_sum3A_594 [1, 2] : vector<1x80x128xf32> to vector<1xf32>
      %reduce_sum3A_596 = vector.shape_cast %reduce_sum3A_595 : vector<1xf32> to vector<1x1x1xf32>
      %reduce_sum3A_597 = vector.extract %reduce_sum3A_596[0, 0, 0] : f32 from vector<1x1x1xf32>
      %max3A_598 = arith.constant 1.000000e+00 : f32
      %max3A_599 = arith.maximumf %reduce_sum3A_597, %max3A_598 : f32
      %rsqrt3A_600 = math.rsqrt %max3A_599 : f32
      %eq3A_601 = arith.constant 24 : i32
      %eq3A_602 = vector.broadcast %eq3A_601 : i32 to vector<1x128xi32>
      %eq3A_603 = arith.cmpi eq, %iota3A_81, %eq3A_602 : vector<1x128xi32>
      %jit3A_604 = arith.constant 0.000000e+00 : f32
      %broadcast_in_dim3A_605 = vector.broadcast %rsqrt3A_600 : f32 to vector<1x128xf32>
      %broadcast_in_dim3A_606 = vector.broadcast %jit3A_604 : f32 to vector<1x128xf32>
      %select_n3A_607 = arith.select %eq3A_603, %broadcast_in_dim3A_605, %broadcast_in_dim3A_606 : vector<1x128xi1>, vector<1x128xf32>
      %add3A_608 = arith.addf %add3A_587, %select_n3A_607 : vector<1x128xf32>
      %eq3A_609 = arith.constant 25 : i32
      %eq3A_610 = vector.broadcast %eq3A_609 : i32 to vector<80x128xi32>
      %eq3A_611 = arith.cmpi eq, %get3A_80, %eq3A_610 : vector<80x128xi32>
      %convert_element_type3A_612 = arith.extui %eq3A_611 : vector<80x128xi1> to vector<80x128xi32>
      %convert_element_type3A_613 = arith.sitofp %convert_element_type3A_612 : vector<80x128xi32> to vector<80x128xf32>
      %reduce_sum3A_614 = vector.shape_cast %convert_element_type3A_613 : vector<80x128xf32> to vector<1x80x128xf32>
      %reduce_sum3A_615 = arith.constant dense<0.000000e+00> : vector<1xf32>
      %reduce_sum3A_616 = vector.multi_reduction <add>, %reduce_sum3A_614, %reduce_sum3A_615 [1, 2] : vector<1x80x128xf32> to vector<1xf32>
      %reduce_sum3A_617 = vector.shape_cast %reduce_sum3A_616 : vector<1xf32> to vector<1x1x1xf32>
      %reduce_sum3A_618 = vector.extract %reduce_sum3A_617[0, 0, 0] : f32 from vector<1x1x1xf32>
      %max3A_619 = arith.constant 1.000000e+00 : f32
      %max3A_620 = arith.maximumf %reduce_sum3A_618, %max3A_619 : f32
      %rsqrt3A_621 = math.rsqrt %max3A_620 : f32
      %eq3A_622 = arith.constant 25 : i32
      %eq3A_623 = vector.broadcast %eq3A_622 : i32 to vector<1x128xi32>
      %eq3A_624 = arith.cmpi eq, %iota3A_81, %eq3A_623 : vector<1x128xi32>
      %jit3A_625 = arith.constant 0.000000e+00 : f32
      %broadcast_in_dim3A_626 = vector.broadcast %rsqrt3A_621 : f32 to vector<1x128xf32>
      %broadcast_in_dim3A_627 = vector.broadcast %jit3A_625 : f32 to vector<1x128xf32>
      %select_n3A_628 = arith.select %eq3A_624, %broadcast_in_dim3A_626, %broadcast_in_dim3A_627 : vector<1x128xi1>, vector<1x128xf32>
      %add3A_629 = arith.addf %add3A_608, %select_n3A_628 : vector<1x128xf32>
      %eq3A_630 = arith.constant 26 : i32
      %eq3A_631 = vector.broadcast %eq3A_630 : i32 to vector<80x128xi32>
      %eq3A_632 = arith.cmpi eq, %get3A_80, %eq3A_631 : vector<80x128xi32>
      %convert_element_type3A_633 = arith.extui %eq3A_632 : vector<80x128xi1> to vector<80x128xi32>
      %convert_element_type3A_634 = arith.sitofp %convert_element_type3A_633 : vector<80x128xi32> to vector<80x128xf32>
      %reduce_sum3A_635 = vector.shape_cast %convert_element_type3A_634 : vector<80x128xf32> to vector<1x80x128xf32>
      %reduce_sum3A_636 = arith.constant dense<0.000000e+00> : vector<1xf32>
      %reduce_sum3A_637 = vector.multi_reduction <add>, %reduce_sum3A_635, %reduce_sum3A_636 [1, 2] : vector<1x80x128xf32> to vector<1xf32>
      %reduce_sum3A_638 = vector.shape_cast %reduce_sum3A_637 : vector<1xf32> to vector<1x1x1xf32>
      %reduce_sum3A_639 = vector.extract %reduce_sum3A_638[0, 0, 0] : f32 from vector<1x1x1xf32>
      %max3A_640 = arith.constant 1.000000e+00 : f32
      %max3A_641 = arith.maximumf %reduce_sum3A_639, %max3A_640 : f32
      %rsqrt3A_642 = math.rsqrt %max3A_641 : f32
      %eq3A_643 = arith.constant 26 : i32
      %eq3A_644 = vector.broadcast %eq3A_643 : i32 to vector<1x128xi32>
      %eq3A_645 = arith.cmpi eq, %iota3A_81, %eq3A_644 : vector<1x128xi32>
      %jit3A_646 = arith.constant 0.000000e+00 : f32
      %broadcast_in_dim3A_647 = vector.broadcast %rsqrt3A_642 : f32 to vector<1x128xf32>
      %broadcast_in_dim3A_648 = vector.broadcast %jit3A_646 : f32 to vector<1x128xf32>
      %select_n3A_649 = arith.select %eq3A_645, %broadcast_in_dim3A_647, %broadcast_in_dim3A_648 : vector<1x128xi1>, vector<1x128xf32>
      %add3A_650 = arith.addf %add3A_629, %select_n3A_649 : vector<1x128xf32>
      %eq3A_651 = arith.constant 27 : i32
      %eq3A_652 = vector.broadcast %eq3A_651 : i32 to vector<80x128xi32>
      %eq3A_653 = arith.cmpi eq, %get3A_80, %eq3A_652 : vector<80x128xi32>
      %convert_element_type3A_654 = arith.extui %eq3A_653 : vector<80x128xi1> to vector<80x128xi32>
      %convert_element_type3A_655 = arith.sitofp %convert_element_type3A_654 : vector<80x128xi32> to vector<80x128xf32>
      %reduce_sum3A_656 = vector.shape_cast %convert_element_type3A_655 : vector<80x128xf32> to vector<1x80x128xf32>
      %reduce_sum3A_657 = arith.constant dense<0.000000e+00> : vector<1xf32>
      %reduce_sum3A_658 = vector.multi_reduction <add>, %reduce_sum3A_656, %reduce_sum3A_657 [1, 2] : vector<1x80x128xf32> to vector<1xf32>
      %reduce_sum3A_659 = vector.shape_cast %reduce_sum3A_658 : vector<1xf32> to vector<1x1x1xf32>
      %reduce_sum3A_660 = vector.extract %reduce_sum3A_659[0, 0, 0] : f32 from vector<1x1x1xf32>
      %max3A_661 = arith.constant 1.000000e+00 : f32
      %max3A_662 = arith.maximumf %reduce_sum3A_660, %max3A_661 : f32
      %rsqrt3A_663 = math.rsqrt %max3A_662 : f32
      %eq3A_664 = arith.constant 27 : i32
      %eq3A_665 = vector.broadcast %eq3A_664 : i32 to vector<1x128xi32>
      %eq3A_666 = arith.cmpi eq, %iota3A_81, %eq3A_665 : vector<1x128xi32>
      %jit3A_667 = arith.constant 0.000000e+00 : f32
      %broadcast_in_dim3A_668 = vector.broadcast %rsqrt3A_663 : f32 to vector<1x128xf32>
      %broadcast_in_dim3A_669 = vector.broadcast %jit3A_667 : f32 to vector<1x128xf32>
      %select_n3A_670 = arith.select %eq3A_666, %broadcast_in_dim3A_668, %broadcast_in_dim3A_669 : vector<1x128xi1>, vector<1x128xf32>
      %add3A_671 = arith.addf %add3A_650, %select_n3A_670 : vector<1x128xf32>
      %eq3A_672 = arith.constant 28 : i32
      %eq3A_673 = vector.broadcast %eq3A_672 : i32 to vector<80x128xi32>
      %eq3A_674 = arith.cmpi eq, %get3A_80, %eq3A_673 : vector<80x128xi32>
      %convert_element_type3A_675 = arith.extui %eq3A_674 : vector<80x128xi1> to vector<80x128xi32>
      %convert_element_type3A_676 = arith.sitofp %convert_element_type3A_675 : vector<80x128xi32> to vector<80x128xf32>
      %reduce_sum3A_677 = vector.shape_cast %convert_element_type3A_676 : vector<80x128xf32> to vector<1x80x128xf32>
      %reduce_sum3A_678 = arith.constant dense<0.000000e+00> : vector<1xf32>
      %reduce_sum3A_679 = vector.multi_reduction <add>, %reduce_sum3A_677, %reduce_sum3A_678 [1, 2] : vector<1x80x128xf32> to vector<1xf32>
      %reduce_sum3A_680 = vector.shape_cast %reduce_sum3A_679 : vector<1xf32> to vector<1x1x1xf32>
      %reduce_sum3A_681 = vector.extract %reduce_sum3A_680[0, 0, 0] : f32 from vector<1x1x1xf32>
      %max3A_682 = arith.constant 1.000000e+00 : f32
      %max3A_683 = arith.maximumf %reduce_sum3A_681, %max3A_682 : f32
      %rsqrt3A_684 = math.rsqrt %max3A_683 : f32
      %eq3A_685 = arith.constant 28 : i32
      %eq3A_686 = vector.broadcast %eq3A_685 : i32 to vector<1x128xi32>
      %eq3A_687 = arith.cmpi eq, %iota3A_81, %eq3A_686 : vector<1x128xi32>
      %jit3A_688 = arith.constant 0.000000e+00 : f32
      %broadcast_in_dim3A_689 = vector.broadcast %rsqrt3A_684 : f32 to vector<1x128xf32>
      %broadcast_in_dim3A_690 = vector.broadcast %jit3A_688 : f32 to vector<1x128xf32>
      %select_n3A_691 = arith.select %eq3A_687, %broadcast_in_dim3A_689, %broadcast_in_dim3A_690 : vector<1x128xi1>, vector<1x128xf32>
      %add3A_692 = arith.addf %add3A_671, %select_n3A_691 : vector<1x128xf32>
      %eq3A_693 = arith.constant 29 : i32
      %eq3A_694 = vector.broadcast %eq3A_693 : i32 to vector<80x128xi32>
      %eq3A_695 = arith.cmpi eq, %get3A_80, %eq3A_694 : vector<80x128xi32>
      %convert_element_type3A_696 = arith.extui %eq3A_695 : vector<80x128xi1> to vector<80x128xi32>
      %convert_element_type3A_697 = arith.sitofp %convert_element_type3A_696 : vector<80x128xi32> to vector<80x128xf32>
      %reduce_sum3A_698 = vector.shape_cast %convert_element_type3A_697 : vector<80x128xf32> to vector<1x80x128xf32>
      %reduce_sum3A_699 = arith.constant dense<0.000000e+00> : vector<1xf32>
      %reduce_sum3A_700 = vector.multi_reduction <add>, %reduce_sum3A_698, %reduce_sum3A_699 [1, 2] : vector<1x80x128xf32> to vector<1xf32>
      %reduce_sum3A_701 = vector.shape_cast %reduce_sum3A_700 : vector<1xf32> to vector<1x1x1xf32>
      %reduce_sum3A_702 = vector.extract %reduce_sum3A_701[0, 0, 0] : f32 from vector<1x1x1xf32>
      %max3A_703 = arith.constant 1.000000e+00 : f32
      %max3A_704 = arith.maximumf %reduce_sum3A_702, %max3A_703 : f32
      %rsqrt3A_705 = math.rsqrt %max3A_704 : f32
      %eq3A_706 = arith.constant 29 : i32
      %eq3A_707 = vector.broadcast %eq3A_706 : i32 to vector<1x128xi32>
      %eq3A_708 = arith.cmpi eq, %iota3A_81, %eq3A_707 : vector<1x128xi32>
      %jit3A_709 = arith.constant 0.000000e+00 : f32
      %broadcast_in_dim3A_710 = vector.broadcast %rsqrt3A_705 : f32 to vector<1x128xf32>
      %broadcast_in_dim3A_711 = vector.broadcast %jit3A_709 : f32 to vector<1x128xf32>
      %select_n3A_712 = arith.select %eq3A_708, %broadcast_in_dim3A_710, %broadcast_in_dim3A_711 : vector<1x128xi1>, vector<1x128xf32>
      %add3A_713 = arith.addf %add3A_692, %select_n3A_712 : vector<1x128xf32>
      %eq3A_714 = arith.constant 30 : i32
      %eq3A_715 = vector.broadcast %eq3A_714 : i32 to vector<80x128xi32>
      %eq3A_716 = arith.cmpi eq, %get3A_80, %eq3A_715 : vector<80x128xi32>
      %convert_element_type3A_717 = arith.extui %eq3A_716 : vector<80x128xi1> to vector<80x128xi32>
      %convert_element_type3A_718 = arith.sitofp %convert_element_type3A_717 : vector<80x128xi32> to vector<80x128xf32>
      %reduce_sum3A_719 = vector.shape_cast %convert_element_type3A_718 : vector<80x128xf32> to vector<1x80x128xf32>
      %reduce_sum3A_720 = arith.constant dense<0.000000e+00> : vector<1xf32>
      %reduce_sum3A_721 = vector.multi_reduction <add>, %reduce_sum3A_719, %reduce_sum3A_720 [1, 2] : vector<1x80x128xf32> to vector<1xf32>
      %reduce_sum3A_722 = vector.shape_cast %reduce_sum3A_721 : vector<1xf32> to vector<1x1x1xf32>
      %reduce_sum3A_723 = vector.extract %reduce_sum3A_722[0, 0, 0] : f32 from vector<1x1x1xf32>
      %max3A_724 = arith.constant 1.000000e+00 : f32
      %max3A_725 = arith.maximumf %reduce_sum3A_723, %max3A_724 : f32
      %rsqrt3A_726 = math.rsqrt %max3A_725 : f32
      %eq3A_727 = arith.constant 30 : i32
      %eq3A_728 = vector.broadcast %eq3A_727 : i32 to vector<1x128xi32>
      %eq3A_729 = arith.cmpi eq, %iota3A_81, %eq3A_728 : vector<1x128xi32>
      %jit3A_730 = arith.constant 0.000000e+00 : f32
      %broadcast_in_dim3A_731 = vector.broadcast %rsqrt3A_726 : f32 to vector<1x128xf32>
      %broadcast_in_dim3A_732 = vector.broadcast %jit3A_730 : f32 to vector<1x128xf32>
      %select_n3A_733 = arith.select %eq3A_729, %broadcast_in_dim3A_731, %broadcast_in_dim3A_732 : vector<1x128xi1>, vector<1x128xf32>
      %add3A_734 = arith.addf %add3A_713, %select_n3A_733 : vector<1x128xf32>
      %eq3A_735 = arith.constant 31 : i32
      %eq3A_736 = vector.broadcast %eq3A_735 : i32 to vector<80x128xi32>
      %eq3A_737 = arith.cmpi eq, %get3A_80, %eq3A_736 : vector<80x128xi32>
      %convert_element_type3A_738 = arith.extui %eq3A_737 : vector<80x128xi1> to vector<80x128xi32>
      %convert_element_type3A_739 = arith.sitofp %convert_element_type3A_738 : vector<80x128xi32> to vector<80x128xf32>
      %reduce_sum3A_740 = vector.shape_cast %convert_element_type3A_739 : vector<80x128xf32> to vector<1x80x128xf32>
      %reduce_sum3A_741 = arith.constant dense<0.000000e+00> : vector<1xf32>
      %reduce_sum3A_742 = vector.multi_reduction <add>, %reduce_sum3A_740, %reduce_sum3A_741 [1, 2] : vector<1x80x128xf32> to vector<1xf32>
      %reduce_sum3A_743 = vector.shape_cast %reduce_sum3A_742 : vector<1xf32> to vector<1x1x1xf32>
      %reduce_sum3A_744 = vector.extract %reduce_sum3A_743[0, 0, 0] : f32 from vector<1x1x1xf32>
      %max3A_745 = arith.constant 1.000000e+00 : f32
      %max3A_746 = arith.maximumf %reduce_sum3A_744, %max3A_745 : f32
      %rsqrt3A_747 = math.rsqrt %max3A_746 : f32
      %eq3A_748 = arith.constant 31 : i32
      %eq3A_749 = vector.broadcast %eq3A_748 : i32 to vector<1x128xi32>
      %eq3A_750 = arith.cmpi eq, %iota3A_81, %eq3A_749 : vector<1x128xi32>
      %jit3A_751 = arith.constant 0.000000e+00 : f32
      %broadcast_in_dim3A_752 = vector.broadcast %rsqrt3A_747 : f32 to vector<1x128xf32>
      %broadcast_in_dim3A_753 = vector.broadcast %jit3A_751 : f32 to vector<1x128xf32>
      %select_n3A_754 = arith.select %eq3A_750, %broadcast_in_dim3A_752, %broadcast_in_dim3A_753 : vector<1x128xi1>, vector<1x128xf32>
      %add3A_755 = arith.addf %add3A_734, %select_n3A_754 : vector<1x128xf32>
      %eq3A_756 = arith.constant 32 : i32
      %eq3A_757 = vector.broadcast %eq3A_756 : i32 to vector<80x128xi32>
      %eq3A_758 = arith.cmpi eq, %get3A_80, %eq3A_757 : vector<80x128xi32>
      %convert_element_type3A_759 = arith.extui %eq3A_758 : vector<80x128xi1> to vector<80x128xi32>
      %convert_element_type3A_760 = arith.sitofp %convert_element_type3A_759 : vector<80x128xi32> to vector<80x128xf32>
      %reduce_sum3A_761 = vector.shape_cast %convert_element_type3A_760 : vector<80x128xf32> to vector<1x80x128xf32>
      %reduce_sum3A_762 = arith.constant dense<0.000000e+00> : vector<1xf32>
      %reduce_sum3A_763 = vector.multi_reduction <add>, %reduce_sum3A_761, %reduce_sum3A_762 [1, 2] : vector<1x80x128xf32> to vector<1xf32>
      %reduce_sum3A_764 = vector.shape_cast %reduce_sum3A_763 : vector<1xf32> to vector<1x1x1xf32>
      %reduce_sum3A_765 = vector.extract %reduce_sum3A_764[0, 0, 0] : f32 from vector<1x1x1xf32>
      %max3A_766 = arith.constant 1.000000e+00 : f32
      %max3A_767 = arith.maximumf %reduce_sum3A_765, %max3A_766 : f32
      %rsqrt3A_768 = math.rsqrt %max3A_767 : f32
      %eq3A_769 = arith.constant 32 : i32
      %eq3A_770 = vector.broadcast %eq3A_769 : i32 to vector<1x128xi32>
      %eq3A_771 = arith.cmpi eq, %iota3A_81, %eq3A_770 : vector<1x128xi32>
      %jit3A_772 = arith.constant 0.000000e+00 : f32
      %broadcast_in_dim3A_773 = vector.broadcast %rsqrt3A_768 : f32 to vector<1x128xf32>
      %broadcast_in_dim3A_774 = vector.broadcast %jit3A_772 : f32 to vector<1x128xf32>
      %select_n3A_775 = arith.select %eq3A_771, %broadcast_in_dim3A_773, %broadcast_in_dim3A_774 : vector<1x128xi1>, vector<1x128xf32>
      %add3A_776 = arith.addf %add3A_755, %select_n3A_775 : vector<1x128xf32>
      %eq3A_777 = arith.constant 33 : i32
      %eq3A_778 = vector.broadcast %eq3A_777 : i32 to vector<80x128xi32>
      %eq3A_779 = arith.cmpi eq, %get3A_80, %eq3A_778 : vector<80x128xi32>
      %convert_element_type3A_780 = arith.extui %eq3A_779 : vector<80x128xi1> to vector<80x128xi32>
      %convert_element_type3A_781 = arith.sitofp %convert_element_type3A_780 : vector<80x128xi32> to vector<80x128xf32>
      %reduce_sum3A_782 = vector.shape_cast %convert_element_type3A_781 : vector<80x128xf32> to vector<1x80x128xf32>
      %reduce_sum3A_783 = arith.constant dense<0.000000e+00> : vector<1xf32>
      %reduce_sum3A_784 = vector.multi_reduction <add>, %reduce_sum3A_782, %reduce_sum3A_783 [1, 2] : vector<1x80x128xf32> to vector<1xf32>
      %reduce_sum3A_785 = vector.shape_cast %reduce_sum3A_784 : vector<1xf32> to vector<1x1x1xf32>
      %reduce_sum3A_786 = vector.extract %reduce_sum3A_785[0, 0, 0] : f32 from vector<1x1x1xf32>
      %max3A_787 = arith.constant 1.000000e+00 : f32
      %max3A_788 = arith.maximumf %reduce_sum3A_786, %max3A_787 : f32
      %rsqrt3A_789 = math.rsqrt %max3A_788 : f32
      %eq3A_790 = arith.constant 33 : i32
      %eq3A_791 = vector.broadcast %eq3A_790 : i32 to vector<1x128xi32>
      %eq3A_792 = arith.cmpi eq, %iota3A_81, %eq3A_791 : vector<1x128xi32>
      %jit3A_793 = arith.constant 0.000000e+00 : f32
      %broadcast_in_dim3A_794 = vector.broadcast %rsqrt3A_789 : f32 to vector<1x128xf32>
      %broadcast_in_dim3A_795 = vector.broadcast %jit3A_793 : f32 to vector<1x128xf32>
      %select_n3A_796 = arith.select %eq3A_792, %broadcast_in_dim3A_794, %broadcast_in_dim3A_795 : vector<1x128xi1>, vector<1x128xf32>
      %add3A_797 = arith.addf %add3A_776, %select_n3A_796 : vector<1x128xf32>
      %eq3A_798 = arith.constant 34 : i32
      %eq3A_799 = vector.broadcast %eq3A_798 : i32 to vector<80x128xi32>
      %eq3A_800 = arith.cmpi eq, %get3A_80, %eq3A_799 : vector<80x128xi32>
      %convert_element_type3A_801 = arith.extui %eq3A_800 : vector<80x128xi1> to vector<80x128xi32>
      %convert_element_type3A_802 = arith.sitofp %convert_element_type3A_801 : vector<80x128xi32> to vector<80x128xf32>
      %reduce_sum3A_803 = vector.shape_cast %convert_element_type3A_802 : vector<80x128xf32> to vector<1x80x128xf32>
      %reduce_sum3A_804 = arith.constant dense<0.000000e+00> : vector<1xf32>
      %reduce_sum3A_805 = vector.multi_reduction <add>, %reduce_sum3A_803, %reduce_sum3A_804 [1, 2] : vector<1x80x128xf32> to vector<1xf32>
      %reduce_sum3A_806 = vector.shape_cast %reduce_sum3A_805 : vector<1xf32> to vector<1x1x1xf32>
      %reduce_sum3A_807 = vector.extract %reduce_sum3A_806[0, 0, 0] : f32 from vector<1x1x1xf32>
      %max3A_808 = arith.constant 1.000000e+00 : f32
      %max3A_809 = arith.maximumf %reduce_sum3A_807, %max3A_808 : f32
      %rsqrt3A_810 = math.rsqrt %max3A_809 : f32
      %eq3A_811 = arith.constant 34 : i32
      %eq3A_812 = vector.broadcast %eq3A_811 : i32 to vector<1x128xi32>
      %eq3A_813 = arith.cmpi eq, %iota3A_81, %eq3A_812 : vector<1x128xi32>
      %jit3A_814 = arith.constant 0.000000e+00 : f32
      %broadcast_in_dim3A_815 = vector.broadcast %rsqrt3A_810 : f32 to vector<1x128xf32>
      %broadcast_in_dim3A_816 = vector.broadcast %jit3A_814 : f32 to vector<1x128xf32>
      %select_n3A_817 = arith.select %eq3A_813, %broadcast_in_dim3A_815, %broadcast_in_dim3A_816 : vector<1x128xi1>, vector<1x128xf32>
      %add3A_818 = arith.addf %add3A_797, %select_n3A_817 : vector<1x128xf32>
      %eq3A_819 = arith.constant 35 : i32
      %eq3A_820 = vector.broadcast %eq3A_819 : i32 to vector<80x128xi32>
      %eq3A_821 = arith.cmpi eq, %get3A_80, %eq3A_820 : vector<80x128xi32>
      %convert_element_type3A_822 = arith.extui %eq3A_821 : vector<80x128xi1> to vector<80x128xi32>
      %convert_element_type3A_823 = arith.sitofp %convert_element_type3A_822 : vector<80x128xi32> to vector<80x128xf32>
      %reduce_sum3A_824 = vector.shape_cast %convert_element_type3A_823 : vector<80x128xf32> to vector<1x80x128xf32>
      %reduce_sum3A_825 = arith.constant dense<0.000000e+00> : vector<1xf32>
      %reduce_sum3A_826 = vector.multi_reduction <add>, %reduce_sum3A_824, %reduce_sum3A_825 [1, 2] : vector<1x80x128xf32> to vector<1xf32>
      %reduce_sum3A_827 = vector.shape_cast %reduce_sum3A_826 : vector<1xf32> to vector<1x1x1xf32>
      %reduce_sum3A_828 = vector.extract %reduce_sum3A_827[0, 0, 0] : f32 from vector<1x1x1xf32>
      %max3A_829 = arith.constant 1.000000e+00 : f32
      %max3A_830 = arith.maximumf %reduce_sum3A_828, %max3A_829 : f32
      %rsqrt3A_831 = math.rsqrt %max3A_830 : f32
      %eq3A_832 = arith.constant 35 : i32
      %eq3A_833 = vector.broadcast %eq3A_832 : i32 to vector<1x128xi32>
      %eq3A_834 = arith.cmpi eq, %iota3A_81, %eq3A_833 : vector<1x128xi32>
      %jit3A_835 = arith.constant 0.000000e+00 : f32
      %broadcast_in_dim3A_836 = vector.broadcast %rsqrt3A_831 : f32 to vector<1x128xf32>
      %broadcast_in_dim3A_837 = vector.broadcast %jit3A_835 : f32 to vector<1x128xf32>
      %select_n3A_838 = arith.select %eq3A_834, %broadcast_in_dim3A_836, %broadcast_in_dim3A_837 : vector<1x128xi1>, vector<1x128xf32>
      %add3A_839 = arith.addf %add3A_818, %select_n3A_838 : vector<1x128xf32>
      %eq3A_840 = arith.constant 36 : i32
      %eq3A_841 = vector.broadcast %eq3A_840 : i32 to vector<80x128xi32>
      %eq3A_842 = arith.cmpi eq, %get3A_80, %eq3A_841 : vector<80x128xi32>
      %convert_element_type3A_843 = arith.extui %eq3A_842 : vector<80x128xi1> to vector<80x128xi32>
      %convert_element_type3A_844 = arith.sitofp %convert_element_type3A_843 : vector<80x128xi32> to vector<80x128xf32>
      %reduce_sum3A_845 = vector.shape_cast %convert_element_type3A_844 : vector<80x128xf32> to vector<1x80x128xf32>
      %reduce_sum3A_846 = arith.constant dense<0.000000e+00> : vector<1xf32>
      %reduce_sum3A_847 = vector.multi_reduction <add>, %reduce_sum3A_845, %reduce_sum3A_846 [1, 2] : vector<1x80x128xf32> to vector<1xf32>
      %reduce_sum3A_848 = vector.shape_cast %reduce_sum3A_847 : vector<1xf32> to vector<1x1x1xf32>
      %reduce_sum3A_849 = vector.extract %reduce_sum3A_848[0, 0, 0] : f32 from vector<1x1x1xf32>
      %max3A_850 = arith.constant 1.000000e+00 : f32
      %max3A_851 = arith.maximumf %reduce_sum3A_849, %max3A_850 : f32
      %rsqrt3A_852 = math.rsqrt %max3A_851 : f32
      %eq3A_853 = arith.constant 36 : i32
      %eq3A_854 = vector.broadcast %eq3A_853 : i32 to vector<1x128xi32>
      %eq3A_855 = arith.cmpi eq, %iota3A_81, %eq3A_854 : vector<1x128xi32>
      %jit3A_856 = arith.constant 0.000000e+00 : f32
      %broadcast_in_dim3A_857 = vector.broadcast %rsqrt3A_852 : f32 to vector<1x128xf32>
      %broadcast_in_dim3A_858 = vector.broadcast %jit3A_856 : f32 to vector<1x128xf32>
      %select_n3A_859 = arith.select %eq3A_855, %broadcast_in_dim3A_857, %broadcast_in_dim3A_858 : vector<1x128xi1>, vector<1x128xf32>
      %add3A_860 = arith.addf %add3A_839, %select_n3A_859 : vector<1x128xf32>
      %eq3A_861 = arith.constant 37 : i32
      %eq3A_862 = vector.broadcast %eq3A_861 : i32 to vector<80x128xi32>
      %eq3A_863 = arith.cmpi eq, %get3A_80, %eq3A_862 : vector<80x128xi32>
      %convert_element_type3A_864 = arith.extui %eq3A_863 : vector<80x128xi1> to vector<80x128xi32>
      %convert_element_type3A_865 = arith.sitofp %convert_element_type3A_864 : vector<80x128xi32> to vector<80x128xf32>
      %reduce_sum3A_866 = vector.shape_cast %convert_element_type3A_865 : vector<80x128xf32> to vector<1x80x128xf32>
      %reduce_sum3A_867 = arith.constant dense<0.000000e+00> : vector<1xf32>
      %reduce_sum3A_868 = vector.multi_reduction <add>, %reduce_sum3A_866, %reduce_sum3A_867 [1, 2] : vector<1x80x128xf32> to vector<1xf32>
      %reduce_sum3A_869 = vector.shape_cast %reduce_sum3A_868 : vector<1xf32> to vector<1x1x1xf32>
      %reduce_sum3A_870 = vector.extract %reduce_sum3A_869[0, 0, 0] : f32 from vector<1x1x1xf32>
      %max3A_871 = arith.constant 1.000000e+00 : f32
      %max3A_872 = arith.maximumf %reduce_sum3A_870, %max3A_871 : f32
      %rsqrt3A_873 = math.rsqrt %max3A_872 : f32
      %eq3A_874 = arith.constant 37 : i32
      %eq3A_875 = vector.broadcast %eq3A_874 : i32 to vector<1x128xi32>
      %eq3A_876 = arith.cmpi eq, %iota3A_81, %eq3A_875 : vector<1x128xi32>
      %jit3A_877 = arith.constant 0.000000e+00 : f32
      %broadcast_in_dim3A_878 = vector.broadcast %rsqrt3A_873 : f32 to vector<1x128xf32>
      %broadcast_in_dim3A_879 = vector.broadcast %jit3A_877 : f32 to vector<1x128xf32>
      %select_n3A_880 = arith.select %eq3A_876, %broadcast_in_dim3A_878, %broadcast_in_dim3A_879 : vector<1x128xi1>, vector<1x128xf32>
      %add3A_881 = arith.addf %add3A_860, %select_n3A_880 : vector<1x128xf32>
      %eq3A_882 = arith.constant 38 : i32
      %eq3A_883 = vector.broadcast %eq3A_882 : i32 to vector<80x128xi32>
      %eq3A_884 = arith.cmpi eq, %get3A_80, %eq3A_883 : vector<80x128xi32>
      %convert_element_type3A_885 = arith.extui %eq3A_884 : vector<80x128xi1> to vector<80x128xi32>
      %convert_element_type3A_886 = arith.sitofp %convert_element_type3A_885 : vector<80x128xi32> to vector<80x128xf32>
      %reduce_sum3A_887 = vector.shape_cast %convert_element_type3A_886 : vector<80x128xf32> to vector<1x80x128xf32>
      %reduce_sum3A_888 = arith.constant dense<0.000000e+00> : vector<1xf32>
      %reduce_sum3A_889 = vector.multi_reduction <add>, %reduce_sum3A_887, %reduce_sum3A_888 [1, 2] : vector<1x80x128xf32> to vector<1xf32>
      %reduce_sum3A_890 = vector.shape_cast %reduce_sum3A_889 : vector<1xf32> to vector<1x1x1xf32>
      %reduce_sum3A_891 = vector.extract %reduce_sum3A_890[0, 0, 0] : f32 from vector<1x1x1xf32>
      %max3A_892 = arith.constant 1.000000e+00 : f32
      %max3A_893 = arith.maximumf %reduce_sum3A_891, %max3A_892 : f32
      %rsqrt3A_894 = math.rsqrt %max3A_893 : f32
      %eq3A_895 = arith.constant 38 : i32
      %eq3A_896 = vector.broadcast %eq3A_895 : i32 to vector<1x128xi32>
      %eq3A_897 = arith.cmpi eq, %iota3A_81, %eq3A_896 : vector<1x128xi32>
      %jit3A_898 = arith.constant 0.000000e+00 : f32
      %broadcast_in_dim3A_899 = vector.broadcast %rsqrt3A_894 : f32 to vector<1x128xf32>
      %broadcast_in_dim3A_900 = vector.broadcast %jit3A_898 : f32 to vector<1x128xf32>
      %select_n3A_901 = arith.select %eq3A_897, %broadcast_in_dim3A_899, %broadcast_in_dim3A_900 : vector<1x128xi1>, vector<1x128xf32>
      %add3A_902 = arith.addf %add3A_881, %select_n3A_901 : vector<1x128xf32>
      %eq3A_903 = arith.constant 39 : i32
      %eq3A_904 = vector.broadcast %eq3A_903 : i32 to vector<80x128xi32>
      %eq3A_905 = arith.cmpi eq, %get3A_80, %eq3A_904 : vector<80x128xi32>
      %convert_element_type3A_906 = arith.extui %eq3A_905 : vector<80x128xi1> to vector<80x128xi32>
      %convert_element_type3A_907 = arith.sitofp %convert_element_type3A_906 : vector<80x128xi32> to vector<80x128xf32>
      %reduce_sum3A_908 = vector.shape_cast %convert_element_type3A_907 : vector<80x128xf32> to vector<1x80x128xf32>
      %reduce_sum3A_909 = arith.constant dense<0.000000e+00> : vector<1xf32>
      %reduce_sum3A_910 = vector.multi_reduction <add>, %reduce_sum3A_908, %reduce_sum3A_909 [1, 2] : vector<1x80x128xf32> to vector<1xf32>
      %reduce_sum3A_911 = vector.shape_cast %reduce_sum3A_910 : vector<1xf32> to vector<1x1x1xf32>
      %reduce_sum3A_912 = vector.extract %reduce_sum3A_911[0, 0, 0] : f32 from vector<1x1x1xf32>
      %max3A_913 = arith.constant 1.000000e+00 : f32
      %max3A_914 = arith.maximumf %reduce_sum3A_912, %max3A_913 : f32
      %rsqrt3A_915 = math.rsqrt %max3A_914 : f32
      %eq3A_916 = arith.constant 39 : i32
      %eq3A_917 = vector.broadcast %eq3A_916 : i32 to vector<1x128xi32>
      %eq3A_918 = arith.cmpi eq, %iota3A_81, %eq3A_917 : vector<1x128xi32>
      %jit3A_919 = arith.constant 0.000000e+00 : f32
      %broadcast_in_dim3A_920 = vector.broadcast %rsqrt3A_915 : f32 to vector<1x128xf32>
      %broadcast_in_dim3A_921 = vector.broadcast %jit3A_919 : f32 to vector<1x128xf32>
      %select_n3A_922 = arith.select %eq3A_918, %broadcast_in_dim3A_920, %broadcast_in_dim3A_921 : vector<1x128xi1>, vector<1x128xf32>
      %add3A_923 = arith.addf %add3A_902, %select_n3A_922 : vector<1x128xf32>
      %eq3A_924 = arith.constant 40 : i32
      %eq3A_925 = vector.broadcast %eq3A_924 : i32 to vector<80x128xi32>
      %eq3A_926 = arith.cmpi eq, %get3A_80, %eq3A_925 : vector<80x128xi32>
      %convert_element_type3A_927 = arith.extui %eq3A_926 : vector<80x128xi1> to vector<80x128xi32>
      %convert_element_type3A_928 = arith.sitofp %convert_element_type3A_927 : vector<80x128xi32> to vector<80x128xf32>
      %reduce_sum3A_929 = vector.shape_cast %convert_element_type3A_928 : vector<80x128xf32> to vector<1x80x128xf32>
      %reduce_sum3A_930 = arith.constant dense<0.000000e+00> : vector<1xf32>
      %reduce_sum3A_931 = vector.multi_reduction <add>, %reduce_sum3A_929, %reduce_sum3A_930 [1, 2] : vector<1x80x128xf32> to vector<1xf32>
      %reduce_sum3A_932 = vector.shape_cast %reduce_sum3A_931 : vector<1xf32> to vector<1x1x1xf32>
      %reduce_sum3A_933 = vector.extract %reduce_sum3A_932[0, 0, 0] : f32 from vector<1x1x1xf32>
      %max3A_934 = arith.constant 1.000000e+00 : f32
      %max3A_935 = arith.maximumf %reduce_sum3A_933, %max3A_934 : f32
      %rsqrt3A_936 = math.rsqrt %max3A_935 : f32
      %eq3A_937 = arith.constant 40 : i32
      %eq3A_938 = vector.broadcast %eq3A_937 : i32 to vector<1x128xi32>
      %eq3A_939 = arith.cmpi eq, %iota3A_81, %eq3A_938 : vector<1x128xi32>
      %jit3A_940 = arith.constant 0.000000e+00 : f32
      %broadcast_in_dim3A_941 = vector.broadcast %rsqrt3A_936 : f32 to vector<1x128xf32>
      %broadcast_in_dim3A_942 = vector.broadcast %jit3A_940 : f32 to vector<1x128xf32>
      %select_n3A_943 = arith.select %eq3A_939, %broadcast_in_dim3A_941, %broadcast_in_dim3A_942 : vector<1x128xi1>, vector<1x128xf32>
      %add3A_944 = arith.addf %add3A_923, %select_n3A_943 : vector<1x128xf32>
      %eq3A_945 = arith.constant 41 : i32
      %eq3A_946 = vector.broadcast %eq3A_945 : i32 to vector<80x128xi32>
      %eq3A_947 = arith.cmpi eq, %get3A_80, %eq3A_946 : vector<80x128xi32>
      %convert_element_type3A_948 = arith.extui %eq3A_947 : vector<80x128xi1> to vector<80x128xi32>
      %convert_element_type3A_949 = arith.sitofp %convert_element_type3A_948 : vector<80x128xi32> to vector<80x128xf32>
      %reduce_sum3A_950 = vector.shape_cast %convert_element_type3A_949 : vector<80x128xf32> to vector<1x80x128xf32>
      %reduce_sum3A_951 = arith.constant dense<0.000000e+00> : vector<1xf32>
      %reduce_sum3A_952 = vector.multi_reduction <add>, %reduce_sum3A_950, %reduce_sum3A_951 [1, 2] : vector<1x80x128xf32> to vector<1xf32>
      %reduce_sum3A_953 = vector.shape_cast %reduce_sum3A_952 : vector<1xf32> to vector<1x1x1xf32>
      %reduce_sum3A_954 = vector.extract %reduce_sum3A_953[0, 0, 0] : f32 from vector<1x1x1xf32>
      %max3A_955 = arith.constant 1.000000e+00 : f32
      %max3A_956 = arith.maximumf %reduce_sum3A_954, %max3A_955 : f32
      %rsqrt3A_957 = math.rsqrt %max3A_956 : f32
      %eq3A_958 = arith.constant 41 : i32
      %eq3A_959 = vector.broadcast %eq3A_958 : i32 to vector<1x128xi32>
      %eq3A_960 = arith.cmpi eq, %iota3A_81, %eq3A_959 : vector<1x128xi32>
      %jit3A_961 = arith.constant 0.000000e+00 : f32
      %broadcast_in_dim3A_962 = vector.broadcast %rsqrt3A_957 : f32 to vector<1x128xf32>
      %broadcast_in_dim3A_963 = vector.broadcast %jit3A_961 : f32 to vector<1x128xf32>
      %select_n3A_964 = arith.select %eq3A_960, %broadcast_in_dim3A_962, %broadcast_in_dim3A_963 : vector<1x128xi1>, vector<1x128xf32>
      %add3A_965 = arith.addf %add3A_944, %select_n3A_964 : vector<1x128xf32>
      %eq3A_966 = arith.constant 42 : i32
      %eq3A_967 = vector.broadcast %eq3A_966 : i32 to vector<80x128xi32>
      %eq3A_968 = arith.cmpi eq, %get3A_80, %eq3A_967 : vector<80x128xi32>
      %convert_element_type3A_969 = arith.extui %eq3A_968 : vector<80x128xi1> to vector<80x128xi32>
      %convert_element_type3A_970 = arith.sitofp %convert_element_type3A_969 : vector<80x128xi32> to vector<80x128xf32>
      %reduce_sum3A_971 = vector.shape_cast %convert_element_type3A_970 : vector<80x128xf32> to vector<1x80x128xf32>
      %reduce_sum3A_972 = arith.constant dense<0.000000e+00> : vector<1xf32>
      %reduce_sum3A_973 = vector.multi_reduction <add>, %reduce_sum3A_971, %reduce_sum3A_972 [1, 2] : vector<1x80x128xf32> to vector<1xf32>
      %reduce_sum3A_974 = vector.shape_cast %reduce_sum3A_973 : vector<1xf32> to vector<1x1x1xf32>
      %reduce_sum3A_975 = vector.extract %reduce_sum3A_974[0, 0, 0] : f32 from vector<1x1x1xf32>
      %max3A_976 = arith.constant 1.000000e+00 : f32
      %max3A_977 = arith.maximumf %reduce_sum3A_975, %max3A_976 : f32
      %rsqrt3A_978 = math.rsqrt %max3A_977 : f32
      %eq3A_979 = arith.constant 42 : i32
      %eq3A_980 = vector.broadcast %eq3A_979 : i32 to vector<1x128xi32>
      %eq3A_981 = arith.cmpi eq, %iota3A_81, %eq3A_980 : vector<1x128xi32>
      %jit3A_982 = arith.constant 0.000000e+00 : f32
      %broadcast_in_dim3A_983 = vector.broadcast %rsqrt3A_978 : f32 to vector<1x128xf32>
      %broadcast_in_dim3A_984 = vector.broadcast %jit3A_982 : f32 to vector<1x128xf32>
      %select_n3A_985 = arith.select %eq3A_981, %broadcast_in_dim3A_983, %broadcast_in_dim3A_984 : vector<1x128xi1>, vector<1x128xf32>
      %add3A_986 = arith.addf %add3A_965, %select_n3A_985 : vector<1x128xf32>
      %eq3A_987 = arith.constant 43 : i32
      %eq3A_988 = vector.broadcast %eq3A_987 : i32 to vector<80x128xi32>
      %eq3A_989 = arith.cmpi eq, %get3A_80, %eq3A_988 : vector<80x128xi32>
      %convert_element_type3A_990 = arith.extui %eq3A_989 : vector<80x128xi1> to vector<80x128xi32>
      %convert_element_type3A_991 = arith.sitofp %convert_element_type3A_990 : vector<80x128xi32> to vector<80x128xf32>
      %reduce_sum3A_992 = vector.shape_cast %convert_element_type3A_991 : vector<80x128xf32> to vector<1x80x128xf32>
      %reduce_sum3A_993 = arith.constant dense<0.000000e+00> : vector<1xf32>
      %reduce_sum3A_994 = vector.multi_reduction <add>, %reduce_sum3A_992, %reduce_sum3A_993 [1, 2] : vector<1x80x128xf32> to vector<1xf32>
      %reduce_sum3A_995 = vector.shape_cast %reduce_sum3A_994 : vector<1xf32> to vector<1x1x1xf32>
      %reduce_sum3A_996 = vector.extract %reduce_sum3A_995[0, 0, 0] : f32 from vector<1x1x1xf32>
      %max3A_997 = arith.constant 1.000000e+00 : f32
      %max3A_998 = arith.maximumf %reduce_sum3A_996, %max3A_997 : f32
      %rsqrt3A_999 = math.rsqrt %max3A_998 : f32
      %eq3A_1000 = arith.constant 43 : i32
      %eq3A_1001 = vector.broadcast %eq3A_1000 : i32 to vector<1x128xi32>
      %eq3A_1002 = arith.cmpi eq, %iota3A_81, %eq3A_1001 : vector<1x128xi32>
      %jit3A_1003 = arith.constant 0.000000e+00 : f32
      %broadcast_in_dim3A_1004 = vector.broadcast %rsqrt3A_999 : f32 to vector<1x128xf32>
      %broadcast_in_dim3A_1005 = vector.broadcast %jit3A_1003 : f32 to vector<1x128xf32>
      %select_n3A_1006 = arith.select %eq3A_1002, %broadcast_in_dim3A_1004, %broadcast_in_dim3A_1005 : vector<1x128xi1>, vector<1x128xf32>
      %add3A_1007 = arith.addf %add3A_986, %select_n3A_1006 : vector<1x128xf32>
      %eq3A_1008 = arith.constant 44 : i32
      %eq3A_1009 = vector.broadcast %eq3A_1008 : i32 to vector<80x128xi32>
      %eq3A_1010 = arith.cmpi eq, %get3A_80, %eq3A_1009 : vector<80x128xi32>
      %convert_element_type3A_1011 = arith.extui %eq3A_1010 : vector<80x128xi1> to vector<80x128xi32>
      %convert_element_type3A_1012 = arith.sitofp %convert_element_type3A_1011 : vector<80x128xi32> to vector<80x128xf32>
      %reduce_sum3A_1013 = vector.shape_cast %convert_element_type3A_1012 : vector<80x128xf32> to vector<1x80x128xf32>
      %reduce_sum3A_1014 = arith.constant dense<0.000000e+00> : vector<1xf32>
      %reduce_sum3A_1015 = vector.multi_reduction <add>, %reduce_sum3A_1013, %reduce_sum3A_1014 [1, 2] : vector<1x80x128xf32> to vector<1xf32>
      %reduce_sum3A_1016 = vector.shape_cast %reduce_sum3A_1015 : vector<1xf32> to vector<1x1x1xf32>
      %reduce_sum3A_1017 = vector.extract %reduce_sum3A_1016[0, 0, 0] : f32 from vector<1x1x1xf32>
      %max3A_1018 = arith.constant 1.000000e+00 : f32
      %max3A_1019 = arith.maximumf %reduce_sum3A_1017, %max3A_1018 : f32
      %rsqrt3A_1020 = math.rsqrt %max3A_1019 : f32
      %eq3A_1021 = arith.constant 44 : i32
      %eq3A_1022 = vector.broadcast %eq3A_1021 : i32 to vector<1x128xi32>
      %eq3A_1023 = arith.cmpi eq, %iota3A_81, %eq3A_1022 : vector<1x128xi32>
      %jit3A_1024 = arith.constant 0.000000e+00 : f32
      %broadcast_in_dim3A_1025 = vector.broadcast %rsqrt3A_1020 : f32 to vector<1x128xf32>
      %broadcast_in_dim3A_1026 = vector.broadcast %jit3A_1024 : f32 to vector<1x128xf32>
      %select_n3A_1027 = arith.select %eq3A_1023, %broadcast_in_dim3A_1025, %broadcast_in_dim3A_1026 : vector<1x128xi1>, vector<1x128xf32>
      %add3A_1028 = arith.addf %add3A_1007, %select_n3A_1027 : vector<1x128xf32>
      %eq3A_1029 = arith.constant 45 : i32
      %eq3A_1030 = vector.broadcast %eq3A_1029 : i32 to vector<80x128xi32>
      %eq3A_1031 = arith.cmpi eq, %get3A_80, %eq3A_1030 : vector<80x128xi32>
      %convert_element_type3A_1032 = arith.extui %eq3A_1031 : vector<80x128xi1> to vector<80x128xi32>
      %convert_element_type3A_1033 = arith.sitofp %convert_element_type3A_1032 : vector<80x128xi32> to vector<80x128xf32>
      %reduce_sum3A_1034 = vector.shape_cast %convert_element_type3A_1033 : vector<80x128xf32> to vector<1x80x128xf32>
      %reduce_sum3A_1035 = arith.constant dense<0.000000e+00> : vector<1xf32>
      %reduce_sum3A_1036 = vector.multi_reduction <add>, %reduce_sum3A_1034, %reduce_sum3A_1035 [1, 2] : vector<1x80x128xf32> to vector<1xf32>
      %reduce_sum3A_1037 = vector.shape_cast %reduce_sum3A_1036 : vector<1xf32> to vector<1x1x1xf32>
      %reduce_sum3A_1038 = vector.extract %reduce_sum3A_1037[0, 0, 0] : f32 from vector<1x1x1xf32>
      %max3A_1039 = arith.constant 1.000000e+00 : f32
      %max3A_1040 = arith.maximumf %reduce_sum3A_1038, %max3A_1039 : f32
      %rsqrt3A_1041 = math.rsqrt %max3A_1040 : f32
      %eq3A_1042 = arith.constant 45 : i32
      %eq3A_1043 = vector.broadcast %eq3A_1042 : i32 to vector<1x128xi32>
      %eq3A_1044 = arith.cmpi eq, %iota3A_81, %eq3A_1043 : vector<1x128xi32>
      %jit3A_1045 = arith.constant 0.000000e+00 : f32
      %broadcast_in_dim3A_1046 = vector.broadcast %rsqrt3A_1041 : f32 to vector<1x128xf32>
      %broadcast_in_dim3A_1047 = vector.broadcast %jit3A_1045 : f32 to vector<1x128xf32>
      %select_n3A_1048 = arith.select %eq3A_1044, %broadcast_in_dim3A_1046, %broadcast_in_dim3A_1047 : vector<1x128xi1>, vector<1x128xf32>
      %add3A_1049 = arith.addf %add3A_1028, %select_n3A_1048 : vector<1x128xf32>
      %eq3A_1050 = arith.constant 46 : i32
      %eq3A_1051 = vector.broadcast %eq3A_1050 : i32 to vector<80x128xi32>
      %eq3A_1052 = arith.cmpi eq, %get3A_80, %eq3A_1051 : vector<80x128xi32>
      %convert_element_type3A_1053 = arith.extui %eq3A_1052 : vector<80x128xi1> to vector<80x128xi32>
      %convert_element_type3A_1054 = arith.sitofp %convert_element_type3A_1053 : vector<80x128xi32> to vector<80x128xf32>
      %reduce_sum3A_1055 = vector.shape_cast %convert_element_type3A_1054 : vector<80x128xf32> to vector<1x80x128xf32>
      %reduce_sum3A_1056 = arith.constant dense<0.000000e+00> : vector<1xf32>
      %reduce_sum3A_1057 = vector.multi_reduction <add>, %reduce_sum3A_1055, %reduce_sum3A_1056 [1, 2] : vector<1x80x128xf32> to vector<1xf32>
      %reduce_sum3A_1058 = vector.shape_cast %reduce_sum3A_1057 : vector<1xf32> to vector<1x1x1xf32>
      %reduce_sum3A_1059 = vector.extract %reduce_sum3A_1058[0, 0, 0] : f32 from vector<1x1x1xf32>
      %max3A_1060 = arith.constant 1.000000e+00 : f32
      %max3A_1061 = arith.maximumf %reduce_sum3A_1059, %max3A_1060 : f32
      %rsqrt3A_1062 = math.rsqrt %max3A_1061 : f32
      %eq3A_1063 = arith.constant 46 : i32
      %eq3A_1064 = vector.broadcast %eq3A_1063 : i32 to vector<1x128xi32>
      %eq3A_1065 = arith.cmpi eq, %iota3A_81, %eq3A_1064 : vector<1x128xi32>
      %jit3A_1066 = arith.constant 0.000000e+00 : f32
      %broadcast_in_dim3A_1067 = vector.broadcast %rsqrt3A_1062 : f32 to vector<1x128xf32>
      %broadcast_in_dim3A_1068 = vector.broadcast %jit3A_1066 : f32 to vector<1x128xf32>
      %select_n3A_1069 = arith.select %eq3A_1065, %broadcast_in_dim3A_1067, %broadcast_in_dim3A_1068 : vector<1x128xi1>, vector<1x128xf32>
      %add3A_1070 = arith.addf %add3A_1049, %select_n3A_1069 : vector<1x128xf32>
      %eq3A_1071 = arith.constant 47 : i32
      %eq3A_1072 = vector.broadcast %eq3A_1071 : i32 to vector<80x128xi32>
      %eq3A_1073 = arith.cmpi eq, %get3A_80, %eq3A_1072 : vector<80x128xi32>
      %convert_element_type3A_1074 = arith.extui %eq3A_1073 : vector<80x128xi1> to vector<80x128xi32>
      %convert_element_type3A_1075 = arith.sitofp %convert_element_type3A_1074 : vector<80x128xi32> to vector<80x128xf32>
      %reduce_sum3A_1076 = vector.shape_cast %convert_element_type3A_1075 : vector<80x128xf32> to vector<1x80x128xf32>
      %reduce_sum3A_1077 = arith.constant dense<0.000000e+00> : vector<1xf32>
      %reduce_sum3A_1078 = vector.multi_reduction <add>, %reduce_sum3A_1076, %reduce_sum3A_1077 [1, 2] : vector<1x80x128xf32> to vector<1xf32>
      %reduce_sum3A_1079 = vector.shape_cast %reduce_sum3A_1078 : vector<1xf32> to vector<1x1x1xf32>
      %reduce_sum3A_1080 = vector.extract %reduce_sum3A_1079[0, 0, 0] : f32 from vector<1x1x1xf32>
      %max3A_1081 = arith.constant 1.000000e+00 : f32
      %max3A_1082 = arith.maximumf %reduce_sum3A_1080, %max3A_1081 : f32
      %rsqrt3A_1083 = math.rsqrt %max3A_1082 : f32
      %eq3A_1084 = arith.constant 47 : i32
      %eq3A_1085 = vector.broadcast %eq3A_1084 : i32 to vector<1x128xi32>
      %eq3A_1086 = arith.cmpi eq, %iota3A_81, %eq3A_1085 : vector<1x128xi32>
      %jit3A_1087 = arith.constant 0.000000e+00 : f32
      %broadcast_in_dim3A_1088 = vector.broadcast %rsqrt3A_1083 : f32 to vector<1x128xf32>
      %broadcast_in_dim3A_1089 = vector.broadcast %jit3A_1087 : f32 to vector<1x128xf32>
      %select_n3A_1090 = arith.select %eq3A_1086, %broadcast_in_dim3A_1088, %broadcast_in_dim3A_1089 : vector<1x128xi1>, vector<1x128xf32>
      %add3A_1091 = arith.addf %add3A_1070, %select_n3A_1090 : vector<1x128xf32>
      %eq3A_1092 = arith.constant 48 : i32
      %eq3A_1093 = vector.broadcast %eq3A_1092 : i32 to vector<80x128xi32>
      %eq3A_1094 = arith.cmpi eq, %get3A_80, %eq3A_1093 : vector<80x128xi32>
      %convert_element_type3A_1095 = arith.extui %eq3A_1094 : vector<80x128xi1> to vector<80x128xi32>
      %convert_element_type3A_1096 = arith.sitofp %convert_element_type3A_1095 : vector<80x128xi32> to vector<80x128xf32>
      %reduce_sum3A_1097 = vector.shape_cast %convert_element_type3A_1096 : vector<80x128xf32> to vector<1x80x128xf32>
      %reduce_sum3A_1098 = arith.constant dense<0.000000e+00> : vector<1xf32>
      %reduce_sum3A_1099 = vector.multi_reduction <add>, %reduce_sum3A_1097, %reduce_sum3A_1098 [1, 2] : vector<1x80x128xf32> to vector<1xf32>
      %reduce_sum3A_1100 = vector.shape_cast %reduce_sum3A_1099 : vector<1xf32> to vector<1x1x1xf32>
      %reduce_sum3A_1101 = vector.extract %reduce_sum3A_1100[0, 0, 0] : f32 from vector<1x1x1xf32>
      %max3A_1102 = arith.constant 1.000000e+00 : f32
      %max3A_1103 = arith.maximumf %reduce_sum3A_1101, %max3A_1102 : f32
      %rsqrt3A_1104 = math.rsqrt %max3A_1103 : f32
      %eq3A_1105 = arith.constant 48 : i32
      %eq3A_1106 = vector.broadcast %eq3A_1105 : i32 to vector<1x128xi32>
      %eq3A_1107 = arith.cmpi eq, %iota3A_81, %eq3A_1106 : vector<1x128xi32>
      %jit3A_1108 = arith.constant 0.000000e+00 : f32
      %broadcast_in_dim3A_1109 = vector.broadcast %rsqrt3A_1104 : f32 to vector<1x128xf32>
      %broadcast_in_dim3A_1110 = vector.broadcast %jit3A_1108 : f32 to vector<1x128xf32>
      %select_n3A_1111 = arith.select %eq3A_1107, %broadcast_in_dim3A_1109, %broadcast_in_dim3A_1110 : vector<1x128xi1>, vector<1x128xf32>
      %add3A_1112 = arith.addf %add3A_1091, %select_n3A_1111 : vector<1x128xf32>
      %eq3A_1113 = arith.constant 49 : i32
      %eq3A_1114 = vector.broadcast %eq3A_1113 : i32 to vector<80x128xi32>
      %eq3A_1115 = arith.cmpi eq, %get3A_80, %eq3A_1114 : vector<80x128xi32>
      %convert_element_type3A_1116 = arith.extui %eq3A_1115 : vector<80x128xi1> to vector<80x128xi32>
      %convert_element_type3A_1117 = arith.sitofp %convert_element_type3A_1116 : vector<80x128xi32> to vector<80x128xf32>
      %reduce_sum3A_1118 = vector.shape_cast %convert_element_type3A_1117 : vector<80x128xf32> to vector<1x80x128xf32>
      %reduce_sum3A_1119 = arith.constant dense<0.000000e+00> : vector<1xf32>
      %reduce_sum3A_1120 = vector.multi_reduction <add>, %reduce_sum3A_1118, %reduce_sum3A_1119 [1, 2] : vector<1x80x128xf32> to vector<1xf32>
      %reduce_sum3A_1121 = vector.shape_cast %reduce_sum3A_1120 : vector<1xf32> to vector<1x1x1xf32>
      %reduce_sum3A_1122 = vector.extract %reduce_sum3A_1121[0, 0, 0] : f32 from vector<1x1x1xf32>
      %max3A_1123 = arith.constant 1.000000e+00 : f32
      %max3A_1124 = arith.maximumf %reduce_sum3A_1122, %max3A_1123 : f32
      %rsqrt3A_1125 = math.rsqrt %max3A_1124 : f32
      %eq3A_1126 = arith.constant 49 : i32
      %eq3A_1127 = vector.broadcast %eq3A_1126 : i32 to vector<1x128xi32>
      %eq3A_1128 = arith.cmpi eq, %iota3A_81, %eq3A_1127 : vector<1x128xi32>
      %jit3A_1129 = arith.constant 0.000000e+00 : f32
      %broadcast_in_dim3A_1130 = vector.broadcast %rsqrt3A_1125 : f32 to vector<1x128xf32>
      %broadcast_in_dim3A_1131 = vector.broadcast %jit3A_1129 : f32 to vector<1x128xf32>
      %select_n3A_1132 = arith.select %eq3A_1128, %broadcast_in_dim3A_1130, %broadcast_in_dim3A_1131 : vector<1x128xi1>, vector<1x128xf32>
      %add3A_1133 = arith.addf %add3A_1112, %select_n3A_1132 : vector<1x128xf32>
      %eq3A_1134 = arith.constant 50 : i32
      %eq3A_1135 = vector.broadcast %eq3A_1134 : i32 to vector<80x128xi32>
      %eq3A_1136 = arith.cmpi eq, %get3A_80, %eq3A_1135 : vector<80x128xi32>
      %convert_element_type3A_1137 = arith.extui %eq3A_1136 : vector<80x128xi1> to vector<80x128xi32>
      %convert_element_type3A_1138 = arith.sitofp %convert_element_type3A_1137 : vector<80x128xi32> to vector<80x128xf32>
      %reduce_sum3A_1139 = vector.shape_cast %convert_element_type3A_1138 : vector<80x128xf32> to vector<1x80x128xf32>
      %reduce_sum3A_1140 = arith.constant dense<0.000000e+00> : vector<1xf32>
      %reduce_sum3A_1141 = vector.multi_reduction <add>, %reduce_sum3A_1139, %reduce_sum3A_1140 [1, 2] : vector<1x80x128xf32> to vector<1xf32>
      %reduce_sum3A_1142 = vector.shape_cast %reduce_sum3A_1141 : vector<1xf32> to vector<1x1x1xf32>
      %reduce_sum3A_1143 = vector.extract %reduce_sum3A_1142[0, 0, 0] : f32 from vector<1x1x1xf32>
      %max3A_1144 = arith.constant 1.000000e+00 : f32
      %max3A_1145 = arith.maximumf %reduce_sum3A_1143, %max3A_1144 : f32
      %rsqrt3A_1146 = math.rsqrt %max3A_1145 : f32
      %eq3A_1147 = arith.constant 50 : i32
      %eq3A_1148 = vector.broadcast %eq3A_1147 : i32 to vector<1x128xi32>
      %eq3A_1149 = arith.cmpi eq, %iota3A_81, %eq3A_1148 : vector<1x128xi32>
      %jit3A_1150 = arith.constant 0.000000e+00 : f32
      %broadcast_in_dim3A_1151 = vector.broadcast %rsqrt3A_1146 : f32 to vector<1x128xf32>
      %broadcast_in_dim3A_1152 = vector.broadcast %jit3A_1150 : f32 to vector<1x128xf32>
      %select_n3A_1153 = arith.select %eq3A_1149, %broadcast_in_dim3A_1151, %broadcast_in_dim3A_1152 : vector<1x128xi1>, vector<1x128xf32>
      %add3A_1154 = arith.addf %add3A_1133, %select_n3A_1153 : vector<1x128xf32>
      %eq3A_1155 = arith.constant 51 : i32
      %eq3A_1156 = vector.broadcast %eq3A_1155 : i32 to vector<80x128xi32>
      %eq3A_1157 = arith.cmpi eq, %get3A_80, %eq3A_1156 : vector<80x128xi32>
      %convert_element_type3A_1158 = arith.extui %eq3A_1157 : vector<80x128xi1> to vector<80x128xi32>
      %convert_element_type3A_1159 = arith.sitofp %convert_element_type3A_1158 : vector<80x128xi32> to vector<80x128xf32>
      %reduce_sum3A_1160 = vector.shape_cast %convert_element_type3A_1159 : vector<80x128xf32> to vector<1x80x128xf32>
      %reduce_sum3A_1161 = arith.constant dense<0.000000e+00> : vector<1xf32>
      %reduce_sum3A_1162 = vector.multi_reduction <add>, %reduce_sum3A_1160, %reduce_sum3A_1161 [1, 2] : vector<1x80x128xf32> to vector<1xf32>
      %reduce_sum3A_1163 = vector.shape_cast %reduce_sum3A_1162 : vector<1xf32> to vector<1x1x1xf32>
      %reduce_sum3A_1164 = vector.extract %reduce_sum3A_1163[0, 0, 0] : f32 from vector<1x1x1xf32>
      %max3A_1165 = arith.constant 1.000000e+00 : f32
      %max3A_1166 = arith.maximumf %reduce_sum3A_1164, %max3A_1165 : f32
      %rsqrt3A_1167 = math.rsqrt %max3A_1166 : f32
      %eq3A_1168 = arith.constant 51 : i32
      %eq3A_1169 = vector.broadcast %eq3A_1168 : i32 to vector<1x128xi32>
      %eq3A_1170 = arith.cmpi eq, %iota3A_81, %eq3A_1169 : vector<1x128xi32>
      %jit3A_1171 = arith.constant 0.000000e+00 : f32
      %broadcast_in_dim3A_1172 = vector.broadcast %rsqrt3A_1167 : f32 to vector<1x128xf32>
      %broadcast_in_dim3A_1173 = vector.broadcast %jit3A_1171 : f32 to vector<1x128xf32>
      %select_n3A_1174 = arith.select %eq3A_1170, %broadcast_in_dim3A_1172, %broadcast_in_dim3A_1173 : vector<1x128xi1>, vector<1x128xf32>
      %add3A_1175 = arith.addf %add3A_1154, %select_n3A_1174 : vector<1x128xf32>
      %eq3A_1176 = arith.constant 52 : i32
      %eq3A_1177 = vector.broadcast %eq3A_1176 : i32 to vector<80x128xi32>
      %eq3A_1178 = arith.cmpi eq, %get3A_80, %eq3A_1177 : vector<80x128xi32>
      %convert_element_type3A_1179 = arith.extui %eq3A_1178 : vector<80x128xi1> to vector<80x128xi32>
      %convert_element_type3A_1180 = arith.sitofp %convert_element_type3A_1179 : vector<80x128xi32> to vector<80x128xf32>
      %reduce_sum3A_1181 = vector.shape_cast %convert_element_type3A_1180 : vector<80x128xf32> to vector<1x80x128xf32>
      %reduce_sum3A_1182 = arith.constant dense<0.000000e+00> : vector<1xf32>
      %reduce_sum3A_1183 = vector.multi_reduction <add>, %reduce_sum3A_1181, %reduce_sum3A_1182 [1, 2] : vector<1x80x128xf32> to vector<1xf32>
      %reduce_sum3A_1184 = vector.shape_cast %reduce_sum3A_1183 : vector<1xf32> to vector<1x1x1xf32>
      %reduce_sum3A_1185 = vector.extract %reduce_sum3A_1184[0, 0, 0] : f32 from vector<1x1x1xf32>
      %max3A_1186 = arith.constant 1.000000e+00 : f32
      %max3A_1187 = arith.maximumf %reduce_sum3A_1185, %max3A_1186 : f32
      %rsqrt3A_1188 = math.rsqrt %max3A_1187 : f32
      %eq3A_1189 = arith.constant 52 : i32
      %eq3A_1190 = vector.broadcast %eq3A_1189 : i32 to vector<1x128xi32>
      %eq3A_1191 = arith.cmpi eq, %iota3A_81, %eq3A_1190 : vector<1x128xi32>
      %jit3A_1192 = arith.constant 0.000000e+00 : f32
      %broadcast_in_dim3A_1193 = vector.broadcast %rsqrt3A_1188 : f32 to vector<1x128xf32>
      %broadcast_in_dim3A_1194 = vector.broadcast %jit3A_1192 : f32 to vector<1x128xf32>
      %select_n3A_1195 = arith.select %eq3A_1191, %broadcast_in_dim3A_1193, %broadcast_in_dim3A_1194 : vector<1x128xi1>, vector<1x128xf32>
      %add3A_1196 = arith.addf %add3A_1175, %select_n3A_1195 : vector<1x128xf32>
      %eq3A_1197 = arith.constant 53 : i32
      %eq3A_1198 = vector.broadcast %eq3A_1197 : i32 to vector<80x128xi32>
      %eq3A_1199 = arith.cmpi eq, %get3A_80, %eq3A_1198 : vector<80x128xi32>
      %convert_element_type3A_1200 = arith.extui %eq3A_1199 : vector<80x128xi1> to vector<80x128xi32>
      %convert_element_type3A_1201 = arith.sitofp %convert_element_type3A_1200 : vector<80x128xi32> to vector<80x128xf32>
      %reduce_sum3A_1202 = vector.shape_cast %convert_element_type3A_1201 : vector<80x128xf32> to vector<1x80x128xf32>
      %reduce_sum3A_1203 = arith.constant dense<0.000000e+00> : vector<1xf32>
      %reduce_sum3A_1204 = vector.multi_reduction <add>, %reduce_sum3A_1202, %reduce_sum3A_1203 [1, 2] : vector<1x80x128xf32> to vector<1xf32>
      %reduce_sum3A_1205 = vector.shape_cast %reduce_sum3A_1204 : vector<1xf32> to vector<1x1x1xf32>
      %reduce_sum3A_1206 = vector.extract %reduce_sum3A_1205[0, 0, 0] : f32 from vector<1x1x1xf32>
      %max3A_1207 = arith.constant 1.000000e+00 : f32
      %max3A_1208 = arith.maximumf %reduce_sum3A_1206, %max3A_1207 : f32
      %rsqrt3A_1209 = math.rsqrt %max3A_1208 : f32
      %eq3A_1210 = arith.constant 53 : i32
      %eq3A_1211 = vector.broadcast %eq3A_1210 : i32 to vector<1x128xi32>
      %eq3A_1212 = arith.cmpi eq, %iota3A_81, %eq3A_1211 : vector<1x128xi32>
      %jit3A_1213 = arith.constant 0.000000e+00 : f32
      %broadcast_in_dim3A_1214 = vector.broadcast %rsqrt3A_1209 : f32 to vector<1x128xf32>
      %broadcast_in_dim3A_1215 = vector.broadcast %jit3A_1213 : f32 to vector<1x128xf32>
      %select_n3A_1216 = arith.select %eq3A_1212, %broadcast_in_dim3A_1214, %broadcast_in_dim3A_1215 : vector<1x128xi1>, vector<1x128xf32>
      %add3A_1217 = arith.addf %add3A_1196, %select_n3A_1216 : vector<1x128xf32>
      %eq3A_1218 = arith.constant 54 : i32
      %eq3A_1219 = vector.broadcast %eq3A_1218 : i32 to vector<80x128xi32>
      %eq3A_1220 = arith.cmpi eq, %get3A_80, %eq3A_1219 : vector<80x128xi32>
      %convert_element_type3A_1221 = arith.extui %eq3A_1220 : vector<80x128xi1> to vector<80x128xi32>
      %convert_element_type3A_1222 = arith.sitofp %convert_element_type3A_1221 : vector<80x128xi32> to vector<80x128xf32>
      %reduce_sum3A_1223 = vector.shape_cast %convert_element_type3A_1222 : vector<80x128xf32> to vector<1x80x128xf32>
      %reduce_sum3A_1224 = arith.constant dense<0.000000e+00> : vector<1xf32>
      %reduce_sum3A_1225 = vector.multi_reduction <add>, %reduce_sum3A_1223, %reduce_sum3A_1224 [1, 2] : vector<1x80x128xf32> to vector<1xf32>
      %reduce_sum3A_1226 = vector.shape_cast %reduce_sum3A_1225 : vector<1xf32> to vector<1x1x1xf32>
      %reduce_sum3A_1227 = vector.extract %reduce_sum3A_1226[0, 0, 0] : f32 from vector<1x1x1xf32>
      %max3A_1228 = arith.constant 1.000000e+00 : f32
      %max3A_1229 = arith.maximumf %reduce_sum3A_1227, %max3A_1228 : f32
      %rsqrt3A_1230 = math.rsqrt %max3A_1229 : f32
      %eq3A_1231 = arith.constant 54 : i32
      %eq3A_1232 = vector.broadcast %eq3A_1231 : i32 to vector<1x128xi32>
      %eq3A_1233 = arith.cmpi eq, %iota3A_81, %eq3A_1232 : vector<1x128xi32>
      %jit3A_1234 = arith.constant 0.000000e+00 : f32
      %broadcast_in_dim3A_1235 = vector.broadcast %rsqrt3A_1230 : f32 to vector<1x128xf32>
      %broadcast_in_dim3A_1236 = vector.broadcast %jit3A_1234 : f32 to vector<1x128xf32>
      %select_n3A_1237 = arith.select %eq3A_1233, %broadcast_in_dim3A_1235, %broadcast_in_dim3A_1236 : vector<1x128xi1>, vector<1x128xf32>
      %add3A_1238 = arith.addf %add3A_1217, %select_n3A_1237 : vector<1x128xf32>
      %eq3A_1239 = arith.constant 55 : i32
      %eq3A_1240 = vector.broadcast %eq3A_1239 : i32 to vector<80x128xi32>
      %eq3A_1241 = arith.cmpi eq, %get3A_80, %eq3A_1240 : vector<80x128xi32>
      %convert_element_type3A_1242 = arith.extui %eq3A_1241 : vector<80x128xi1> to vector<80x128xi32>
      %convert_element_type3A_1243 = arith.sitofp %convert_element_type3A_1242 : vector<80x128xi32> to vector<80x128xf32>
      %reduce_sum3A_1244 = vector.shape_cast %convert_element_type3A_1243 : vector<80x128xf32> to vector<1x80x128xf32>
      %reduce_sum3A_1245 = arith.constant dense<0.000000e+00> : vector<1xf32>
      %reduce_sum3A_1246 = vector.multi_reduction <add>, %reduce_sum3A_1244, %reduce_sum3A_1245 [1, 2] : vector<1x80x128xf32> to vector<1xf32>
      %reduce_sum3A_1247 = vector.shape_cast %reduce_sum3A_1246 : vector<1xf32> to vector<1x1x1xf32>
      %reduce_sum3A_1248 = vector.extract %reduce_sum3A_1247[0, 0, 0] : f32 from vector<1x1x1xf32>
      %max3A_1249 = arith.constant 1.000000e+00 : f32
      %max3A_1250 = arith.maximumf %reduce_sum3A_1248, %max3A_1249 : f32
      %rsqrt3A_1251 = math.rsqrt %max3A_1250 : f32
      %eq3A_1252 = arith.constant 55 : i32
      %eq3A_1253 = vector.broadcast %eq3A_1252 : i32 to vector<1x128xi32>
      %eq3A_1254 = arith.cmpi eq, %iota3A_81, %eq3A_1253 : vector<1x128xi32>
      %jit3A_1255 = arith.constant 0.000000e+00 : f32
      %broadcast_in_dim3A_1256 = vector.broadcast %rsqrt3A_1251 : f32 to vector<1x128xf32>
      %broadcast_in_dim3A_1257 = vector.broadcast %jit3A_1255 : f32 to vector<1x128xf32>
      %select_n3A_1258 = arith.select %eq3A_1254, %broadcast_in_dim3A_1256, %broadcast_in_dim3A_1257 : vector<1x128xi1>, vector<1x128xf32>
      %add3A_1259 = arith.addf %add3A_1238, %select_n3A_1258 : vector<1x128xf32>
      %eq3A_1260 = arith.constant 56 : i32
      %eq3A_1261 = vector.broadcast %eq3A_1260 : i32 to vector<80x128xi32>
      %eq3A_1262 = arith.cmpi eq, %get3A_80, %eq3A_1261 : vector<80x128xi32>
      %convert_element_type3A_1263 = arith.extui %eq3A_1262 : vector<80x128xi1> to vector<80x128xi32>
      %convert_element_type3A_1264 = arith.sitofp %convert_element_type3A_1263 : vector<80x128xi32> to vector<80x128xf32>
      %reduce_sum3A_1265 = vector.shape_cast %convert_element_type3A_1264 : vector<80x128xf32> to vector<1x80x128xf32>
      %reduce_sum3A_1266 = arith.constant dense<0.000000e+00> : vector<1xf32>
      %reduce_sum3A_1267 = vector.multi_reduction <add>, %reduce_sum3A_1265, %reduce_sum3A_1266 [1, 2] : vector<1x80x128xf32> to vector<1xf32>
      %reduce_sum3A_1268 = vector.shape_cast %reduce_sum3A_1267 : vector<1xf32> to vector<1x1x1xf32>
      %reduce_sum3A_1269 = vector.extract %reduce_sum3A_1268[0, 0, 0] : f32 from vector<1x1x1xf32>
      %max3A_1270 = arith.constant 1.000000e+00 : f32
      %max3A_1271 = arith.maximumf %reduce_sum3A_1269, %max3A_1270 : f32
      %rsqrt3A_1272 = math.rsqrt %max3A_1271 : f32
      %eq3A_1273 = arith.constant 56 : i32
      %eq3A_1274 = vector.broadcast %eq3A_1273 : i32 to vector<1x128xi32>
      %eq3A_1275 = arith.cmpi eq, %iota3A_81, %eq3A_1274 : vector<1x128xi32>
      %jit3A_1276 = arith.constant 0.000000e+00 : f32
      %broadcast_in_dim3A_1277 = vector.broadcast %rsqrt3A_1272 : f32 to vector<1x128xf32>
      %broadcast_in_dim3A_1278 = vector.broadcast %jit3A_1276 : f32 to vector<1x128xf32>
      %select_n3A_1279 = arith.select %eq3A_1275, %broadcast_in_dim3A_1277, %broadcast_in_dim3A_1278 : vector<1x128xi1>, vector<1x128xf32>
      %add3A_1280 = arith.addf %add3A_1259, %select_n3A_1279 : vector<1x128xf32>
      %eq3A_1281 = arith.constant 57 : i32
      %eq3A_1282 = vector.broadcast %eq3A_1281 : i32 to vector<80x128xi32>
      %eq3A_1283 = arith.cmpi eq, %get3A_80, %eq3A_1282 : vector<80x128xi32>
      %convert_element_type3A_1284 = arith.extui %eq3A_1283 : vector<80x128xi1> to vector<80x128xi32>
      %convert_element_type3A_1285 = arith.sitofp %convert_element_type3A_1284 : vector<80x128xi32> to vector<80x128xf32>
      %reduce_sum3A_1286 = vector.shape_cast %convert_element_type3A_1285 : vector<80x128xf32> to vector<1x80x128xf32>
      %reduce_sum3A_1287 = arith.constant dense<0.000000e+00> : vector<1xf32>
      %reduce_sum3A_1288 = vector.multi_reduction <add>, %reduce_sum3A_1286, %reduce_sum3A_1287 [1, 2] : vector<1x80x128xf32> to vector<1xf32>
      %reduce_sum3A_1289 = vector.shape_cast %reduce_sum3A_1288 : vector<1xf32> to vector<1x1x1xf32>
      %reduce_sum3A_1290 = vector.extract %reduce_sum3A_1289[0, 0, 0] : f32 from vector<1x1x1xf32>
      %max3A_1291 = arith.constant 1.000000e+00 : f32
      %max3A_1292 = arith.maximumf %reduce_sum3A_1290, %max3A_1291 : f32
      %rsqrt3A_1293 = math.rsqrt %max3A_1292 : f32
      %eq3A_1294 = arith.constant 57 : i32
      %eq3A_1295 = vector.broadcast %eq3A_1294 : i32 to vector<1x128xi32>
      %eq3A_1296 = arith.cmpi eq, %iota3A_81, %eq3A_1295 : vector<1x128xi32>
      %jit3A_1297 = arith.constant 0.000000e+00 : f32
      %broadcast_in_dim3A_1298 = vector.broadcast %rsqrt3A_1293 : f32 to vector<1x128xf32>
      %broadcast_in_dim3A_1299 = vector.broadcast %jit3A_1297 : f32 to vector<1x128xf32>
      %select_n3A_1300 = arith.select %eq3A_1296, %broadcast_in_dim3A_1298, %broadcast_in_dim3A_1299 : vector<1x128xi1>, vector<1x128xf32>
      %add3A_1301 = arith.addf %add3A_1280, %select_n3A_1300 : vector<1x128xf32>
      %eq3A_1302 = arith.constant 58 : i32
      %eq3A_1303 = vector.broadcast %eq3A_1302 : i32 to vector<80x128xi32>
      %eq3A_1304 = arith.cmpi eq, %get3A_80, %eq3A_1303 : vector<80x128xi32>
      %convert_element_type3A_1305 = arith.extui %eq3A_1304 : vector<80x128xi1> to vector<80x128xi32>
      %convert_element_type3A_1306 = arith.sitofp %convert_element_type3A_1305 : vector<80x128xi32> to vector<80x128xf32>
      %reduce_sum3A_1307 = vector.shape_cast %convert_element_type3A_1306 : vector<80x128xf32> to vector<1x80x128xf32>
      %reduce_sum3A_1308 = arith.constant dense<0.000000e+00> : vector<1xf32>
      %reduce_sum3A_1309 = vector.multi_reduction <add>, %reduce_sum3A_1307, %reduce_sum3A_1308 [1, 2] : vector<1x80x128xf32> to vector<1xf32>
      %reduce_sum3A_1310 = vector.shape_cast %reduce_sum3A_1309 : vector<1xf32> to vector<1x1x1xf32>
      %reduce_sum3A_1311 = vector.extract %reduce_sum3A_1310[0, 0, 0] : f32 from vector<1x1x1xf32>
      %max3A_1312 = arith.constant 1.000000e+00 : f32
      %max3A_1313 = arith.maximumf %reduce_sum3A_1311, %max3A_1312 : f32
      %rsqrt3A_1314 = math.rsqrt %max3A_1313 : f32
      %eq3A_1315 = arith.constant 58 : i32
      %eq3A_1316 = vector.broadcast %eq3A_1315 : i32 to vector<1x128xi32>
      %eq3A_1317 = arith.cmpi eq, %iota3A_81, %eq3A_1316 : vector<1x128xi32>
      %jit3A_1318 = arith.constant 0.000000e+00 : f32
      %broadcast_in_dim3A_1319 = vector.broadcast %rsqrt3A_1314 : f32 to vector<1x128xf32>
      %broadcast_in_dim3A_1320 = vector.broadcast %jit3A_1318 : f32 to vector<1x128xf32>
      %select_n3A_1321 = arith.select %eq3A_1317, %broadcast_in_dim3A_1319, %broadcast_in_dim3A_1320 : vector<1x128xi1>, vector<1x128xf32>
      %add3A_1322 = arith.addf %add3A_1301, %select_n3A_1321 : vector<1x128xf32>
      %eq3A_1323 = arith.constant 59 : i32
      %eq3A_1324 = vector.broadcast %eq3A_1323 : i32 to vector<80x128xi32>
      %eq3A_1325 = arith.cmpi eq, %get3A_80, %eq3A_1324 : vector<80x128xi32>
      %convert_element_type3A_1326 = arith.extui %eq3A_1325 : vector<80x128xi1> to vector<80x128xi32>
      %convert_element_type3A_1327 = arith.sitofp %convert_element_type3A_1326 : vector<80x128xi32> to vector<80x128xf32>
      %reduce_sum3A_1328 = vector.shape_cast %convert_element_type3A_1327 : vector<80x128xf32> to vector<1x80x128xf32>
      %reduce_sum3A_1329 = arith.constant dense<0.000000e+00> : vector<1xf32>
      %reduce_sum3A_1330 = vector.multi_reduction <add>, %reduce_sum3A_1328, %reduce_sum3A_1329 [1, 2] : vector<1x80x128xf32> to vector<1xf32>
      %reduce_sum3A_1331 = vector.shape_cast %reduce_sum3A_1330 : vector<1xf32> to vector<1x1x1xf32>
      %reduce_sum3A_1332 = vector.extract %reduce_sum3A_1331[0, 0, 0] : f32 from vector<1x1x1xf32>
      %max3A_1333 = arith.constant 1.000000e+00 : f32
      %max3A_1334 = arith.maximumf %reduce_sum3A_1332, %max3A_1333 : f32
      %rsqrt3A_1335 = math.rsqrt %max3A_1334 : f32
      %eq3A_1336 = arith.constant 59 : i32
      %eq3A_1337 = vector.broadcast %eq3A_1336 : i32 to vector<1x128xi32>
      %eq3A_1338 = arith.cmpi eq, %iota3A_81, %eq3A_1337 : vector<1x128xi32>
      %jit3A_1339 = arith.constant 0.000000e+00 : f32
      %broadcast_in_dim3A_1340 = vector.broadcast %rsqrt3A_1335 : f32 to vector<1x128xf32>
      %broadcast_in_dim3A_1341 = vector.broadcast %jit3A_1339 : f32 to vector<1x128xf32>
      %select_n3A_1342 = arith.select %eq3A_1338, %broadcast_in_dim3A_1340, %broadcast_in_dim3A_1341 : vector<1x128xi1>, vector<1x128xf32>
      %add3A_1343 = arith.addf %add3A_1322, %select_n3A_1342 : vector<1x128xf32>
      %eq3A_1344 = arith.constant 60 : i32
      %eq3A_1345 = vector.broadcast %eq3A_1344 : i32 to vector<80x128xi32>
      %eq3A_1346 = arith.cmpi eq, %get3A_80, %eq3A_1345 : vector<80x128xi32>
      %convert_element_type3A_1347 = arith.extui %eq3A_1346 : vector<80x128xi1> to vector<80x128xi32>
      %convert_element_type3A_1348 = arith.sitofp %convert_element_type3A_1347 : vector<80x128xi32> to vector<80x128xf32>
      %reduce_sum3A_1349 = vector.shape_cast %convert_element_type3A_1348 : vector<80x128xf32> to vector<1x80x128xf32>
      %reduce_sum3A_1350 = arith.constant dense<0.000000e+00> : vector<1xf32>
      %reduce_sum3A_1351 = vector.multi_reduction <add>, %reduce_sum3A_1349, %reduce_sum3A_1350 [1, 2] : vector<1x80x128xf32> to vector<1xf32>
      %reduce_sum3A_1352 = vector.shape_cast %reduce_sum3A_1351 : vector<1xf32> to vector<1x1x1xf32>
      %reduce_sum3A_1353 = vector.extract %reduce_sum3A_1352[0, 0, 0] : f32 from vector<1x1x1xf32>
      %max3A_1354 = arith.constant 1.000000e+00 : f32
      %max3A_1355 = arith.maximumf %reduce_sum3A_1353, %max3A_1354 : f32
      %rsqrt3A_1356 = math.rsqrt %max3A_1355 : f32
      %eq3A_1357 = arith.constant 60 : i32
      %eq3A_1358 = vector.broadcast %eq3A_1357 : i32 to vector<1x128xi32>
      %eq3A_1359 = arith.cmpi eq, %iota3A_81, %eq3A_1358 : vector<1x128xi32>
      %jit3A_1360 = arith.constant 0.000000e+00 : f32
      %broadcast_in_dim3A_1361 = vector.broadcast %rsqrt3A_1356 : f32 to vector<1x128xf32>
      %broadcast_in_dim3A_1362 = vector.broadcast %jit3A_1360 : f32 to vector<1x128xf32>
      %select_n3A_1363 = arith.select %eq3A_1359, %broadcast_in_dim3A_1361, %broadcast_in_dim3A_1362 : vector<1x128xi1>, vector<1x128xf32>
      %add3A_1364 = arith.addf %add3A_1343, %select_n3A_1363 : vector<1x128xf32>
      %eq3A_1365 = arith.constant 61 : i32
      %eq3A_1366 = vector.broadcast %eq3A_1365 : i32 to vector<80x128xi32>
      %eq3A_1367 = arith.cmpi eq, %get3A_80, %eq3A_1366 : vector<80x128xi32>
      %convert_element_type3A_1368 = arith.extui %eq3A_1367 : vector<80x128xi1> to vector<80x128xi32>
      %convert_element_type3A_1369 = arith.sitofp %convert_element_type3A_1368 : vector<80x128xi32> to vector<80x128xf32>
      %reduce_sum3A_1370 = vector.shape_cast %convert_element_type3A_1369 : vector<80x128xf32> to vector<1x80x128xf32>
      %reduce_sum3A_1371 = arith.constant dense<0.000000e+00> : vector<1xf32>
      %reduce_sum3A_1372 = vector.multi_reduction <add>, %reduce_sum3A_1370, %reduce_sum3A_1371 [1, 2] : vector<1x80x128xf32> to vector<1xf32>
      %reduce_sum3A_1373 = vector.shape_cast %reduce_sum3A_1372 : vector<1xf32> to vector<1x1x1xf32>
      %reduce_sum3A_1374 = vector.extract %reduce_sum3A_1373[0, 0, 0] : f32 from vector<1x1x1xf32>
      %max3A_1375 = arith.constant 1.000000e+00 : f32
      %max3A_1376 = arith.maximumf %reduce_sum3A_1374, %max3A_1375 : f32
      %rsqrt3A_1377 = math.rsqrt %max3A_1376 : f32
      %eq3A_1378 = arith.constant 61 : i32
      %eq3A_1379 = vector.broadcast %eq3A_1378 : i32 to vector<1x128xi32>
      %eq3A_1380 = arith.cmpi eq, %iota3A_81, %eq3A_1379 : vector<1x128xi32>
      %jit3A_1381 = arith.constant 0.000000e+00 : f32
      %broadcast_in_dim3A_1382 = vector.broadcast %rsqrt3A_1377 : f32 to vector<1x128xf32>
      %broadcast_in_dim3A_1383 = vector.broadcast %jit3A_1381 : f32 to vector<1x128xf32>
      %select_n3A_1384 = arith.select %eq3A_1380, %broadcast_in_dim3A_1382, %broadcast_in_dim3A_1383 : vector<1x128xi1>, vector<1x128xf32>
      %add3A_1385 = arith.addf %add3A_1364, %select_n3A_1384 : vector<1x128xf32>
      %eq3A_1386 = arith.constant 62 : i32
      %eq3A_1387 = vector.broadcast %eq3A_1386 : i32 to vector<80x128xi32>
      %eq3A_1388 = arith.cmpi eq, %get3A_80, %eq3A_1387 : vector<80x128xi32>
      %convert_element_type3A_1389 = arith.extui %eq3A_1388 : vector<80x128xi1> to vector<80x128xi32>
      %convert_element_type3A_1390 = arith.sitofp %convert_element_type3A_1389 : vector<80x128xi32> to vector<80x128xf32>
      %reduce_sum3A_1391 = vector.shape_cast %convert_element_type3A_1390 : vector<80x128xf32> to vector<1x80x128xf32>
      %reduce_sum3A_1392 = arith.constant dense<0.000000e+00> : vector<1xf32>
      %reduce_sum3A_1393 = vector.multi_reduction <add>, %reduce_sum3A_1391, %reduce_sum3A_1392 [1, 2] : vector<1x80x128xf32> to vector<1xf32>
      %reduce_sum3A_1394 = vector.shape_cast %reduce_sum3A_1393 : vector<1xf32> to vector<1x1x1xf32>
      %reduce_sum3A_1395 = vector.extract %reduce_sum3A_1394[0, 0, 0] : f32 from vector<1x1x1xf32>
      %max3A_1396 = arith.constant 1.000000e+00 : f32
      %max3A_1397 = arith.maximumf %reduce_sum3A_1395, %max3A_1396 : f32
      %rsqrt3A_1398 = math.rsqrt %max3A_1397 : f32
      %eq3A_1399 = arith.constant 62 : i32
      %eq3A_1400 = vector.broadcast %eq3A_1399 : i32 to vector<1x128xi32>
      %eq3A_1401 = arith.cmpi eq, %iota3A_81, %eq3A_1400 : vector<1x128xi32>
      %jit3A_1402 = arith.constant 0.000000e+00 : f32
      %broadcast_in_dim3A_1403 = vector.broadcast %rsqrt3A_1398 : f32 to vector<1x128xf32>
      %broadcast_in_dim3A_1404 = vector.broadcast %jit3A_1402 : f32 to vector<1x128xf32>
      %select_n3A_1405 = arith.select %eq3A_1401, %broadcast_in_dim3A_1403, %broadcast_in_dim3A_1404 : vector<1x128xi1>, vector<1x128xf32>
      %add3A_1406 = arith.addf %add3A_1385, %select_n3A_1405 : vector<1x128xf32>
      %eq3A_1407 = arith.constant 63 : i32
      %eq3A_1408 = vector.broadcast %eq3A_1407 : i32 to vector<80x128xi32>
      %eq3A_1409 = arith.cmpi eq, %get3A_80, %eq3A_1408 : vector<80x128xi32>
      %convert_element_type3A_1410 = arith.extui %eq3A_1409 : vector<80x128xi1> to vector<80x128xi32>
      %convert_element_type3A_1411 = arith.sitofp %convert_element_type3A_1410 : vector<80x128xi32> to vector<80x128xf32>
      %reduce_sum3A_1412 = vector.shape_cast %convert_element_type3A_1411 : vector<80x128xf32> to vector<1x80x128xf32>
      %reduce_sum3A_1413 = arith.constant dense<0.000000e+00> : vector<1xf32>
      %reduce_sum3A_1414 = vector.multi_reduction <add>, %reduce_sum3A_1412, %reduce_sum3A_1413 [1, 2] : vector<1x80x128xf32> to vector<1xf32>
      %reduce_sum3A_1415 = vector.shape_cast %reduce_sum3A_1414 : vector<1xf32> to vector<1x1x1xf32>
      %reduce_sum3A_1416 = vector.extract %reduce_sum3A_1415[0, 0, 0] : f32 from vector<1x1x1xf32>
      %max3A_1417 = arith.constant 1.000000e+00 : f32
      %max3A_1418 = arith.maximumf %reduce_sum3A_1416, %max3A_1417 : f32
      %rsqrt3A_1419 = math.rsqrt %max3A_1418 : f32
      %eq3A_1420 = arith.constant 63 : i32
      %eq3A_1421 = vector.broadcast %eq3A_1420 : i32 to vector<1x128xi32>
      %eq3A_1422 = arith.cmpi eq, %iota3A_81, %eq3A_1421 : vector<1x128xi32>
      %jit3A_1423 = arith.constant 0.000000e+00 : f32
      %broadcast_in_dim3A_1424 = vector.broadcast %rsqrt3A_1419 : f32 to vector<1x128xf32>
      %broadcast_in_dim3A_1425 = vector.broadcast %jit3A_1423 : f32 to vector<1x128xf32>
      %select_n3A_1426 = arith.select %eq3A_1422, %broadcast_in_dim3A_1424, %broadcast_in_dim3A_1425 : vector<1x128xi1>, vector<1x128xf32>
      %add3A_1427 = arith.addf %add3A_1406, %select_n3A_1426 : vector<1x128xf32>
      %swap3A_1428 = arith.constant 0 : index
      %swap3A_1429 = arith.constant 0 : index
      %swap3A_1430 = vector.load %arg13[%swap3A_1428, %swap3A_1429] : memref<1x128xf32, #tpu.memory_space<vmem>>, vector<1x128xf32>
      tpu.vector_store %arg13[%swap3A_1428, %swap3A_1429], %add3A_1427 {strides = array<i32>} : memref<1x128xf32, #tpu.memory_space<vmem>>, vector<1x128xf32>,
    } else {
    }
    %get3A = arith.constant 0 : index
    %get3A_2 = arith.constant 0 : index
    %get3A_3 = vector.load %arg1[%get3A, %get3A_2] : memref<1000x128xf32, #tpu.memory_space<vmem>>, vector<1000x128xf32>
    %get3A_4 = arith.constant 0 : index
    %get3A_5 = arith.constant 0 : index
    %get3A_6 = vector.load %arg2[%get3A_4, %get3A_5] : memref<1000x128xf32, #tpu.memory_space<vmem>>, vector<1000x128xf32>
    %add3A = arith.addf %get3A_3, %get3A_6 : vector<1000x128xf32>
    %get3A_7 = arith.constant 0 : index
    %get3A_8 = arith.constant 0 : index
    %get3A_9 = vector.load %arg6[%get3A_7, %get3A_8] : memref<128x256xf32, #tpu.memory_space<vmem>>, vector<128x256xf32>
    %dot_general3A = arith.constant dense<0.000000e+00> : vector<1000x256xf32>
    %dot_general3A_10 = tpu.matmul %add3A, %get3A_9, %dot_general3A {dimension_numbers = #tpu.dot_dimension_numbers<[1], [0], [0], [1], [0, 0, 1, 1], [], []>, transpose_lhs_hint = false} : vector<1000x128xf32>, vector<128x256xf32>, vector<1000x256xf32> -> vector<1000x256xf32>
    %get3A_11 = arith.constant 0 : index
    %get3A_12 = arith.constant 0 : index
    %get3A_13 = vector.load %arg7[%get3A_11, %get3A_12] : memref<1x256xf32, #tpu.memory_space<vmem>>, vector<1x256xf32>
    %add3A_14 = vector.broadcast %get3A_13 : vector<1x256xf32> to vector<1000x256xf32>
    %add3A_15 = arith.addf %dot_general3A_10, %add3A_14 : vector<1000x256xf32>
    %max3A = arith.constant 0.000000e+00 : f32
    %max3A_16 = vector.broadcast %max3A : f32 to vector<1000x256xf32>
    %max3A_17 = arith.maximumf %add3A_15, %max3A_16 : vector<1000x256xf32>
    %get3A_18 = arith.constant 0 : index
    %get3A_19 = arith.constant 0 : index
    %get3A_20 = vector.load %arg8[%get3A_18, %get3A_19] : memref<256x128xf32, #tpu.memory_space<vmem>>, vector<256x128xf32>
    %dot_general3A_21 = arith.constant dense<0.000000e+00> : vector<1000x128xf32>
    %dot_general3A_22 = tpu.matmul %max3A_17, %get3A_20, %dot_general3A_21 {dimension_numbers = #tpu.dot_dimension_numbers<[1], [0], [0], [1], [0, 0, 1, 1], [], []>, transpose_lhs_hint = false} : vector<1000x256xf32>, vector<256x128xf32>, vector<1000x128xf32> -> vector<1000x128xf32>
    %get3A_23 = arith.constant 0 : index
    %get3A_24 = arith.constant 0 : index
    %get3A_25 = vector.load %arg9[%get3A_23, %get3A_24] : memref<1x128xf32, #tpu.memory_space<vmem>>, vector<1x128xf32>
    %add3A_26 = vector.broadcast %get3A_25 : vector<1x128xf32> to vector<1000x128xf32>
    %add3A_27 = arith.addf %dot_general3A_22, %add3A_26 : vector<1000x128xf32>
    %reduce_sum3A = arith.constant dense<0.000000e+00> : vector<1000xf32>
    %reduce_sum3A_28 = vector.multi_reduction <add>, %add3A_27, %reduce_sum3A [1] : vector<1000x128xf32> to vector<1000xf32>
    %broadcast_in_dim3A = vector.shape_cast %reduce_sum3A_28 : vector<1000xf32> to vector<1000x1xf32>
    %div3A = arith.constant 1.280000e+02 : f32
    %div3A_29 = vector.broadcast %div3A : f32 to vector<1000x1xf32>
    %div3A_30 = arith.divf %broadcast_in_dim3A, %div3A_29 : vector<1000x1xf32>
    %sub3A = vector.broadcast %div3A_30 : vector<1000x1xf32> to vector<1000x128xf32>
    %sub3A_31 = arith.subf %add3A_27, %sub3A : vector<1000x128xf32>
    %mul3A = arith.mulf %sub3A_31, %sub3A_31 : vector<1000x128xf32>
    %reduce_sum3A_32 = arith.constant dense<0.000000e+00> : vector<1000xf32>
    %reduce_sum3A_33 = vector.multi_reduction <add>, %mul3A, %reduce_sum3A_32 [1] : vector<1000x128xf32> to vector<1000xf32>
    %broadcast_in_dim3A_34 = vector.shape_cast %reduce_sum3A_33 : vector<1000xf32> to vector<1000x1xf32>
    %div3A_35 = arith.constant 1.280000e+02 : f32
    %div3A_36 = vector.broadcast %div3A_35 : f32 to vector<1000x1xf32>
    %div3A_37 = arith.divf %broadcast_in_dim3A_34, %div3A_36 : vector<1000x1xf32>
    %add3A_38 = arith.constant 9.99999974E-6 : f32
    %add3A_39 = vector.broadcast %add3A_38 : f32 to vector<1000x1xf32>
    %add3A_40 = arith.addf %div3A_37, %add3A_39 : vector<1000x1xf32>
    %rsqrt3A = math.rsqrt %add3A_40 : vector<1000x1xf32>
    %mul3A_41 = vector.broadcast %rsqrt3A : vector<1000x1xf32> to vector<1000x128xf32>
    %mul3A_42 = arith.mulf %sub3A_31, %mul3A_41 : vector<1000x128xf32>
    %get3A_43 = arith.constant 0 : index
    %get3A_44 = arith.constant 0 : index
    %get3A_45 = vector.load %arg10[%get3A_43, %get3A_44] : memref<1x128xf32, #tpu.memory_space<vmem>>, vector<1x128xf32>
    %mul3A_46 = vector.broadcast %get3A_45 : vector<1x128xf32> to vector<1000x128xf32>
    %mul3A_47 = arith.mulf %mul3A_42, %mul3A_46 : vector<1000x128xf32>
    %get3A_48 = arith.constant 0 : index
    %get3A_49 = arith.constant 0 : index
    %get3A_50 = vector.load %arg11[%get3A_48, %get3A_49] : memref<1x128xf32, #tpu.memory_space<vmem>>, vector<1x128xf32>
    %add3A_51 = vector.broadcast %get3A_50 : vector<1x128xf32> to vector<1000x128xf32>
    %add3A_52 = arith.addf %mul3A_47, %add3A_51 : vector<1000x128xf32>
    %iota3A = tpu.iota {dimensions = array<i32: 1>} : vector<1000x128xi32>
    %get3A_53 = arith.constant 0 : index
    %get3A_54 = arith.constant 0 : index
    %get3A_55 = vector.load %arg4[%get3A_53, %get3A_54] : memref<1000x1xi32, #tpu.memory_space<vmem>>, vector<1000x1xi32>
    %eq3A_56 = vector.broadcast %get3A_55 : vector<1000x1xi32> to vector<1000x128xi32>
    %eq3A_57 = arith.cmpi eq, %eq3A_56, %iota3A : vector<1000x128xi32>
    %get3A_58 = arith.constant 0 : index
    %get3A_59 = arith.constant 0 : index
    %get3A_60 = vector.load %arg13[%get3A_58, %get3A_59] : memref<1x128xf32, #tpu.memory_space<vmem>>, vector<1x128xf32>
    %jit3A = arith.constant 0.000000e+00 : f32
    %broadcast_in_dim3A_61 = vector.shape_cast %get3A_60 : vector<1x128xf32> to vector<1x128xf32>
    %broadcast_in_dim3A_62 = vector.broadcast %broadcast_in_dim3A_61 : vector<1x128xf32> to vector<1000x128xf32>
    %broadcast_in_dim3A_63 = vector.broadcast %jit3A : f32 to vector<1000x128xf32>
    %select_n3A = arith.select %eq3A_57, %broadcast_in_dim3A_62, %broadcast_in_dim3A_63 : vector<1000x128xi1>, vector<1000x128xf32>
    %reduce_sum3A_64 = arith.constant dense<0.000000e+00> : vector<1000xf32>
    %reduce_sum3A_65 = vector.multi_reduction <add>, %select_n3A, %reduce_sum3A_64 [1] : vector<1000x128xf32> to vector<1000xf32>
    %broadcast_in_dim3A_66 = vector.shape_cast %reduce_sum3A_65 : vector<1000xf32> to vector<1000x1xf32>
    %mul3A_67 = vector.broadcast %broadcast_in_dim3A_66 : vector<1000x1xf32> to vector<1000x128xf32>
    %mul3A_68 = arith.mulf %add3A_52, %mul3A_67 : vector<1000x128xf32>
    %max3A_69 = arith.constant 0.000000e+00 : f32
    %max3A_70 = vector.broadcast %max3A_69 : f32 to vector<1000x128xf32>
    %max3A_71 = arith.maximumf %mul3A_68, %max3A_70 : vector<1000x128xf32>
    %get3A_72 = arith.constant 0 : index
    %get3A_73 = arith.constant 0 : index
    %get3A_74 = vector.load %arg3[%get3A_72, %get3A_73] : memref<1000x128xf32, #tpu.memory_space<vmem>>, vector<1000x128xf32>
    %add3A_75 = arith.addf %max3A_71, %get3A_74 : vector<1000x128xf32>
    %swap3A = arith.constant 0 : index
    %swap3A_76 = arith.constant 0 : index
    %swap3A_77 = vector.load %arg12[%swap3A, %swap3A_76] : memref<1000x128xf32, #tpu.memory_space<vmem>>, vector<1000x128xf32>
    tpu.vector_store %arg12[%swap3A, %swap3A_76], %add3A_75 {strides = array<i32>} : memref<1000x128xf32, #tpu.memory_space<vmem>>, vector<1000x128xf32>,
    return
  }
  func.func @transform_0(%arg0: i32) -> (i32, i32) {
    %c0_i32 = arith.constant 0 : i32
    %c0_i32_0 = arith.constant 0 : i32
    return %arg0, %c0_i32 : i32, i32
  }
  func.func @transform_1(%arg0: i32) -> (i32, i32) {
    %c0_i32 = arith.constant 0 : i32
    %c0_i32_0 = arith.constant 0 : i32
    return %arg0, %c0_i32 : i32, i32
  }
  func.func @transform_2(%arg0: i32) -> (i32, i32) {
    %c0_i32 = arith.constant 0 : i32
    %c0_i32_0 = arith.constant 0 : i32
    return %arg0, %c0_i32 : i32, i32
  }
  func.func @transform_3(%arg0: i32) -> (i32, i32) {
    %c0_i32 = arith.constant 0 : i32
    %c0_i32_0 = arith.constant 0 : i32
    return %arg0, %c0_i32 : i32, i32
  }
  func.func @transform_4(%arg0: i32) -> (i32, i32) {
    %c0_i32 = arith.constant 0 : i32
    %c0_i32_0 = arith.constant 0 : i32
    %c0_i32_1 = arith.constant 0 : i32
    return %c0_i32, %c0_i32_0 : i32, i32
  }
  func.func @transform_5(%arg0: i32) -> (i32, i32) {
    %c0_i32 = arith.constant 0 : i32
    %c0_i32_0 = arith.constant 0 : i32
    %c0_i32_1 = arith.constant 0 : i32
    return %c0_i32, %c0_i32_0 : i32, i32
  }
  func.func @transform_6(%arg0: i32) -> (i32, i32) {
    %c0_i32 = arith.constant 0 : i32
    %c0_i32_0 = arith.constant 0 : i32
    %c0_i32_1 = arith.constant 0 : i32
    return %c0_i32, %c0_i32_0 : i32, i32
  }
  func.func @transform_7(%arg0: i32) -> (i32, i32) {
    %c0_i32 = arith.constant 0 : i32
    %c0_i32_0 = arith.constant 0 : i32
    %c0_i32_1 = arith.constant 0 : i32
    return %c0_i32, %c0_i32_0 : i32, i32
  }
  func.func @transform_8(%arg0: i32) -> (i32, i32) {
    %c0_i32 = arith.constant 0 : i32
    %c0_i32_0 = arith.constant 0 : i32
    %c0_i32_1 = arith.constant 0 : i32
    return %c0_i32, %c0_i32_0 : i32, i32
  }
  func.func @transform_9(%arg0: i32) -> (i32, i32) {
    %c0_i32 = arith.constant 0 : i32
    %c0_i32_0 = arith.constant 0 : i32
    %c0_i32_1 = arith.constant 0 : i32
    return %c0_i32, %c0_i32_0 : i32, i32
  }
  func.func @transform_10(%arg0: i32) -> (i32, i32) {
    %c0_i32 = arith.constant 0 : i32
    %c0_i32_0 = arith.constant 0 : i32
    %c0_i32_1 = arith.constant 0 : i32
    return %c0_i32, %c0_i32_0 : i32, i32
  }
  func.func @transform_11(%arg0: i32) -> (i32, i32) {
    %c0_i32 = arith.constant 0 : i32
    %c0_i32_0 = arith.constant 0 : i32
    return %arg0, %c0_i32 : i32, i32
  }
}

</mosaic_0001>

<sc_bundles>
// kernel: kernel.4.cloned.1.call-start
scs
__scs_entry_jumppad:
0x0: {  	(pc) =	sbr.rel $0x88, $3  }
0x1: {  	(tag) =	ssettag $0x0;
	lr =	simm.s32 $0x1  }
0x2: {  	[smem:$0x3F97] =	sst lr;
	_ =	strace $0xD0000000  }
0x3: {  	_ = 	snop  }
0x4: {  	_ = 	snop  }
0x5: {  	_ = 	snop  }
0x6: {  	_ = 	snop  }
0x7: {  	_ = 	snop  }
__scs_overlays_trampoline_lowered:
0x8: {  	[smem:$0x3FA6] =	sst s0  }
0x9: {  	[smem:$0x3FA7] =	sst s1  }
0xa: {  	[smem:$0x3FA8] =	sst s2  }
0xb: {  	[smem:$0x3FA9] =	sst s3  }
0xc: {  	[smem:$0x3FAA] =	sst s4  }
0xd: {  	[smem:$0x3FAB] =	sst s5  }
0xe: {  	[smem:$0x3FAC] =	sst s6  }
0xf: {  	[smem:$0x3FAD] =	sst s7  }
0x10: {  	[smem:$0x3FAE] =	sst s8  }
0x11: {  	[smem:$0x3FAF] =	sst s9;
	s0 =	simm.s32 @!p0 $0x0  }
0x12: {  	s1 =	sld [smem:$0x3F95];
	s0 =	simm.s32 @p0 $0x1  }
0x13: {  	[smem:$0x3FB0] =	sst s0;
	s0 =	simm.s32 @!p1 $0x0  }
0x14: {  	s2 =	sld [smem:$0x3F94];
	s0 =	simm.s32 @p1 $0x1  }
0x15: {  	[smem:$0x3FB1] =	sst s0;
	s0 =	simm.s32 @!p2 $0x0  }
0x16: {  	s3 =	sld [smem:$0x3FDB];
	s0 =	simm.s32 @p2 $0x1  }
0x17: {  	s4 =	simm.s32 $0x1BF5;
	[smem:$0x3FB3] =	sst s0  }
0x18: {  	s0 =	sld [smem:$0x3F96];
	_ =	swait.ge [sflag:s4], $0x0  }
0x19: {  	s7 =	sld [smem:$0x3F97]  }
0x1a: {  	s8 =	sadd.s32 $0xFFFFE003, lr  }
0x1b: {  	s9 =	sadd.s32 $0xFFFFFEF7, lr;
	s5 =	simm.s32 $0xFFFFFFFF;
	p2 =	slt.u32 s8, $0xFFFFF086  }
0x1c: {  	p1 =	slt.u32 s9, $0xF7A;
	s5 =	simm.s32 @!p2 $0x0  }
0x1d: {  	s5 =	simm.s32 @p1 $0x1;
	p0 =	seq.s32 s7, s2  }
0x1e: {  	s7 =	smul.u32 @!p0 $0xF7A, s2;
	p2 =	seq.s32 @!p0 s5, $0x0  }
0x1f: {  	s9 =	smul.u32 $0xF7A, s1;
	s8 =	simm.s32 @!p0 $0x1BF5;
	p2 =	por !p2, p0  }
0x20: {  	[sflag:s8] =	ssyncset.s32 @!p0 $0xFFFFF086;
	s6 =	sadd.s32 @!p0 s3, s7;
	s7 =	simm.s32 @!p0 $0x108  }
0x21: {  	s3 =	sadd.s32 s3, s9;
	s6 =	sadd.s32 @!p0 $0x88, s6;
	s7 =	simm.s32 @p2 $0x1082  }
0x22: {  	[simem:s7], [sflag:s8] =	dma.local @!p0 [hbm:s6], $0xF7A  }
0x23: {  	s9 =	sor.u32 $0xD0000000, s2;
	s6 =	simm.s32 $0x108;
	_ =	swait.ge @!p0 [sflag:s8], $0x0  }
0x24: {  	s3 =	sadd.s32 $0x88, s3;
	s6 =	simm.s32 @!p1 $0x1082;
	[sflag:s4] =	ssyncset.s32 $0xFFFFF086  }
0x25: {  	[simem:s6], [sflag:s4] =	dma.local [hbm:s3], $0xF7A  }
0x26: {  	[smem:$0x3F97] =	sst s1;
	(tag) =	ssettag s2;
	_ =	strace s9  }
0x27: {  	s1 =	sld [smem:$0x3FA7]  }
0x28: {  	s2 =	sld [smem:$0x3FA8]  }
0x29: {  	s4 =	sld [smem:$0x3FAA]  }
0x2a: {  	p0 =	seq.s32 s5, $0x0;
	s5 =	sld [smem:$0x3FAB]  }
0x2b: {  	s6 =	sld [smem:$0x3FAC]  }
0x2c: {  	s7 =	sld [smem:$0x3FAD]  }
0x2d: {  	s3 =	simm.s32 $0x108;
	s8 =	sld [smem:$0x3FAE]  }
0x2e: {  	s3 =	simm.s32 @!p0 $0x1082;
	s9 =	sld [smem:$0x3FAF]  }
0x2f: {  	lr =	sadd.s32 s0, s3;
	s0 =	sld [smem:$0x3FA6]  }
0x30: {  	s3 =	sld [smem:$0x3FA9]  }
0x31: {  	[smem:$0x3FB2] =	sst s10  }
0x32: {  	s10 =	sld [smem:$0x3FB0];
	_ =	sdelay $0x3  }
0x33: {  	p0 =	seq.s32 s10, $0x1;
	s10 =	sld [smem:$0x3FB2];
	_ =	sdelay $0x3  }
0x34: {  	[smem:$0x3FB2] =	sst s10  }
0x35: {  	s10 =	sld [smem:$0x3FB1];
	_ =	sdelay $0x3  }
0x36: {  	p1 =	seq.s32 s10, $0x1;
	s10 =	sld [smem:$0x3FB2];
	_ =	sdelay $0x3  }
0x37: {  	[smem:$0x3FB2] =	sst s10  }
0x38: {  	s10 =	sld [smem:$0x3FB3]  }
0x39: {  	_ = 	snop;
	(pc) =	sbr.ind lr, $3  }
0x3a: {  	_ = 	snop  }
0x3b: {  	_ = 	snop  }
0x3c: {  	p2 =	seq.s32 s10, $0x1;
	s10 =	sld [smem:$0x3FB2]  }
0x3d: {  	_ =	shalt  }
0x3e: {  	_ =	shalt  }
0x3f: {  	_ =	shalt  }
0x40: {  	_ =	shalt  }
0x41: {  	_ =	shalt  }
0x42: {  	_ =	shalt  }
0x43: {  	_ =	shalt  }
0x44: {  	_ =	shalt  }
0x45: {  	_ =	shalt  }
0x46: {  	_ =	shalt  }
0x47: {  	_ =	shalt  }
0x48: {  	_ =	shalt  }
0x49: {  	_ =	shalt  }
0x4a: {  	_ =	shalt  }
0x4b: {  	_ =	shalt  }
0x4c: {  	_ =	shalt  }
0x4d: {  	_ =	shalt  }
0x4e: {  	_ =	shalt  }
0x4f: {  	_ =	shalt  }
0x50: {  	_ =	shalt  }
0x51: {  	_ =	shalt  }
0x52: {  	_ =	shalt  }
0x53: {  	_ =	shalt  }
0x54: {  	_ =	shalt  }
0x55: {  	_ =	shalt  }
0x56: {  	_ =	shalt  }
0x57: {  	_ =	shalt  }
0x58: {  	_ =	shalt  }
0x59: {  	_ =	shalt  }
0x5a: {  	_ =	shalt  }
0x5b: {  	_ =	shalt  }
0x5c: {  	_ =	shalt  }
0x5d: {  	_ =	shalt  }
0x5e: {  	_ =	shalt  }
0x5f: {  	_ =	shalt  }
0x60: {  	_ =	shalt  }
0x61: {  	_ =	shalt  }
0x62: {  	_ =	shalt  }
0x63: {  	_ =	shalt  }
0x64: {  	_ =	shalt  }
0x65: {  	_ =	shalt  }
0x66: {  	_ =	shalt  }
0x67: {  	_ =	shalt  }
0x68: {  	_ =	shalt  }
0x69: {  	_ =	shalt  }
0x6a: {  	_ =	shalt  }
0x6b: {  	_ =	shalt  }
0x6c: {  	_ =	shalt  }
0x6d: {  	_ =	shalt  }
0x6e: {  	_ =	shalt  }
0x6f: {  	_ =	shalt  }
0x70: {  	_ =	shalt  }
0x71: {  	_ =	shalt  }
0x72: {  	_ =	shalt  }
0x73: {  	_ =	shalt  }
0x74: {  	_ =	shalt  }
0x75: {  	_ =	shalt  }
0x76: {  	_ =	shalt  }
0x77: {  	_ =	shalt  }
0x78: {  	_ =	shalt  }
0x79: {  	_ =	shalt  }
0x7a: {  	_ =	shalt  }
0x7b: {  	_ =	shalt  }
0x7c: {  	_ =	shalt  }
0x7d: {  	_ =	shalt  }
0x7e: {  	_ =	shalt  }
0x7f: {  	_ =	shalt  }
0x80: {  	_ =	shalt  }
0x81: {  	_ =	shalt  }
0x82: {  	_ =	shalt  }
0x83: {  	_ =	shalt  }
0x84: {  	_ =	shalt  }
0x85: {  	_ =	shalt  }
0x86: {  	_ =	shalt  }
0x87: {  	_ =	shalt  }
.Lfunc_end0:
.L_simem_size_0:
called_computation_lowered:
.L_overlay_start_0:
0x88: {  	s2 =	sld [smem:$0x3FD9]  }
0x89: {  	s3 =	sld [smem:$0x3FFE];
	_ =	sdelay $0x1  }
0x8a: {  	s1 =	srdreg.scid  }
0x8b: {  	s0 =	sand.u32 $0x1, s1  }
0x8c: {  	s17 =	sshll.u32 s0, $0xA;
	s2 =	sadd.s32 s3, s2  }
0x8d: {  	s2 =	sadd.s32 s2, s17  }
0x8e: {  	[smem:$0x3FBE] =	sst s2  }
0x8f: {  	_ = 	snop  }
0x90: {  	s2 =	sld [smem:$0x3FC9]  }
0x91: {  	s18 =	sld [smem:$0x3FC8]  }
0x92: {  	s4 =	sld [smem:$0x3FD0];
	(tm) =	ssettm $0x1  }
0x93: {  	s5 =	sld [smem:$0x3FFB];
	_ =	sdelay $0x3  }
0x94: {  	_ =	strace s5  }
0x95: {  	s5 =	sld [smem:$0x3FFC];
	_ =	sdelay $0x3  }
0x96: {  	_ =	strace s5  }
0x97: {  	s5 =	sld [smem:$0x3FFD];
	_ =	sdelay $0x3  }
0x98: {  	_ =	strace s5  }
0x99: {  	_ =	strace $0x8FFFFFFF  }
0x9a: {  	s19 =	sld [smem:$0x3FDB];
	_ =	sdelay $0x1  }
0x9b: {  	s6 =	simm.s32 $_scs_section_size  }
0x9c: {  	s7 =	simm.s32 $_size__tile_overlayer_lowered;
	s8 =	simm.s32 $_tile_overlayer_lowered  }
0x9d: {  	s22 =	simm.s32 $0x1BFF;
	s21 =	sshll.u32 s8, $0x1;
	s5 =	sadd.s32 s6, s19  }
0x9e: {  	s9 =	simm.s32 $0x0;
	s20 =	sshll.u32 s7, $0x1;
	s7 =	sadd.s32 s21, s5  }
0x9f: {  	[timem:s9], [sflag:s22] =	dma.local [hbm:s7], s20  }
0xa0: {  	_ =	swait.ge [sflag:s22], s20  }
0xa1: {  	s6 =	ssub.s32 $0x0, s20;
	[sflag:s22] =	ssyncset.done $0x0  }
0xa2: {  	[sflag:s22] =	ssyncadd.s32 s6;
	_ =	sdelay $0x1  }
0xa3: {  	s23 =	simm.s32 $0x1B8B  }
0xa4: {  	_ =	swait.ge [sflag:s23], $0x1  }
0xa5: {  	[sflag:s23] =	ssyncset.done $0x0  }
0xa6: {  	s25 =	simm.s32 $0x1B8E;
	s24 =	sld [smem:$0x3FFE];
	[sflag:s23] =	ssyncadd.s32 $0xFFFFFFFF  }
0xa7: {  	s26 =	simm.s32 $execute0_lowered;
	[smem:$0x3FD2] =	sst s25  }
0xa8: {  	s7 =	sshll.u32 s26, $0x1;
	_ =	strace $0x80000046;
	[dreg:$0x1] =	wrdreg $0xFFFFFFFF  }
0xa9: {  	s28 =	simm.s32 $_size_execute0_lowered;
	s5 =	sadd.s32 s5, s7;
	[dreg:$0x0] =	wrdreg $0x0  }
0xaa: {  	s7 =	sshll.u32 s28, $0x1;
	[dreg:$0x2] =	wrdreg s5  }
0xab: {  	[dreg:$0x3] =	wrdreg s7  }
0xac: {  	[dreg:$0x4] =	wrdreg $0xC0  }
0xad: {  	_ =	task [dreg:s9], $0x5FFFF  }
0xae: {  	[dreg:$0x1] =	wrdreg $0xFFFFFFFF  }
0xaf: {  	[dreg:$0x0] =	wrdreg $0x60  }
0xb0: {  	[dreg:$0x2] =	wrdreg s2  }
0xb1: {  	[dreg:$0x3] =	wrdreg s18  }
0xb2: {  	[dreg:$0x4] =	wrdreg s24  }
0xb3: {  	[dreg:$0x5] =	wrdreg s4  }
0xb4: {  	[dreg:$0x6] =	wrdreg $0x0  }
0xb5: {  	[dreg:$0x7] =	wrdreg $0x9  }
0xb6: {  	_ =	task.clear_ibuf [dreg:s9], $0x8FFFF;
	_ =	strace $0x90000046  }
0xb7: {  	s29 =	simm.s32 $0x9;
	_ =	strace $0x80000048  }
0xb8: {  	_ =	swait.ge [sflag:s29], $0x1  }
0xb9: {  	[sflag:s29] =	ssyncadd.s32 $0xFFFFFFFF  }
0xba: {  	_ =	strace $0x90000048  }
0xbb: {  	_ =	sfence  }
0xbc: {  	s30 =	sld [smem:$0x0];
	_ =	sdelay $0x2  }
0xbd: {  	s31 =	sshll.u32 s1, $0xD;
	s1 =	sshrl.u32 s1, $0x2  }
0xbe: {  	s3 =	sand.u32 $0x4000, s31;
	s1 =	sadd.s32 s1, s30  }
0xbf: {  	s0 =	sor.u32 s3, s0;
	s1 =	sshll.u32 s1, $0x11  }
0xc0: {  	s0 =	sor.u32 s1, s0  }
0xc1: {  	s0 =	sadd.s32 $0x8F2B, s0  }
0xc2: {  	[sflag:s0] =	ssyncadd.remote.s32 $0x1  }
0xc3: {  	_ =	sfence.sel $0xFFFF  }
0xc4: {  	[dreg:$0x0] =	wrdreg $0xFFFFFFFF;
	(pc) =	sbr.abs _section_cstart, $3  }
0xc5: {  	[dreg:$0x1] =	wrdreg $0xFFFFFFFF  }
0xc6: {  	_ =	task.clear_ibuf [dreg:s9], $0x2FFFF;
	_ =	strace $0x9FFFFFFF  }
0xc7: {  	(tm) =	ssettm $0x7FFFFFFF  }
tec
execute0_lowered:
.L_overlay_start_1:
0x0: {  	(tag) =	ssettag $0x1  }
0x1: {  	s1 =	rddreg [dreg:$0x0]  }
0x2: {  	s2 =	rddreg [dreg:$0x1]  }
0x3: {  	s0 =	rddreg [dreg:$0x2]  }
0x4: {  	s3 =	rddreg [dreg:$0x3]  }
0x5: {  	s5 =	rddreg [dreg:$0x4];
	s6 =	simm.s32 $0x0;
	s4 =	srdreg.scid  }
0x6: {  	s12 =	stileid.u32;
	s31 =	simm.s32 $0x14300;
	s28 =	simm.s32 $0x6  }
0x7: {  	s30 =	simm.s32 $0x2;
	[smem:$0x7FF] =	sst s6;
	s8 =	smul.u32 $0x2800, s12  }
0x8: {  	s4 =	sand.u32 $0x1, s4;
	s7 =	sadd.s32 $0x1400, s0;
	s11 =	smul.u32 $0x50000, s12  }
0x9: {  	_ =	strace $0x80000047;
	s9 =	smul.u32 $0x28000, s4;
	s10 =	sshll.u32 s4, $0x4  }
0xa: {  	s4 =	ssub.s32 $0x2, s4;
	s23 =	sor.u32 s12, s10;
	s11 =	sshrl.u32 s11, $0x2  }
0xb: {  	s24 =	sshrl.u32 s4, $0x1;
	s8 =	sadd.s32 s8, s9;
	s22 =	sadd.s32 s11, s5  }
0xc: {  	s12 =	smul.u32 $0x2710, s23;
	s25 =	sadd.s32 $0x2800, s22;
	[dreg:$0x6] =	wrdreg s22  }
0xd: {  	s4 =	ssub.s32 s4, s24;
	s26 =	sadd.s32 $0x5000, s22;
	[dreg:$0x7] =	wrdreg s25  }
0xe: {  	s15 =	smul.u32 $0x27100, s23;
	s11 =	sadd.s32 $0x7800, s22;
	[dreg:$0x8] =	wrdreg s26  }
0xf: {  	s9 =	smul.u32 $0x138800, s23;
	s23 =	smax.u32 s4, $0x1;
	[dreg:$0x9] =	wrdreg s11  }
0x10: {  	s0 =	sadd.s32 s8, s0;
	s24 =	sadd.s32 $0xA000, s22;
	[dreg:$0x17] =	wrdreg s23  }
0x11: {  	s29 =	sshrl.u32 s12, $0x3;
	s14 =	sadd.s32 $0x50, s12;
	[dreg:$0x18] =	wrdreg s24  }
0x12: {  	s17 =	sadd.s32 s2, s15;
	s18 =	sadd.s32 $0xF0, s12;
	[dreg:$0xb] =	wrdreg s14  }
0x13: {  	s19 =	sshrl.u32 s9, $0x3;
	s20 =	sadd.s32 $0x140, s12;
	[dreg:$0x11] =	wrdreg s17  }
0x14: {  	s21 =	sadd.s32 $0x190, s12;
	s0 =	sadd.s32 $0xB200, s0;
	[dreg:$0x12] =	wrdreg s18  }
0x15: {  	s25 =	sadd.s32 $0xC800, s22;
	s26 =	sadd.s32 $0xF000, s22;
	[dreg:$0x13] =	wrdreg s20  }
0x16: {  	s15 =	simm.s32 $0x4;
	s23 =	simm.s32 $0x1;
	[dreg:$0x14] =	wrdreg s21  }
0x17: {  	s24 =	simm.s32 $0x7;
	s9 =	simm.s32 $0x0;
	[dreg:$0x16] =	wrdreg s0  }
0x18: {  	s13 =	sadd.s32 s7, s29;
	s10 =	sshrl.u32 s14, $0x3;
	[dreg:$0x19] =	wrdreg s25  }
0x19: {  	s8 =	sadd.s32 s3, s29;
	[dreg:$0x1a] =	wrdreg s26;
	s29 =	sadd.s32 $0x11800, s22  }
0x1a: {  	s26 =	simm.s32 $0xE;
	s17 =	simm.s32 $0x5;
	s18 =	simm.s32 $0x16B00  }
0x1b: {  	s25 =	simm.s32 $0xD;
	s0 =	simm.s32 $0xA;
	[dreg:$0xa] =	wrdreg s13  }
0x1c: {  	s13 =	sadd.s32 $0xA0, s12;
	s14 =	sadd.s32 s7, s10;
	[dreg:$0xf] =	wrdreg s8  }
0x1d: {  	s16 =	sadd.s32 s3, s10;
	s8 =	sadd.s32 s2, s19;
	[dreg:$0x1b] =	wrdreg s29  }
0x1e: {  	s19 =	simm.s32 $0x1BB00;
	s10 =	simm.s32 $0x3;
	[dreg:$0xd] =	wrdreg s14  }
0x1f: {  	s12 =	simm.s32 $0x14080;
	[dreg:$0xc] =	wrdreg s13;
	s13 =	sshrl.u32 s13, $0x3  }
0x20: {  	[dreg:$0x10] =	wrdreg s16;
	s8 =	sadd.s32 $0x26C00, s8;
	s16 =	simm.s32 $0x50  }
0x21: {  	s14 =	simm.s32 $0xB;
	s13 =	sadd.s32 s7, s13;
	[dreg:$0x15] =	wrdreg s8  }
0x22: {  	v0 =	vimm.f32 $0.0e+00;
	s8 =	simm.s32 $0x8;
	[dreg:$0xe] =	wrdreg s13;
	s13 =	simm.s32 $0x9  }
.LBB2_1:
0x23: {  	s4 =	sand.u32 $0xFE00, s6  }
0x24: {  	[dreg:$0x1c] =	wrdreg s9;
	s29 =	sand.u32 $0x70, s6;
	s20 =	sshrl.u32 s4, $0x2  }
0x25: {  	s9 =	simm.s32 $0x0;
	s4 =	simm.s32 $0x40;
	s20 =	sor.u32 s29, s20  }
.LBB2_2:
0x26: {  	p0 =	sne.s32 s4, $0x9FC0  }
0x27: {  	[tilespmem:s20+$0x14300] =	vst v0;
	s9 =	sadd.s32 $0x10, s9;
	s20 =	smov.u32 s4;
	s4 =	sadd.s32 $0x40, s4  }
.Ltmp0:
0x28: {  	(pc) =	sbr.rel @p0 .LBB2_2-.Ltmp0, $4  }
0x29: {  	_ = 	snop  }
0x2a: {  	s20 =	sand.u32 $0xFE00, s20  }
0x2b: {  	s21 =	sand.u32 $0x70, s9;
	s20 =	sshrl.u32 s20, $0x2  }
0x2c: {  	s20 =	sor.u32 s21, s20  }
0x2d: {  	[tilespmem:s20+$0x14300] =	vst v0  }
0x2e: {  	[spmem:s22] =	stream.linear.scatter [tilespmem:s31], [sflag:$0xE], $0x2800, $0x38;
	[tilespmem:$0x1E300] =	vst v63  }
0x2f: {  	_ =	swait.ge [sflag:s26], $0x2800  }
0x30: {  	[sflag:s26] =	ssyncset.done $0x0  }
0x31: {  	s4 =	rddreg [dreg:$0x7];
	[sflag:s26] =	ssyncadd.s32 $0xFFFFD800  }
0x32: {  	[spmem:s4] =	stream.linear.scatter [tilespmem:s31], [sflag:$0xE], $0x2800, $0x38;
	[tilespmem:$0x1E300] =	vst v63  }
0x33: {  	_ =	swait.ge [sflag:s26], $0x2800  }
0x34: {  	[sflag:s26] =	ssyncset.done $0x0  }
0x35: {  	s29 =	rddreg [dreg:$0x8];
	[sflag:s26] =	ssyncadd.s32 $0xFFFFD800  }
0x36: {  	[spmem:s29] =	stream.linear.scatter [tilespmem:s31], [sflag:$0xE], $0x2800, $0x38;
	[tilespmem:$0x1E300] =	vst v63  }
0x37: {  	_ =	swait.ge [sflag:s26], $0x2800  }
0x38: {  	[sflag:s26] =	ssyncset.done $0x0  }
0x39: {  	s9 =	rddreg [dreg:$0x9];
	[sflag:s26] =	ssyncadd.s32 $0xFFFFD800  }
0x3a: {  	[spmem:s9] =	stream.linear.scatter [tilespmem:s31], [sflag:$0xE], $0x2800, $0x38;
	[tilespmem:$0x1E300] =	vst v63  }
0x3b: {  	_ =	swait.ge [sflag:s26], $0x2800  }
0x3c: {  	[sflag:s26] =	ssyncset.done $0x0  }
0x3d: {  	s11 =	rddreg [dreg:$0x18];
	[sflag:s26] =	ssyncadd.s32 $0xFFFFD800  }
0x3e: {  	[spmem:s11] =	stream.linear.scatter [tilespmem:s31], [sflag:$0xE], $0x2800, $0x38;
	[tilespmem:$0x1E300] =	vst v63  }
0x3f: {  	_ =	swait.ge [sflag:s26], $0x2800  }
0x40: {  	[sflag:s26] =	ssyncset.done $0x0  }
0x41: {  	s20 =	rddreg [dreg:$0x19];
	[sflag:s26] =	ssyncadd.s32 $0xFFFFD800  }
0x42: {  	[spmem:s20] =	stream.linear.scatter [tilespmem:s31], [sflag:$0xE], $0x2800, $0x38;
	[tilespmem:$0x1E300] =	vst v63  }
0x43: {  	_ =	swait.ge [sflag:s26], $0x2800  }
0x44: {  	[sflag:s26] =	ssyncset.done $0x0  }
0x45: {  	s21 =	rddreg [dreg:$0x1a];
	[sflag:s26] =	ssyncadd.s32 $0xFFFFD800  }
0x46: {  	[spmem:s21] =	stream.linear.scatter [tilespmem:s31], [sflag:$0xE], $0x2800, $0x38;
	[tilespmem:$0x1E300] =	vst v63  }
0x47: {  	_ =	swait.ge [sflag:s26], $0x2800  }
0x48: {  	[sflag:s26] =	ssyncset.done $0x0  }
0x49: {  	s22 =	rddreg [dreg:$0x1b];
	[sflag:s26] =	ssyncadd.s32 $0xFFFFD800  }
0x4a: {  	[spmem:s22] =	stream.linear.scatter [tilespmem:s31], [sflag:$0xE], $0x2800, $0x38;
	[tilespmem:$0x1E300] =	vst v63  }
0x4b: {  	_ =	swait.ge [sflag:s26], $0x2800  }
0x4c: {  	s9 =	simm.s32 $0x14000;
	[sflag:s26] =	ssyncset.done $0x0  }
0x4d: {  	s20 =	simm.s32 $0x0;
	s29 =	rddreg [dreg:$0xa];
	[sflag:s26] =	ssyncadd.s32 $0xFFFFD800  }
0x4e: {  	[tilespmem:s9], [sflag:$0x4] =	stream.linear.gather [hbm4b:s29+s20], $0x50, $0x38;
	[tilespmem:$0x1E300] =	vst v63  }
0x4f: {  	s21 =	simm.s32 $0x14080;
	s11 =	rddreg [dreg:$0xd]  }
0x50: {  	[tilespmem:s21], [sflag:$0x5] =	stream.linear.gather [hbm4b:s11+s20], $0x50, $0x38;
	[tilespmem:$0x1E300] =	vst v63  }
0x51: {  	s22 =	rddreg [dreg:$0xe];
	s11 =	simm.s32 $0x14100  }
0x52: {  	[tilespmem:s11], [sflag:$0x6] =	stream.linear.gather [hbm4b:s22+s20], $0x50, $0x38;
	[tilespmem:$0x1E300] =	vst v63  }
0x53: {  	s26 =	rddreg [dreg:$0xf];
	s29 =	simm.s32 $0x14180  }
0x54: {  	[tilespmem:s29], [sflag:$0x7] =	stream.linear.gather [hbm4b:s26+s20], $0x50, $0x38;
	[tilespmem:$0x1E300] =	vst v63  }
0x55: {  	s22 =	rddreg [dreg:$0x10];
	s26 =	simm.s32 $0x14200  }
0x56: {  	[tilespmem:s26], [sflag:$0x8] =	stream.linear.gather [hbm4b:s22+s20], $0x50, $0x38;
	[tilespmem:$0x1E300] =	vst v63  }
0x57: {  	_ =	swait.ge [sflag:s15], $0x50  }
0x58: {  	[sflag:s15] =	ssyncset.done $0x0  }
0x59: {  	[sflag:s15] =	ssyncadd.s32 $0xFFFFFFB0  }
0x5a: {  	[tilespmem:s31], [sflag:$0x1] =	stream.indirect.gather [hbm4b:s1+s16], $0x80, s9, s16, $0xb8;
	[tilespmem:$0x1E300] =	vst v63  }
0x5b: {  	_ =	swait.ge [sflag:s17], $0x50  }
0x5c: {  	[sflag:s17] =	ssyncset.done $0x0  }
0x5d: {  	[sflag:s17] =	ssyncadd.s32 $0xFFFFFFB0  }
0x5e: {  	[tilespmem:s18], [sflag:$0x2] =	stream.indirect.gather [hbm4b:s1+s16], $0x80, s21, s16, $0xb8;
	[tilespmem:$0x1E300] =	vst v63  }
0x5f: {  	s29 =	rddreg [dreg:$0x11]  }
0x60: {  	[tilespmem:s19], [sflag:$0xD] =	stream.linear.gather [hbm4b:s29+s20], $0x2800, $0x38;
	[tilespmem:$0x1E300] =	vst v63  }
0x61: {  	s11 =	simm.s32 $0x14000;
	[bflag:$0x0] =	sbarrier.arrive $0xFFFF  }
.LBB2_4:
0x62: {  	_ =	swait.ge [sflag:s23], $0x2800  }
0x63: {  	[sflag:s23] =	ssyncset.done $0x0  }
0x64: {  	[sflag:s23] =	ssyncadd.s32 $0xFFFFD800  }
0x65: {  	_ =	swait.ge [sflag:s24], $0x50  }
0x66: {  	[sflag:s24] =	ssyncset.done $0x0  }
0x67: {  	[sflag:s24] =	ssyncadd.s32 $0xFFFFFFB0  }
0x68: {  	_ =	swait.ge [sflag:s25], $0x2800  }
0x69: {  	[sflag:s25] =	ssyncset.done $0x0  }
0x6a: {  	s22 =	simm.s32 $0x0;
	s4 =	simm.s32 $0x200;
	[sflag:s25] =	ssyncadd.s32 $0xFFFFD800  }
.LBB2_5:
0x6b: {  	p0 =	sne.s32 s4, $0x9E00;
	v1 =	vld [tilespmem:s22+$0x1BB70]  }
0x6c: {  	v2 =	vld [tilespmem:s22+$0x1BB00]  }
0x6d: {  	v3 =	vld [tilespmem:s22+$0x1BB10]  }
0x6e: {  	v4 =	vld [tilespmem:s22+$0x1BB20]  }
0x6f: {  	v5 =	vld [tilespmem:s22+$0x1BB30]  }
0x70: {  	[tilespmem:s22+$0x14370] =	vst.add.f32.msk $0xffff, v1  }
0x71: {  	v1 =	vld [tilespmem:s22+$0x1BB40]  }
0x72: {  	v6 =	vld [tilespmem:s22+$0x1BB50]  }
0x73: {  	v7 =	vld [tilespmem:s22+$0x1BB60]  }
0x74: {  	[tilespmem:s22+$0x14300] =	vst.add.f32.msk $0xffff, v2  }
0x75: {  	[tilespmem:s22+$0x14310] =	vst.add.f32.msk $0xffff, v3  }
.Ltmp1:
0x76: {  	[tilespmem:s22+$0x14320] =	vst.add.f32.msk $0xffff, v4;
	(pc) =	sbr.rel @p0 .LBB2_5-.Ltmp1, $4  }
0x77: {  	[tilespmem:s22+$0x14330] =	vst.add.f32.msk $0xffff, v5  }
0x78: {  	[tilespmem:s22+$0x14340] =	vst.add.f32.msk $0xffff, v1  }
0x79: {  	[tilespmem:s22+$0x14350] =	vst.add.f32.msk $0xffff, v6  }
0x7a: {  	[tilespmem:s22+$0x14360] =	vst.add.f32.msk $0xffff, v7;
	s22 =	sshra.s32 s4, $0x2;
	s4 =	sadd.s32 $0x200, s4  }
0x7b: {  	v1 =	vld [tilespmem:s22+$0x1BB70]  }
0x7c: {  	v2 =	vld [tilespmem:s22+$0x1BB00]  }
0x7d: {  	v3 =	vld [tilespmem:s22+$0x1BB10]  }
0x7e: {  	v4 =	vld [tilespmem:s22+$0x1BB20]  }
0x7f: {  	v5 =	vld [tilespmem:s22+$0x1BB30]  }
0x80: {  	v6 =	vld [tilespmem:s22+$0x1BB50]  }
0x81: {  	v7 =	vld [tilespmem:s22+$0x1BB60]  }
0x82: {  	[tilespmem:s22+$0x14370] =	vst.add.f32.msk $0xffff, v1  }
0x83: {  	v1 =	vld [tilespmem:s22+$0x1BB40]  }
0x84: {  	[tilespmem:s22+$0x14300] =	vst.add.f32.msk $0xffff, v2  }
0x85: {  	[tilespmem:s22+$0x14310] =	vst.add.f32.msk $0xffff, v3  }
0x86: {  	s21 =	smul.u32 $0xF0, s20;
	[tilespmem:s22+$0x14320] =	vst.add.f32.msk $0xffff, v4  }
0x87: {  	s4 =	rddreg [dreg:$0xb];
	[tilespmem:s22+$0x14330] =	vst.add.f32.msk $0xffff, v5  }
0x88: {  	s4 =	sadd.s32 s21, s4;
	[tilespmem:s22+$0x14350] =	vst.add.f32.msk $0xffff, v6  }
0x89: {  	s4 =	sshll.u32 s4, $0x4;
	[tilespmem:s22+$0x14360] =	vst.add.f32.msk $0xffff, v7  }
0x8a: {  	p0 =	seq.s32 s20, $0x0;
	s4 =	sadd.s32 s2, s4;
	[tilespmem:s22+$0x14340] =	vst.add.f32.msk $0xffff, v1  }
0x8b: {  	[tilespmem:s19], [sflag:$0xD] =	stream.linear.gather [hbm4b:s4+s6], $0x2800, $0x38;
	[tilespmem:$0x1E300] =	vst v63  }
0x8c: {  	s4 =	simm.s32 @!p0 $0xC  }
0x8d: {  	_ =	swait.ge @!p0 [sflag:s4], $0x2800  }
0x8e: {  	[sflag:s4] =	ssyncset.done @!p0 $0x0;
	s9 =	rddreg [dreg:$0x12]  }
0x8f: {  	s26 =	simm.s32 $0x14180;
	[sflag:s4] =	ssyncadd.s32 @!p0 $0xFFFFD800;
	s22 =	sadd.s32 s21, s9  }
0x90: {  	[spmem:s5] =	stream.indirect.scatter.add.f32 [tilespmem:s31], [sflag:$0xA], $0x80, s26, s16, $0xb8;
	[tilespmem:$0x1E300] =	vst v63  }
0x91: {  	s26 =	sshrl.u32 s22, $0x3  }
0x92: {  	s9 =	simm.s32 $0x0;
	s18 =	sadd.s32 s7, s26  }
0x93: {  	[tilespmem:s11], [sflag:$0x4] =	stream.linear.gather [hbm4b:s18+s9], $0x50, $0x38;
	[tilespmem:$0x1E300] =	vst v63  }
0x94: {  	s18 =	rddreg [dreg:$0xc]  }
0x95: {  	s29 =	sadd.s32 s21, s18  }
0x96: {  	s4 =	sshrl.u32 s29, $0x3  }
0x97: {  	s18 =	simm.s32 $0x14280;
	s4 =	sadd.s32 s3, s4  }
0x98: {  	[tilespmem:s18], [sflag:$0x9] =	stream.linear.gather [hbm4b:s4+s9], $0x50, $0x38;
	[tilespmem:$0x1E300] =	vst v63  }
0x99: {  	_ =	swait.ge [sflag:s28], $0x50  }
0x9a: {  	[sflag:s28] =	ssyncset.done $0x0  }
0x9b: {  	s9 =	simm.s32 $0x14100;
	s18 =	simm.s32 $0x19300;
	[sflag:s28] =	ssyncadd.s32 $0xFFFFFFB0  }
0x9c: {  	[tilespmem:s18], [sflag:$0x3] =	stream.indirect.gather [hbm4b:s1+s16], $0x80, s9, s16, $0xb8;
	[tilespmem:$0x1E300] =	vst v63  }
0x9d: {  	_ =	swait.ge [sflag:s30], $0x2800  }
0x9e: {  	[sflag:s30] =	ssyncset.done $0x0  }
0x9f: {  	[sflag:s30] =	ssyncadd.s32 $0xFFFFD800  }
0xa0: {  	_ =	swait.ge [sflag:s8], $0x50  }
0xa1: {  	[sflag:s8] =	ssyncset.done $0x0  }
0xa2: {  	[sflag:s8] =	ssyncadd.s32 $0xFFFFFFB0  }
0xa3: {  	_ =	swait.ge [sflag:s25], $0x2800  }
0xa4: {  	[sflag:s25] =	ssyncset.done $0x0  }
0xa5: {  	s4 =	simm.s32 $0x0;
	s9 =	simm.s32 $0x200;
	[sflag:s25] =	ssyncadd.s32 $0xFFFFD800  }
.LBB2_7:
0xa6: {  	p0 =	sne.s32 s9, $0x9E00;
	v1 =	vld [tilespmem:s4+$0x1BB70]  }
0xa7: {  	v2 =	vld [tilespmem:s4+$0x1BB00]  }
0xa8: {  	v3 =	vld [tilespmem:s4+$0x1BB10]  }
0xa9: {  	v4 =	vld [tilespmem:s4+$0x1BB20]  }
0xaa: {  	v5 =	vld [tilespmem:s4+$0x1BB30]  }
0xab: {  	[tilespmem:s4+$0x16B70] =	vst.add.f32.msk $0xffff, v1  }
0xac: {  	v1 =	vld [tilespmem:s4+$0x1BB40]  }
0xad: {  	v6 =	vld [tilespmem:s4+$0x1BB50]  }
0xae: {  	v7 =	vld [tilespmem:s4+$0x1BB60]  }
0xaf: {  	[tilespmem:s4+$0x16B00] =	vst.add.f32.msk $0xffff, v2  }
0xb0: {  	[tilespmem:s4+$0x16B10] =	vst.add.f32.msk $0xffff, v3  }
.Ltmp2:
0xb1: {  	[tilespmem:s4+$0x16B20] =	vst.add.f32.msk $0xffff, v4;
	(pc) =	sbr.rel @p0 .LBB2_7-.Ltmp2, $4  }
0xb2: {  	[tilespmem:s4+$0x16B30] =	vst.add.f32.msk $0xffff, v5  }
0xb3: {  	[tilespmem:s4+$0x16B40] =	vst.add.f32.msk $0xffff, v1  }
0xb4: {  	[tilespmem:s4+$0x16B50] =	vst.add.f32.msk $0xffff, v6  }
0xb5: {  	[tilespmem:s4+$0x16B60] =	vst.add.f32.msk $0xffff, v7;
	s4 =	sshra.s32 s9, $0x2;
	s9 =	sadd.s32 $0x200, s9  }
0xb6: {  	v1 =	vld [tilespmem:s4+$0x1BB70]  }
0xb7: {  	v2 =	vld [tilespmem:s4+$0x1BB00]  }
0xb8: {  	v3 =	vld [tilespmem:s4+$0x1BB10]  }
0xb9: {  	v4 =	vld [tilespmem:s4+$0x1BB20]  }
0xba: {  	v5 =	vld [tilespmem:s4+$0x1BB30]  }
0xbb: {  	v6 =	vld [tilespmem:s4+$0x1BB50]  }
0xbc: {  	v7 =	vld [tilespmem:s4+$0x1BB60]  }
0xbd: {  	[tilespmem:s4+$0x16B70] =	vst.add.f32.msk $0xffff, v1  }
0xbe: {  	v1 =	vld [tilespmem:s4+$0x1BB40]  }
0xbf: {  	[tilespmem:s4+$0x16B00] =	vst.add.f32.msk $0xffff, v2  }
0xc0: {  	[tilespmem:s4+$0x16B10] =	vst.add.f32.msk $0xffff, v3  }
0xc1: {  	[tilespmem:s4+$0x16B20] =	vst.add.f32.msk $0xffff, v4  }
0xc2: {  	[tilespmem:s4+$0x16B30] =	vst.add.f32.msk $0xffff, v5  }
0xc3: {  	[tilespmem:s4+$0x16B50] =	vst.add.f32.msk $0xffff, v6  }
0xc4: {  	s9 =	sshll.u32 s29, $0x4;
	[tilespmem:s4+$0x16B60] =	vst.add.f32.msk $0xffff, v7  }
0xc5: {  	s18 =	sadd.s32 s2, s9;
	s9 =	simm.s32 $0x0;
	[tilespmem:s4+$0x16B40] =	vst.add.f32.msk $0xffff, v1  }
0xc6: {  	[tilespmem:s19], [sflag:$0xD] =	stream.linear.gather [hbm4b:s18+s9], $0x2800, $0x38;
	[tilespmem:$0x1E300] =	vst v63  }
0xc7: {  	_ =	swait.ge [sflag:s0], $0x2800  }
0xc8: {  	[sflag:s0] =	ssyncset.done $0x0  }
0xc9: {  	s4 =	simm.s32 $0x14200;
	s18 =	simm.s32 $0x16B00;
	[sflag:s0] =	ssyncadd.s32 $0xFFFFD800  }
0xca: {  	[spmem:s5] =	stream.indirect.scatter.add.f32 [tilespmem:s18], [sflag:$0xB], $0x80, s4, s16, $0xb8;
	[tilespmem:$0x1E300] =	vst v63  }
0xcb: {  	s4 =	rddreg [dreg:$0x13]  }
0xcc: {  	s4 =	sadd.s32 s21, s4  }
0xcd: {  	s29 =	sshrl.u32 s4, $0x3  }
0xce: {  	s4 =	sadd.s32 s7, s29  }
0xcf: {  	[tilespmem:s12], [sflag:$0x5] =	stream.linear.gather [hbm4b:s4+s9], $0x50, $0x38;
	[tilespmem:$0x1E300] =	vst v63  }
0xd0: {  	s4 =	sadd.s32 s3, s26;
	s26 =	simm.s32 $0x14180  }
0xd1: {  	[tilespmem:s26], [sflag:$0x7] =	stream.linear.gather [hbm4b:s4+s9], $0x50, $0x38;
	[tilespmem:$0x1E300] =	vst v63  }
0xd2: {  	_ =	swait.ge [sflag:s15], $0x50  }
0xd3: {  	[sflag:s15] =	ssyncset.done $0x0  }
0xd4: {  	[sflag:s15] =	ssyncadd.s32 $0xFFFFFFB0  }
0xd5: {  	[tilespmem:s31], [sflag:$0x1] =	stream.indirect.gather [hbm4b:s1+s16], $0x80, s11, s16, $0xb8;
	[tilespmem:$0x1E300] =	vst v63  }
0xd6: {  	_ =	swait.ge [sflag:s10], $0x2800  }
0xd7: {  	[sflag:s10] =	ssyncset.done $0x0  }
0xd8: {  	[sflag:s10] =	ssyncadd.s32 $0xFFFFD800  }
0xd9: {  	_ =	swait.ge [sflag:s13], $0x50  }
0xda: {  	[sflag:s13] =	ssyncset.done $0x0  }
0xdb: {  	[sflag:s13] =	ssyncadd.s32 $0xFFFFFFB0  }
0xdc: {  	_ =	swait.ge [sflag:s25], $0x2800  }
0xdd: {  	[sflag:s25] =	ssyncset.done $0x0  }
0xde: {  	s4 =	simm.s32 $0x0;
	s9 =	simm.s32 $0x200;
	[sflag:s25] =	ssyncadd.s32 $0xFFFFD800  }
.LBB2_9:
0xdf: {  	p0 =	sne.s32 s9, $0x9E00;
	v1 =	vld [tilespmem:s4+$0x1BB70]  }
0xe0: {  	v2 =	vld [tilespmem:s4+$0x1BB00]  }
0xe1: {  	v3 =	vld [tilespmem:s4+$0x1BB10]  }
0xe2: {  	v4 =	vld [tilespmem:s4+$0x1BB20]  }
0xe3: {  	v5 =	vld [tilespmem:s4+$0x1BB30]  }
0xe4: {  	[tilespmem:s4+$0x19370] =	vst.add.f32.msk $0xffff, v1  }
0xe5: {  	v1 =	vld [tilespmem:s4+$0x1BB40]  }
0xe6: {  	v6 =	vld [tilespmem:s4+$0x1BB50]  }
0xe7: {  	v7 =	vld [tilespmem:s4+$0x1BB60]  }
0xe8: {  	[tilespmem:s4+$0x19300] =	vst.add.f32.msk $0xffff, v2  }
0xe9: {  	[tilespmem:s4+$0x19310] =	vst.add.f32.msk $0xffff, v3  }
.Ltmp3:
0xea: {  	[tilespmem:s4+$0x19320] =	vst.add.f32.msk $0xffff, v4;
	(pc) =	sbr.rel @p0 .LBB2_9-.Ltmp3, $4  }
0xeb: {  	[tilespmem:s4+$0x19330] =	vst.add.f32.msk $0xffff, v5  }
0xec: {  	[tilespmem:s4+$0x19340] =	vst.add.f32.msk $0xffff, v1  }
0xed: {  	[tilespmem:s4+$0x19350] =	vst.add.f32.msk $0xffff, v6  }
0xee: {  	[tilespmem:s4+$0x19360] =	vst.add.f32.msk $0xffff, v7;
	s4 =	sshra.s32 s9, $0x2;
	s9 =	sadd.s32 $0x200, s9  }
0xef: {  	v1 =	vld [tilespmem:s4+$0x1BB70]  }
0xf0: {  	v2 =	vld [tilespmem:s4+$0x1BB00]  }
0xf1: {  	v3 =	vld [tilespmem:s4+$0x1BB10]  }
0xf2: {  	v4 =	vld [tilespmem:s4+$0x1BB20]  }
0xf3: {  	v5 =	vld [tilespmem:s4+$0x1BB30]  }
0xf4: {  	v6 =	vld [tilespmem:s4+$0x1BB50]  }
0xf5: {  	v7 =	vld [tilespmem:s4+$0x1BB60]  }
0xf6: {  	[tilespmem:s4+$0x19370] =	vst.add.f32.msk $0xffff, v1  }
0xf7: {  	v1 =	vld [tilespmem:s4+$0x1BB40]  }
0xf8: {  	[tilespmem:s4+$0x19300] =	vst.add.f32.msk $0xffff, v2  }
0xf9: {  	[tilespmem:s4+$0x19310] =	vst.add.f32.msk $0xffff, v3  }
0xfa: {  	[tilespmem:s4+$0x19320] =	vst.add.f32.msk $0xffff, v4  }
0xfb: {  	[tilespmem:s4+$0x19330] =	vst.add.f32.msk $0xffff, v5  }
0xfc: {  	[tilespmem:s4+$0x19350] =	vst.add.f32.msk $0xffff, v6  }
0xfd: {  	s9 =	sshll.u32 s22, $0x4;
	[tilespmem:s4+$0x19360] =	vst.add.f32.msk $0xffff, v7  }
0xfe: {  	s26 =	sadd.s32 s2, s9;
	[tilespmem:s4+$0x19340] =	vst.add.f32.msk $0xffff, v1  }
0xff: {  	[tilespmem:s19], [sflag:$0xD] =	stream.linear.gather [hbm4b:s26+s6], $0x2800, $0x38;
	[tilespmem:$0x1E300] =	vst v63  }
0x100: {  	s22 =	simm.s32 $0x19300;
	_ =	swait.ge [sflag:s14], $0x2800  }
0x101: {  	p0 =	seq.s32 s20, $0x28;
	[sflag:s14] =	ssyncset.done $0x0;
	s4 =	rddreg [dreg:$0x14]  }
0x102: {  	s9 =	simm.s32 $0x14280;
	[sflag:s14] =	ssyncadd.s32 $0xFFFFD800;
	s4 =	sadd.s32 @!p0 s21, s4  }
0x103: {  	[spmem:s5] =	stream.indirect.scatter.add.f32 [tilespmem:s22], [sflag:$0xC], $0x80, s9, s16, $0xb8;
	[tilespmem:$0x1E300] =	vst v63  }
0x104: {  	s20 =	sadd.s32 $0x1, s20;
	s4 =	sshrl.u32 @!p0 s4, $0x3  }
0x105: {  	s21 =	simm.s32 @!p0 $0x14100;
	s9 =	simm.s32 @!p0 $0x0;
	s4 =	sadd.s32 @!p0 s7, s4  }
0x106: {  	[tilespmem:s21], [sflag:$0x6] =	stream.linear.gather @!p0 [hbm4b:s4+s9], $0x50, $0x38;
	[tilespmem:$0x1E300] =	vst v63  }
0x107: {  	s26 =	sadd.s32 s3, s29;
	s29 =	simm.s32 $0x14200;
	p0 =	sne.s32 s20, $0x29  }
0x108: {  	[tilespmem:s29], [sflag:$0x8] =	stream.linear.gather [hbm4b:s26+s6], $0x50, $0x38;
	[tilespmem:$0x1E300] =	vst v63  }
.Ltmp4:
0x109: {  	_ = 	snop;
	(pc) =	sbr.rel @p0 .LBB2_4-.Ltmp4, $4  }
0x10a: {  	_ =	swait.ge [sflag:s17], $0x50  }
0x10b: {  	[sflag:s17] =	ssyncset.done $0x0  }
0x10c: {  	[sflag:s17] =	ssyncadd.s32 $0xFFFFFFB0  }
0x10d: {  	[tilespmem:s18], [sflag:$0x2] =	stream.indirect.gather [hbm4b:s1+s16], $0x80, s12, s16, $0xb8;
	[tilespmem:$0x1E300] =	vst v63  }
0x10e: {  	_ =	swait.ge [sflag:s23], $0x2800  }
0x10f: {  	[sflag:s23] =	ssyncset.done $0x0  }
0x110: {  	[sflag:s23] =	ssyncadd.s32 $0xFFFFD800  }
0x111: {  	_ =	swait.ge [sflag:s24], $0x50  }
0x112: {  	[sflag:s24] =	ssyncset.done $0x0  }
0x113: {  	[sflag:s24] =	ssyncadd.s32 $0xFFFFFFB0  }
0x114: {  	_ =	swait.ge [sflag:s25], $0x2800  }
0x115: {  	[sflag:s25] =	ssyncset.done $0x0  }
0x116: {  	s4 =	simm.s32 $0x0;
	s9 =	simm.s32 $0x200;
	[sflag:s25] =	ssyncadd.s32 $0xFFFFD800  }
.LBB2_12:
0x117: {  	p0 =	sne.s32 s9, $0x9E00;
	v1 =	vld [tilespmem:s4+$0x1BB70]  }
0x118: {  	v2 =	vld [tilespmem:s4+$0x1BB00]  }
0x119: {  	v3 =	vld [tilespmem:s4+$0x1BB10]  }
0x11a: {  	v4 =	vld [tilespmem:s4+$0x1BB20]  }
0x11b: {  	v5 =	vld [tilespmem:s4+$0x1BB30]  }
0x11c: {  	[tilespmem:s4+$0x14370] =	vst.add.f32.msk $0xffff, v1  }
0x11d: {  	v1 =	vld [tilespmem:s4+$0x1BB40]  }
0x11e: {  	v6 =	vld [tilespmem:s4+$0x1BB50]  }
0x11f: {  	v7 =	vld [tilespmem:s4+$0x1BB60]  }
0x120: {  	[tilespmem:s4+$0x14300] =	vst.add.f32.msk $0xffff, v2  }
0x121: {  	[tilespmem:s4+$0x14310] =	vst.add.f32.msk $0xffff, v3  }
.Ltmp5:
0x122: {  	[tilespmem:s4+$0x14320] =	vst.add.f32.msk $0xffff, v4;
	(pc) =	sbr.rel @p0 .LBB2_12-.Ltmp5, $4  }
0x123: {  	[tilespmem:s4+$0x14330] =	vst.add.f32.msk $0xffff, v5  }
0x124: {  	[tilespmem:s4+$0x14340] =	vst.add.f32.msk $0xffff, v1  }
0x125: {  	[tilespmem:s4+$0x14350] =	vst.add.f32.msk $0xffff, v6  }
0x126: {  	[tilespmem:s4+$0x14360] =	vst.add.f32.msk $0xffff, v7;
	s4 =	sshra.s32 s9, $0x2;
	s9 =	sadd.s32 $0x200, s9  }
0x127: {  	v1 =	vld [tilespmem:s4+$0x1BB70]  }
0x128: {  	v2 =	vld [tilespmem:s4+$0x1BB00]  }
0x129: {  	v3 =	vld [tilespmem:s4+$0x1BB10]  }
0x12a: {  	v4 =	vld [tilespmem:s4+$0x1BB20]  }
0x12b: {  	v5 =	vld [tilespmem:s4+$0x1BB30]  }
0x12c: {  	v6 =	vld [tilespmem:s4+$0x1BB50]  }
0x12d: {  	v7 =	vld [tilespmem:s4+$0x1BB60]  }
0x12e: {  	[tilespmem:s4+$0x14370] =	vst.add.f32.msk $0xffff, v1  }
0x12f: {  	v1 =	vld [tilespmem:s4+$0x1BB40]  }
0x130: {  	[tilespmem:s4+$0x14300] =	vst.add.f32.msk $0xffff, v2  }
0x131: {  	[tilespmem:s4+$0x14310] =	vst.add.f32.msk $0xffff, v3  }
0x132: {  	[tilespmem:s4+$0x14320] =	vst.add.f32.msk $0xffff, v4  }
0x133: {  	[tilespmem:s4+$0x14330] =	vst.add.f32.msk $0xffff, v5  }
0x134: {  	[tilespmem:s4+$0x14350] =	vst.add.f32.msk $0xffff, v6  }
0x135: {  	[tilespmem:s4+$0x14360] =	vst.add.f32.msk $0xffff, v7  }
0x136: {  	s22 =	simm.s32 $0x0;
	s9 =	rddreg [dreg:$0x15];
	s26 =	simm.s32 $0xC;
	[tilespmem:s4+$0x14340] =	vst.add.f32.msk $0xffff, v1  }
0x137: {  	[tilespmem:s19], [sflag:$0xD] =	stream.linear.gather [hbm4b:s9+s22], $0x2800, $0x38;
	[tilespmem:$0x1E300] =	vst v63  }
0x138: {  	_ =	swait.ge [sflag:s26], $0x2800  }
0x139: {  	[sflag:s26] =	ssyncset.done $0x0  }
0x13a: {  	s29 =	simm.s32 $0x14180;
	[sflag:s26] =	ssyncadd.s32 $0xFFFFD800  }
0x13b: {  	[spmem:s5] =	stream.indirect.scatter.add.f32 [tilespmem:s31], [sflag:$0xA], $0x80, s29, s16, $0xb8;
	[tilespmem:$0x1E300] =	vst v63  }
0x13c: {  	_ =	swait.ge [sflag:s30], $0x2800  }
0x13d: {  	[sflag:s30] =	ssyncset.done $0x0  }
0x13e: {  	[sflag:s30] =	ssyncadd.s32 $0xFFFFD800  }
0x13f: {  	_ =	swait.ge [sflag:s8], $0x50  }
0x140: {  	[sflag:s8] =	ssyncset.done $0x0  }
0x141: {  	[sflag:s8] =	ssyncadd.s32 $0xFFFFFFB0  }
0x142: {  	_ =	swait.ge [sflag:s25], $0x2800  }
0x143: {  	s4 =	simm.s32 $0x0;
	s9 =	simm.s32 $0x200;
	[sflag:s25] =	ssyncset.done $0x0  }
0x144: {  	s26 =	simm.s32 $0xE;
	s22 =	rddreg [dreg:$0x6];
	[sflag:s25] =	ssyncadd.s32 $0xFFFFD800  }
.LBB2_14:
0x145: {  	p0 =	sne.s32 s9, $0x9E00;
	v1 =	vld [tilespmem:s4+$0x1BB70]  }
0x146: {  	v2 =	vld [tilespmem:s4+$0x1BB00]  }
0x147: {  	v3 =	vld [tilespmem:s4+$0x1BB10]  }
0x148: {  	v4 =	vld [tilespmem:s4+$0x1BB20]  }
0x149: {  	v5 =	vld [tilespmem:s4+$0x1BB30]  }
0x14a: {  	[tilespmem:s4+$0x16B70] =	vst.add.f32.msk $0xffff, v1  }
0x14b: {  	v1 =	vld [tilespmem:s4+$0x1BB40]  }
0x14c: {  	v6 =	vld [tilespmem:s4+$0x1BB50]  }
0x14d: {  	v7 =	vld [tilespmem:s4+$0x1BB60]  }
0x14e: {  	[tilespmem:s4+$0x16B00] =	vst.add.f32.msk $0xffff, v2  }
0x14f: {  	[tilespmem:s4+$0x16B10] =	vst.add.f32.msk $0xffff, v3  }
.Ltmp6:
0x150: {  	[tilespmem:s4+$0x16B20] =	vst.add.f32.msk $0xffff, v4;
	(pc) =	sbr.rel @p0 .LBB2_14-.Ltmp6, $4  }
0x151: {  	[tilespmem:s4+$0x16B30] =	vst.add.f32.msk $0xffff, v5  }
0x152: {  	[tilespmem:s4+$0x16B40] =	vst.add.f32.msk $0xffff, v1  }
0x153: {  	[tilespmem:s4+$0x16B50] =	vst.add.f32.msk $0xffff, v6  }
0x154: {  	[tilespmem:s4+$0x16B60] =	vst.add.f32.msk $0xffff, v7;
	s4 =	sshra.s32 s9, $0x2;
	s9 =	sadd.s32 $0x200, s9  }
0x155: {  	v1 =	vld [tilespmem:s4+$0x1BB70]  }
0x156: {  	v2 =	vld [tilespmem:s4+$0x1BB00]  }
0x157: {  	v3 =	vld [tilespmem:s4+$0x1BB10]  }
0x158: {  	v4 =	vld [tilespmem:s4+$0x1BB20]  }
0x159: {  	v5 =	vld [tilespmem:s4+$0x1BB30]  }
0x15a: {  	v6 =	vld [tilespmem:s4+$0x1BB50]  }
0x15b: {  	v7 =	vld [tilespmem:s4+$0x1BB60]  }
0x15c: {  	[tilespmem:s4+$0x16B70] =	vst.add.f32.msk $0xffff, v1  }
0x15d: {  	v1 =	vld [tilespmem:s4+$0x1BB40]  }
0x15e: {  	[tilespmem:s4+$0x16B00] =	vst.add.f32.msk $0xffff, v2  }
0x15f: {  	[tilespmem:s4+$0x16B10] =	vst.add.f32.msk $0xffff, v3  }
0x160: {  	[tilespmem:s4+$0x16B20] =	vst.add.f32.msk $0xffff, v4  }
0x161: {  	[tilespmem:s4+$0x16B30] =	vst.add.f32.msk $0xffff, v5  }
0x162: {  	[tilespmem:s4+$0x16B50] =	vst.add.f32.msk $0xffff, v6  }
0x163: {  	[tilespmem:s4+$0x16B60] =	vst.add.f32.msk $0xffff, v7  }
0x164: {  	[tilespmem:s4+$0x16B40] =	vst.add.f32.msk $0xffff, v1  }
0x165: {  	_ =	swait.ge [sflag:s0], $0x2800  }
0x166: {  	[sflag:s0] =	ssyncset.done $0x0  }
0x167: {  	s11 =	simm.s32 $0x14200;
	[sflag:s0] =	ssyncadd.s32 $0xFFFFD800  }
0x168: {  	[spmem:s5] =	stream.indirect.scatter.add.f32 [tilespmem:s18], [sflag:$0xB], $0x80, s11, s16, $0xb8;
	[tilespmem:$0x1E300] =	vst v63  }
0x169: {  	_ =	swait.ge [sflag:s14], $0x2800  }
0x16a: {  	[sflag:s14] =	ssyncset.done $0x0  }
0x16b: {  	s20 =	stileid.u32;
	[sflag:s14] =	ssyncadd.s32 $0xFFFFD800  }
0x16c: {  	s4 =	sshll.u32 s20, $0x6;
	[bflag:$0x0] =	sbarrier.arrive $0xFFFF  }
0x16d: {  	s9 =	sshrl.u32 s22, $0x3;
	s4 =	sor.u32 $0x1C0E, s4;
	s20 =	rddreg [dreg:$0x16]  }
0x16e: {  	[hbm:s20], [sflag:s4] =	dma.local [spmem:s9], $0x2800  }
0x16f: {  	_ =	swait.ge [sflag:s26], $0x2800  }
0x170: {  	s21 =	rddreg [dreg:$0x1c]  }
0x171: {  	s29 =	rddreg [dreg:$0x17];
	s9 =	sadd.s32 $0x1, s21  }
0x172: {  	p0 =	sne.s32 s9, s29  }
.Ltmp7:
0x173: {  	_ = 	snop;
	(pc) =	sbr.rel @p0 .LBB2_1-.Ltmp7, $3  }
0x174: {  	_ =	sdelay $0x1  }
0x175: {  	[sflag:s26] =	ssyncset.done $0x0  }
0x176: {  	[sflag:s26] =	ssyncadd.s32 $0xFFFFD800  }
0x177: {  	_ =	sfence.sel $0x180000  }
0x178: {  	[bflag:$0x0] =	sbarrier.arrive $0xFFFF  }
0x179: {  	_ =	strace $0x90000047  }
0x17a: {  	s0 =	stileid.u32;
	[bflag:$0x2] =	sbarrier.arrive $0xFFFF  }
0x17b: {  	p0 =	sne.s32 s0, $0x0;
	s0 =	rddreg [dreg:$0x5]  }
0x17c: {  	s0 =	sadd.s32 @!p0 $0x100000, s0  }
0x17d: {  	[sflag:s0] =	ssyncadd.tile.s32 @!p0 $0x1;
	_ =	shalt  }
.Lfunc_end2:
_tile_overlayer_lowered:
.L_overlay_start_2:
0x17e: {  	(tag) =	ssettag $0x2  }
0x17f: {  	s0 =	rddreg [dreg:$0x0];
	s2 =	stileid.u32  }
0x180: {  	s1 =	rddreg [dreg:$0x1];
	p0 =	sne.s32 s2, $0x0  }
0x181: {  	s3 =	rddreg [dreg:$0x2];
	[bflag:$0x3] =	sbarrier.arrive $0xFFFF;
	s2 =	simm.s32 @!p0 $0x1C0E  }
0x182: {  	[timem:s3], [sflag:s2] =	dma.local @!p0 [hbm:s0], s1  }
0x183: {  	s0 =	simm.s32 @!p0 $0xE  }
0x184: {  	_ =	swait.ge @!p0 [sflag:s0], s1  }
0x185: {  	s1 =	ssub.s32 @!p0 $0x0, s1;
	[sflag:s0] =	ssyncset.done @!p0 $0x0  }
0x186: {  	[sflag:s0] =	ssyncadd.s32 @!p0 s1  }
0x187: {  	[bflag:$0x3] =	sbarrier.arrive $0xFFFF  }
0x188: {  	_ =	shalt  }

</sc_bundles>
